<compile_context>
chip_gen: v7x
topology: tpu7x:2x2x1
jax: 0.10.2.dev20260603
libtpu: 0.0.44.dev20260713+nightly
codegen_flags: <defaults>
</compile_context>

<pallas_src>
import functools

import jax
import jax.numpy as jnp
from jax import lax
from jax.experimental import pallas as pl
from jax.experimental.pallas import tpu as pltpu
from jax.experimental.pallas import tpu_sc as plsc


def _make_sc_kernel(B, S, D, nw, ns, ch_rows):
    chunk = ch_rows * D
    sw = S // nw
    n_items = (sw // ch_rows) * B
    mesh = plsc.VectorSubcoreMesh(core_axis_name="c", subcore_axis_name="s")

    @functools.partial(
        pl.kernel,
        mesh=mesh,
        out_type=jax.ShapeDtypeStruct((B * S * D,), jnp.float32),
        scratch_types=[
            pltpu.VMEM_SHARED((ns, 2, chunk), jnp.float32),
            pltpu.SemaphoreType.DMA,
            pltpu.SemaphoreType.DMA,
            pltpu.SemaphoreType.DMA,
            pltpu.SemaphoreType.DMA,
        ],
    )
    def sc_kernel(x_hbm, pe_hbm, out_hbm, sp, sx0, sx1, so0, so1):
        nc = mesh.shape["c"]
        sid = lax.axis_index("s")
        wid = sid * nc + lax.axis_index("c")
        base = wid * (sw * D)
        sx, so = (sx0, sx1), (so0, so1)

        def x_off(k):
            return (k % B) * (S * D) + base + (k // B) * chunk

        def start_x(k):
            return pltpu.async_copy(
                x_hbm.at[pl.ds(x_off(k), chunk)], sp.at[sid, k % 2], sx[k % 2])

        def start_out(k):
            return pltpu.async_copy(
                sp.at[sid, k % 2], out_hbm.at[pl.ds(x_off(k), chunk)], so[k % 2])

        x_dma = {0: start_x(0)}
        out_dma = {}
        for k in range(n_items):
            x_dma[k].wait()
            out_dma[k] = start_out(k)
            if k + 1 < n_items:
                if k >= 1:
                    out_dma[k - 1].wait()
                x_dma[k + 1] = start_x(k + 1)
        out_dma[n_items - 1].wait()

    return sc_kernel


def kernel(x, pe):
    B, S, D = x.shape
    info = plsc.get_sparse_core_info()
    nw = info.num_cores * info.num_subcores
    sc = _make_sc_kernel(B, S, D, nw, info.num_subcores, ch_rows=32)
    out = sc(x.reshape(-1), pe[:S].reshape(-1))
    return out.reshape(B, S, D)

# --- scband reference (transcript-rebuilt; emitter-appended) ---
"""Pipeline reference for scband-learned-positional-encoding-31086973288772 (READ-ONLY COPY).

The authoritative reference and input builder live on the scoring server;
editing this copy changes nothing except your own understanding.
"""

import jax, jax.numpy as jnp
import numpy as np

D_MODEL = 1024
MAX_LEN = 8192
BATCH = 4
SEQ = 8192

def setup_inputs(seed: int = 0) -> dict:
    key = jax.random.key(seed)
    k_x, k_pe = jax.random.split(key)
    x = jax.random.normal(k_x, (BATCH, SEQ, D_MODEL), dtype=jnp.float32)
    # nn.Embedding default init: N(0, 1)
    pe = jax.random.normal(k_pe, (MAX_LEN, D_MODEL), dtype=jnp.float32)
    return {"x": x, "pe": pe}

def reference(x, pe):
    # positions = arange(seq_len); gather rows from learned table
    positions = jnp.arange(x.shape[1])
    pos_emb = jnp.take(pe, positions, axis=0)  # [S, D]
    out = x + pos_emb[None, :, :]
    # dropout p=0.0 (eval / disabled) -> identity
    return out

if __name__ == "__main__":
    import jax
    _d = setup_inputs()
    print(jax.jit(kernel)(*tuple(_d.values())))

</pallas_src>

<mosaic_0001>
#map = affine_map<(d0, d1) -> (0)>
module attributes {stable_mosaic.version = 14 : i64} {
  func.func @sc_kernel(%arg0: i32, %arg1: i32, %arg2: memref<33554432xf32, #tpu.memory_space<hbm>>, %arg3: memref<8388608xf32, #tpu.memory_space<hbm>>, %arg4: memref<33554432xf32, #tpu.memory_space<hbm>>, %arg5: memref<16x2x32768xf32, #tpu.memory_space<vmem_shared>>, %arg6: memref<!tpu.dma_semaphore, #tpu.memory_space<semaphore_mem>>, %arg7: memref<!tpu.dma_semaphore, #tpu.memory_space<semaphore_mem>>, %arg8: memref<!tpu.dma_semaphore, #tpu.memory_space<semaphore_mem>>, %arg9: memref<!tpu.dma_semaphore, #tpu.memory_space<semaphore_mem>>) attributes {dimension_semantics = [#tpu.dimension_semantics<core_parallel>, #tpu.dimension_semantics<subcore_parallel>], iteration_bounds = array<i64: 2, 16>, scalar_prefetch = 0 : i64, scratch_operands = 5 : i64, tpu.core_type = #tpu.core_type<sc_vector_subcore>, window_params = [{transform_indices = #map}, {transform_indices = #map}, {transform_indices = #map}]} {
    %mul3A = arith.constant 2 : i32
    %mul3A_0 = arith.muli %arg1, %mul3A : i32
    %add3A = arith.addi %mul3A_0, %arg0 : i32
    %mul3A_1 = arith.constant 262144 : i32
    %mul3A_2 = arith.muli %add3A, %mul3A_1 : i32
    %add3A_3 = arith.constant 0 : i32
    %add3A_4 = arith.addi %add3A_3, %mul3A_2 : i32
    %add3A_5 = arith.constant 0 : i32
    %add3A_6 = arith.addi %add3A_4, %add3A_5 : i32
    %dma_start3A = arith.constant 0 : i32
    %dma_start3A_7 = arith.constant 0 : i32
    %dma_start3A_8 = tpu.memref_slice %arg5[%arg1, %dma_start3A, %dma_start3A_7] : memref<16x2x32768xf32, #tpu.memory_space<vmem_shared>> -> memref<1x1x32768xf32, #tpu.memory_space<vmem_shared>>
    %dma_start3A_9 = tpu.memref_squeeze %dma_start3A_8 : memref<1x1x32768xf32, #tpu.memory_space<vmem_shared>> -> memref<32768xf32, #tpu.memory_space<vmem_shared>>
    %dma_start3A_10 = tpu.memref_slice %arg2[%add3A_6] : memref<33554432xf32, #tpu.memory_space<hbm>> -> memref<32768xf32, #tpu.memory_space<hbm>>
    tpu.enqueue_dma source(%dma_start3A_10 : memref<32768xf32, #tpu.memory_space<hbm>>) target(%dma_start3A_9 : memref<32768xf32, #tpu.memory_space<vmem_shared>>) target_semaphore(%arg6 : memref<!tpu.dma_semaphore, #tpu.memory_space<semaphore_mem>>)
    %dma_wait3A = arith.constant 0 : i32
    %dma_wait3A_11 = arith.constant 0 : i32
    %dma_wait3A_12 = tpu.memref_slice %arg5[%arg1, %dma_wait3A, %dma_wait3A_11] : memref<16x2x32768xf32, #tpu.memory_space<vmem_shared>> -> memref<1x1x32768xf32, #tpu.memory_space<vmem_shared>>
    %dma_wait3A_13 = tpu.memref_squeeze %dma_wait3A_12 : memref<1x1x32768xf32, #tpu.memory_space<vmem_shared>> -> memref<32768xf32, #tpu.memory_space<vmem_shared>>
    %dma_wait3A_14 = tpu.memref_slice %arg2[%add3A_6] : memref<33554432xf32, #tpu.memory_space<hbm>> -> memref<32768xf32, #tpu.memory_space<hbm>>
    tpu.wait_dma2 semaphore(%arg6 : memref<!tpu.dma_semaphore, #tpu.memory_space<semaphore_mem>>) src(%dma_wait3A_14 : memref<32768xf32, #tpu.memory_space<hbm>>) dst(%dma_wait3A_13 : memref<32768xf32, #tpu.memory_space<vmem_shared>>)
    %add3A_15 = arith.constant 0 : i32
    %add3A_16 = arith.addi %add3A_15, %mul3A_2 : i32
    %add3A_17 = arith.constant 0 : i32
    %add3A_18 = arith.addi %add3A_16, %add3A_17 : i32
    %dma_start3A_19 = arith.constant 0 : i32
    %dma_start3A_20 = tpu.memref_slice %arg4[%add3A_18] : memref<33554432xf32, #tpu.memory_space<hbm>> -> memref<32768xf32, #tpu.memory_space<hbm>>
    %dma_start3A_21 = arith.constant 0 : i32
    %dma_start3A_22 = tpu.memref_slice %arg5[%arg1, %dma_start3A_19, %dma_start3A_21] : memref<16x2x32768xf32, #tpu.memory_space<vmem_shared>> -> memref<1x1x32768xf32, #tpu.memory_space<vmem_shared>>
    %dma_start3A_23 = tpu.memref_squeeze %dma_start3A_22 : memref<1x1x32768xf32, #tpu.memory_space<vmem_shared>> -> memref<32768xf32, #tpu.memory_space<vmem_shared>>
    tpu.enqueue_dma source(%dma_start3A_23 : memref<32768xf32, #tpu.memory_space<vmem_shared>>) target(%dma_start3A_20 : memref<32768xf32, #tpu.memory_space<hbm>>) target_semaphore(%arg8 : memref<!tpu.dma_semaphore, #tpu.memory_space<semaphore_mem>>)
    %add3A_24 = arith.constant 8388608 : i32
    %add3A_25 = arith.addi %add3A_24, %mul3A_2 : i32
    %add3A_26 = arith.constant 0 : i32
    %add3A_27 = arith.addi %add3A_25, %add3A_26 : i32
    %dma_start3A_28 = arith.constant 1 : i32
    %dma_start3A_29 = arith.constant 0 : i32
    %dma_start3A_30 = tpu.memref_slice %arg5[%arg1, %dma_start3A_28, %dma_start3A_29] : memref<16x2x32768xf32, #tpu.memory_space<vmem_shared>> -> memref<1x1x32768xf32, #tpu.memory_space<vmem_shared>>
    %dma_start3A_31 = tpu.memref_squeeze %dma_start3A_30 : memref<1x1x32768xf32, #tpu.memory_space<vmem_shared>> -> memref<32768xf32, #tpu.memory_space<vmem_shared>>
    %dma_start3A_32 = tpu.memref_slice %arg2[%add3A_27] : memref<33554432xf32, #tpu.memory_space<hbm>> -> memref<32768xf32, #tpu.memory_space<hbm>>
    tpu.enqueue_dma source(%dma_start3A_32 : memref<32768xf32, #tpu.memory_space<hbm>>) target(%dma_start3A_31 : memref<32768xf32, #tpu.memory_space<vmem_shared>>) target_semaphore(%arg7 : memref<!tpu.dma_semaphore, #tpu.memory_space<semaphore_mem>>)
    %dma_wait3A_33 = arith.constant 1 : i32
    %dma_wait3A_34 = arith.constant 0 : i32
    %dma_wait3A_35 = tpu.memref_slice %arg5[%arg1, %dma_wait3A_33, %dma_wait3A_34] : memref<16x2x32768xf32, #tpu.memory_space<vmem_shared>> -> memref<1x1x32768xf32, #tpu.memory_space<vmem_shared>>
    %dma_wait3A_36 = tpu.memref_squeeze %dma_wait3A_35 : memref<1x1x32768xf32, #tpu.memory_space<vmem_shared>> -> memref<32768xf32, #tpu.memory_space<vmem_shared>>
    %dma_wait3A_37 = tpu.memref_slice %arg2[%add3A_27] : memref<33554432xf32, #tpu.memory_space<hbm>> -> memref<32768xf32, #tpu.memory_space<hbm>>
    tpu.wait_dma2 semaphore(%arg7 : memref<!tpu.dma_semaphore, #tpu.memory_space<semaphore_mem>>) src(%dma_wait3A_37 : memref<32768xf32, #tpu.memory_space<hbm>>) dst(%dma_wait3A_36 : memref<32768xf32, #tpu.memory_space<vmem_shared>>)
    %add3A_38 = arith.constant 8388608 : i32
    %add3A_39 = arith.addi %add3A_38, %mul3A_2 : i32
    %add3A_40 = arith.constant 0 : i32
    %add3A_41 = arith.addi %add3A_39, %add3A_40 : i32
    %dma_start3A_42 = arith.constant 1 : i32
    %dma_start3A_43 = tpu.memref_slice %arg4[%add3A_41] : memref<33554432xf32, #tpu.memory_space<hbm>> -> memref<32768xf32, #tpu.memory_space<hbm>>
    %dma_start3A_44 = arith.constant 0 : i32
    %dma_start3A_45 = tpu.memref_slice %arg5[%arg1, %dma_start3A_42, %dma_start3A_44] : memref<16x2x32768xf32, #tpu.memory_space<vmem_shared>> -> memref<1x1x32768xf32, #tpu.memory_space<vmem_shared>>
    %dma_start3A_46 = tpu.memref_squeeze %dma_start3A_45 : memref<1x1x32768xf32, #tpu.memory_space<vmem_shared>> -> memref<32768xf32, #tpu.memory_space<vmem_shared>>
    tpu.enqueue_dma source(%dma_start3A_46 : memref<32768xf32, #tpu.memory_space<vmem_shared>>) target(%dma_start3A_43 : memref<32768xf32, #tpu.memory_space<hbm>>) target_semaphore(%arg9 : memref<!tpu.dma_semaphore, #tpu.memory_space<semaphore_mem>>)
    %dma_wait3A_47 = arith.constant 0 : i32
    %dma_wait3A_48 = tpu.memref_slice %arg4[%add3A_18] : memref<33554432xf32, #tpu.memory_space<hbm>> -> memref<32768xf32, #tpu.memory_space<hbm>>
    %dma_wait3A_49 = arith.constant 0 : i32
    %dma_wait3A_50 = tpu.memref_slice %arg5[%arg1, %dma_wait3A_47, %dma_wait3A_49] : memref<16x2x32768xf32, #tpu.memory_space<vmem_shared>> -> memref<1x1x32768xf32, #tpu.memory_space<vmem_shared>>
    %dma_wait3A_51 = tpu.memref_squeeze %dma_wait3A_50 : memref<1x1x32768xf32, #tpu.memory_space<vmem_shared>> -> memref<32768xf32, #tpu.memory_space<vmem_shared>>
    tpu.wait_dma2 semaphore(%arg8 : memref<!tpu.dma_semaphore, #tpu.memory_space<semaphore_mem>>) src(%dma_wait3A_51 : memref<32768xf32, #tpu.memory_space<vmem_shared>>) dst(%dma_wait3A_48 : memref<32768xf32, #tpu.memory_space<hbm>>)
    %add3A_52 = arith.constant 16777216 : i32
    %add3A_53 = arith.addi %add3A_52, %mul3A_2 : i32
    %add3A_54 = arith.constant 0 : i32
    %add3A_55 = arith.addi %add3A_53, %add3A_54 : i32
    %dma_start3A_56 = arith.constant 0 : i32
    %dma_start3A_57 = arith.constant 0 : i32
    %dma_start3A_58 = tpu.memref_slice %arg5[%arg1, %dma_start3A_56, %dma_start3A_57] : memref<16x2x32768xf32, #tpu.memory_space<vmem_shared>> -> memref<1x1x32768xf32, #tpu.memory_space<vmem_shared>>
    %dma_start3A_59 = tpu.memref_squeeze %dma_start3A_58 : memref<1x1x32768xf32, #tpu.memory_space<vmem_shared>> -> memref<32768xf32, #tpu.memory_space<vmem_shared>>
    %dma_start3A_60 = tpu.memref_slice %arg2[%add3A_55] : memref<33554432xf32, #tpu.memory_space<hbm>> -> memref<32768xf32, #tpu.memory_space<hbm>>
    tpu.enqueue_dma source(%dma_start3A_60 : memref<32768xf32, #tpu.memory_space<hbm>>) target(%dma_start3A_59 : memref<32768xf32, #tpu.memory_space<vmem_shared>>) target_semaphore(%arg6 : memref<!tpu.dma_semaphore, #tpu.memory_space<semaphore_mem>>)
    %dma_wait3A_61 = arith.constant 0 : i32
    %dma_wait3A_62 = arith.constant 0 : i32
    %dma_wait3A_63 = tpu.memref_slice %arg5[%arg1, %dma_wait3A_61, %dma_wait3A_62] : memref<16x2x32768xf32, #tpu.memory_space<vmem_shared>> -> memref<1x1x32768xf32, #tpu.memory_space<vmem_shared>>
    %dma_wait3A_64 = tpu.memref_squeeze %dma_wait3A_63 : memref<1x1x32768xf32, #tpu.memory_space<vmem_shared>> -> memref<32768xf32, #tpu.memory_space<vmem_shared>>
    %dma_wait3A_65 = tpu.memref_slice %arg2[%add3A_55] : memref<33554432xf32, #tpu.memory_space<hbm>> -> memref<32768xf32, #tpu.memory_space<hbm>>
    tpu.wait_dma2 semaphore(%arg6 : memref<!tpu.dma_semaphore, #tpu.memory_space<semaphore_mem>>) src(%dma_wait3A_65 : memref<32768xf32, #tpu.memory_space<hbm>>) dst(%dma_wait3A_64 : memref<32768xf32, #tpu.memory_space<vmem_shared>>)
    %add3A_66 = arith.constant 16777216 : i32
    %add3A_67 = arith.addi %add3A_66, %mul3A_2 : i32
    %add3A_68 = arith.constant 0 : i32
    %add3A_69 = arith.addi %add3A_67, %add3A_68 : i32
    %dma_start3A_70 = arith.constant 0 : i32
    %dma_start3A_71 = tpu.memref_slice %arg4[%add3A_69] : memref<33554432xf32, #tpu.memory_space<hbm>> -> memref<32768xf32, #tpu.memory_space<hbm>>
    %dma_start3A_72 = arith.constant 0 : i32
    %dma_start3A_73 = tpu.memref_slice %arg5[%arg1, %dma_start3A_70, %dma_start3A_72] : memref<16x2x32768xf32, #tpu.memory_space<vmem_shared>> -> memref<1x1x32768xf32, #tpu.memory_space<vmem_shared>>
    %dma_start3A_74 = tpu.memref_squeeze %dma_start3A_73 : memref<1x1x32768xf32, #tpu.memory_space<vmem_shared>> -> memref<32768xf32, #tpu.memory_space<vmem_shared>>
    tpu.enqueue_dma source(%dma_start3A_74 : memref<32768xf32, #tpu.memory_space<vmem_shared>>) target(%dma_start3A_71 : memref<32768xf32, #tpu.memory_space<hbm>>) target_semaphore(%arg8 : memref<!tpu.dma_semaphore, #tpu.memory_space<semaphore_mem>>)
    %dma_wait3A_75 = arith.constant 1 : i32
    %dma_wait3A_76 = tpu.memref_slice %arg4[%add3A_41] : memref<33554432xf32, #tpu.memory_space<hbm>> -> memref<32768xf32, #tpu.memory_space<hbm>>
    %dma_wait3A_77 = arith.constant 0 : i32
    %dma_wait3A_78 = tpu.memref_slice %arg5[%arg1, %dma_wait3A_75, %dma_wait3A_77] : memref<16x2x32768xf32, #tpu.memory_space<vmem_shared>> -> memref<1x1x32768xf32, #tpu.memory_space<vmem_shared>>
    %dma_wait3A_79 = tpu.memref_squeeze %dma_wait3A_78 : memref<1x1x32768xf32, #tpu.memory_space<vmem_shared>> -> memref<32768xf32, #tpu.memory_space<vmem_shared>>
    tpu.wait_dma2 semaphore(%arg9 : memref<!tpu.dma_semaphore, #tpu.memory_space<semaphore_mem>>) src(%dma_wait3A_79 : memref<32768xf32, #tpu.memory_space<vmem_shared>>) dst(%dma_wait3A_76 : memref<32768xf32, #tpu.memory_space<hbm>>)
    %add3A_80 = arith.constant 25165824 : i32
    %add3A_81 = arith.addi %add3A_80, %mul3A_2 : i32
    %add3A_82 = arith.constant 0 : i32
    %add3A_83 = arith.addi %add3A_81, %add3A_82 : i32
    %dma_start3A_84 = arith.constant 1 : i32
    %dma_start3A_85 = arith.constant 0 : i32
    %dma_start3A_86 = tpu.memref_slice %arg5[%arg1, %dma_start3A_84, %dma_start3A_85] : memref<16x2x32768xf32, #tpu.memory_space<vmem_shared>> -> memref<1x1x32768xf32, #tpu.memory_space<vmem_shared>>
    %dma_start3A_87 = tpu.memref_squeeze %dma_start3A_86 : memref<1x1x32768xf32, #tpu.memory_space<vmem_shared>> -> memref<32768xf32, #tpu.memory_space<vmem_shared>>
    %dma_start3A_88 = tpu.memref_slice %arg2[%add3A_83] : memref<33554432xf32, #tpu.memory_space<hbm>> -> memref<32768xf32, #tpu.memory_space<hbm>>
    tpu.enqueue_dma source(%dma_start3A_88 : memref<32768xf32, #tpu.memory_space<hbm>>) target(%dma_start3A_87 : memref<32768xf32, #tpu.memory_space<vmem_shared>>) target_semaphore(%arg7 : memref<!tpu.dma_semaphore, #tpu.memory_space<semaphore_mem>>)
    %dma_wait3A_89 = arith.constant 1 : i32
    %dma_wait3A_90 = arith.constant 0 : i32
    %dma_wait3A_91 = tpu.memref_slice %arg5[%arg1, %dma_wait3A_89, %dma_wait3A_90] : memref<16x2x32768xf32, #tpu.memory_space<vmem_shared>> -> memref<1x1x32768xf32, #tpu.memory_space<vmem_shared>>
    %dma_wait3A_92 = tpu.memref_squeeze %dma_wait3A_91 : memref<1x1x32768xf32, #tpu.memory_space<vmem_shared>> -> memref<32768xf32, #tpu.memory_space<vmem_shared>>
    %dma_wait3A_93 = tpu.memref_slice %arg2[%add3A_83] : memref<33554432xf32, #tpu.memory_space<hbm>> -> memref<32768xf32, #tpu.memory_space<hbm>>
    tpu.wait_dma2 semaphore(%arg7 : memref<!tpu.dma_semaphore, #tpu.memory_space<semaphore_mem>>) src(%dma_wait3A_93 : memref<32768xf32, #tpu.memory_space<hbm>>) dst(%dma_wait3A_92 : memref<32768xf32, #tpu.memory_space<vmem_shared>>)
    %add3A_94 = arith.constant 25165824 : i32
    %add3A_95 = arith.addi %add3A_94, %mul3A_2 : i32
    %add3A_96 = arith.constant 0 : i32
    %add3A_97 = arith.addi %add3A_95, %add3A_96 : i32
    %dma_start3A_98 = arith.constant 1 : i32
    %dma_start3A_99 = tpu.memref_slice %arg4[%add3A_97] : memref<33554432xf32, #tpu.memory_space<hbm>> -> memref<32768xf32, #tpu.memory_space<hbm>>
    %dma_start3A_100 = arith.constant 0 : i32
    %dma_start3A_101 = tpu.memref_slice %arg5[%arg1, %dma_start3A_98, %dma_start3A_100] : memref<16x2x32768xf32, #tpu.memory_space<vmem_shared>> -> memref<1x1x32768xf32, #tpu.memory_space<vmem_shared>>
    %dma_start3A_102 = tpu.memref_squeeze %dma_start3A_101 : memref<1x1x32768xf32, #tpu.memory_space<vmem_shared>> -> memref<32768xf32, #tpu.memory_space<vmem_shared>>
    tpu.enqueue_dma source(%dma_start3A_102 : memref<32768xf32, #tpu.memory_space<vmem_shared>>) target(%dma_start3A_99 : memref<32768xf32, #tpu.memory_space<hbm>>) target_semaphore(%arg9 : memref<!tpu.dma_semaphore, #tpu.memory_space<semaphore_mem>>)
    %dma_wait3A_103 = arith.constant 0 : i32
    %dma_wait3A_104 = tpu.memref_slice %arg4[%add3A_69] : memref<33554432xf32, #tpu.memory_space<hbm>> -> memref<32768xf32, #tpu.memory_space<hbm>>
    %dma_wait3A_105 = arith.constant 0 : i32
    %dma_wait3A_106 = tpu.memref_slice %arg5[%arg1, %dma_wait3A_103, %dma_wait3A_105] : memref<16x2x32768xf32, #tpu.memory_space<vmem_shared>> -> memref<1x1x32768xf32, #tpu.memory_space<vmem_shared>>
    %dma_wait3A_107 = tpu.memref_squeeze %dma_wait3A_106 : memref<1x1x32768xf32, #tpu.memory_space<vmem_shared>> -> memref<32768xf32, #tpu.memory_space<vmem_shared>>
    tpu.wait_dma2 semaphore(%arg8 : memref<!tpu.dma_semaphore, #tpu.memory_space<semaphore_mem>>) src(%dma_wait3A_107 : memref<32768xf32, #tpu.memory_space<vmem_shared>>) dst(%dma_wait3A_104 : memref<32768xf32, #tpu.memory_space<hbm>>)
    %add3A_108 = arith.constant 0 : i32
    %add3A_109 = arith.addi %add3A_108, %mul3A_2 : i32
    %add3A_110 = arith.constant 32768 : i32
    %add3A_111 = arith.addi %add3A_109, %add3A_110 : i32
    %dma_start3A_112 = arith.constant 0 : i32
    %dma_start3A_113 = arith.constant 0 : i32
    %dma_start3A_114 = tpu.memref_slice %arg5[%arg1, %dma_start3A_112, %dma_start3A_113] : memref<16x2x32768xf32, #tpu.memory_space<vmem_shared>> -> memref<1x1x32768xf32, #tpu.memory_space<vmem_shared>>
    %dma_start3A_115 = tpu.memref_squeeze %dma_start3A_114 : memref<1x1x32768xf32, #tpu.memory_space<vmem_shared>> -> memref<32768xf32, #tpu.memory_space<vmem_shared>>
    %dma_start3A_116 = tpu.memref_slice %arg2[%add3A_111] : memref<33554432xf32, #tpu.memory_space<hbm>> -> memref<32768xf32, #tpu.memory_space<hbm>>
    tpu.enqueue_dma source(%dma_start3A_116 : memref<32768xf32, #tpu.memory_space<hbm>>) target(%dma_start3A_115 : memref<32768xf32, #tpu.memory_space<vmem_shared>>) target_semaphore(%arg6 : memref<!tpu.dma_semaphore, #tpu.memory_space<semaphore_mem>>)
    %dma_wait3A_117 = arith.constant 0 : i32
    %dma_wait3A_118 = arith.constant 0 : i32
    %dma_wait3A_119 = tpu.memref_slice %arg5[%arg1, %dma_wait3A_117, %dma_wait3A_118] : memref<16x2x32768xf32, #tpu.memory_space<vmem_shared>> -> memref<1x1x32768xf32, #tpu.memory_space<vmem_shared>>
    %dma_wait3A_120 = tpu.memref_squeeze %dma_wait3A_119 : memref<1x1x32768xf32, #tpu.memory_space<vmem_shared>> -> memref<32768xf32, #tpu.memory_space<vmem_shared>>
    %dma_wait3A_121 = tpu.memref_slice %arg2[%add3A_111] : memref<33554432xf32, #tpu.memory_space<hbm>> -> memref<32768xf32, #tpu.memory_space<hbm>>
    tpu.wait_dma2 semaphore(%arg6 : memref<!tpu.dma_semaphore, #tpu.memory_space<semaphore_mem>>) src(%dma_wait3A_121 : memref<32768xf32, #tpu.memory_space<hbm>>) dst(%dma_wait3A_120 : memref<32768xf32, #tpu.memory_space<vmem_shared>>)
    %add3A_122 = arith.constant 0 : i32
    %add3A_123 = arith.addi %add3A_122, %mul3A_2 : i32
    %add3A_124 = arith.constant 32768 : i32
    %add3A_125 = arith.addi %add3A_123, %add3A_124 : i32
    %dma_start3A_126 = arith.constant 0 : i32
    %dma_start3A_127 = tpu.memref_slice %arg4[%add3A_125] : memref<33554432xf32, #tpu.memory_space<hbm>> -> memref<32768xf32, #tpu.memory_space<hbm>>
    %dma_start3A_128 = arith.constant 0 : i32
    %dma_start3A_129 = tpu.memref_slice %arg5[%arg1, %dma_start3A_126, %dma_start3A_128] : memref<16x2x32768xf32, #tpu.memory_space<vmem_shared>> -> memref<1x1x32768xf32, #tpu.memory_space<vmem_shared>>
    %dma_start3A_130 = tpu.memref_squeeze %dma_start3A_129 : memref<1x1x32768xf32, #tpu.memory_space<vmem_shared>> -> memref<32768xf32, #tpu.memory_space<vmem_shared>>
    tpu.enqueue_dma source(%dma_start3A_130 : memref<32768xf32, #tpu.memory_space<vmem_shared>>) target(%dma_start3A_127 : memref<32768xf32, #tpu.memory_space<hbm>>) target_semaphore(%arg8 : memref<!tpu.dma_semaphore, #tpu.memory_space<semaphore_mem>>)
    %dma_wait3A_131 = arith.constant 1 : i32
    %dma_wait3A_132 = tpu.memref_slice %arg4[%add3A_97] : memref<33554432xf32, #tpu.memory_space<hbm>> -> memref<32768xf32, #tpu.memory_space<hbm>>
    %dma_wait3A_133 = arith.constant 0 : i32
    %dma_wait3A_134 = tpu.memref_slice %arg5[%arg1, %dma_wait3A_131, %dma_wait3A_133] : memref<16x2x32768xf32, #tpu.memory_space<vmem_shared>> -> memref<1x1x32768xf32, #tpu.memory_space<vmem_shared>>
    %dma_wait3A_135 = tpu.memref_squeeze %dma_wait3A_134 : memref<1x1x32768xf32, #tpu.memory_space<vmem_shared>> -> memref<32768xf32, #tpu.memory_space<vmem_shared>>
    tpu.wait_dma2 semaphore(%arg9 : memref<!tpu.dma_semaphore, #tpu.memory_space<semaphore_mem>>) src(%dma_wait3A_135 : memref<32768xf32, #tpu.memory_space<vmem_shared>>) dst(%dma_wait3A_132 : memref<32768xf32, #tpu.memory_space<hbm>>)
    %add3A_136 = arith.constant 8388608 : i32
    %add3A_137 = arith.addi %add3A_136, %mul3A_2 : i32
    %add3A_138 = arith.constant 32768 : i32
    %add3A_139 = arith.addi %add3A_137, %add3A_138 : i32
    %dma_start3A_140 = arith.constant 1 : i32
    %dma_start3A_141 = arith.constant 0 : i32
    %dma_start3A_142 = tpu.memref_slice %arg5[%arg1, %dma_start3A_140, %dma_start3A_141] : memref<16x2x32768xf32, #tpu.memory_space<vmem_shared>> -> memref<1x1x32768xf32, #tpu.memory_space<vmem_shared>>
    %dma_start3A_143 = tpu.memref_squeeze %dma_start3A_142 : memref<1x1x32768xf32, #tpu.memory_space<vmem_shared>> -> memref<32768xf32, #tpu.memory_space<vmem_shared>>
    %dma_start3A_144 = tpu.memref_slice %arg2[%add3A_139] : memref<33554432xf32, #tpu.memory_space<hbm>> -> memref<32768xf32, #tpu.memory_space<hbm>>
    tpu.enqueue_dma source(%dma_start3A_144 : memref<32768xf32, #tpu.memory_space<hbm>>) target(%dma_start3A_143 : memref<32768xf32, #tpu.memory_space<vmem_shared>>) target_semaphore(%arg7 : memref<!tpu.dma_semaphore, #tpu.memory_space<semaphore_mem>>)
    %dma_wait3A_145 = arith.constant 1 : i32
    %dma_wait3A_146 = arith.constant 0 : i32
    %dma_wait3A_147 = tpu.memref_slice %arg5[%arg1, %dma_wait3A_145, %dma_wait3A_146] : memref<16x2x32768xf32, #tpu.memory_space<vmem_shared>> -> memref<1x1x32768xf32, #tpu.memory_space<vmem_shared>>
    %dma_wait3A_148 = tpu.memref_squeeze %dma_wait3A_147 : memref<1x1x32768xf32, #tpu.memory_space<vmem_shared>> -> memref<32768xf32, #tpu.memory_space<vmem_shared>>
    %dma_wait3A_149 = tpu.memref_slice %arg2[%add3A_139] : memref<33554432xf32, #tpu.memory_space<hbm>> -> memref<32768xf32, #tpu.memory_space<hbm>>
    tpu.wait_dma2 semaphore(%arg7 : memref<!tpu.dma_semaphore, #tpu.memory_space<semaphore_mem>>) src(%dma_wait3A_149 : memref<32768xf32, #tpu.memory_space<hbm>>) dst(%dma_wait3A_148 : memref<32768xf32, #tpu.memory_space<vmem_shared>>)
    %add3A_150 = arith.constant 8388608 : i32
    %add3A_151 = arith.addi %add3A_150, %mul3A_2 : i32
    %add3A_152 = arith.constant 32768 : i32
    %add3A_153 = arith.addi %add3A_151, %add3A_152 : i32
    %dma_start3A_154 = arith.constant 1 : i32
    %dma_start3A_155 = tpu.memref_slice %arg4[%add3A_153] : memref<33554432xf32, #tpu.memory_space<hbm>> -> memref<32768xf32, #tpu.memory_space<hbm>>
    %dma_start3A_156 = arith.constant 0 : i32
    %dma_start3A_157 = tpu.memref_slice %arg5[%arg1, %dma_start3A_154, %dma_start3A_156] : memref<16x2x32768xf32, #tpu.memory_space<vmem_shared>> -> memref<1x1x32768xf32, #tpu.memory_space<vmem_shared>>
    %dma_start3A_158 = tpu.memref_squeeze %dma_start3A_157 : memref<1x1x32768xf32, #tpu.memory_space<vmem_shared>> -> memref<32768xf32, #tpu.memory_space<vmem_shared>>
    tpu.enqueue_dma source(%dma_start3A_158 : memref<32768xf32, #tpu.memory_space<vmem_shared>>) target(%dma_start3A_155 : memref<32768xf32, #tpu.memory_space<hbm>>) target_semaphore(%arg9 : memref<!tpu.dma_semaphore, #tpu.memory_space<semaphore_mem>>)
    %dma_wait3A_159 = arith.constant 0 : i32
    %dma_wait3A_160 = tpu.memref_slice %arg4[%add3A_125] : memref<33554432xf32, #tpu.memory_space<hbm>> -> memref<32768xf32, #tpu.memory_space<hbm>>
    %dma_wait3A_161 = arith.constant 0 : i32
    %dma_wait3A_162 = tpu.memref_slice %arg5[%arg1, %dma_wait3A_159, %dma_wait3A_161] : memref<16x2x32768xf32, #tpu.memory_space<vmem_shared>> -> memref<1x1x32768xf32, #tpu.memory_space<vmem_shared>>
    %dma_wait3A_163 = tpu.memref_squeeze %dma_wait3A_162 : memref<1x1x32768xf32, #tpu.memory_space<vmem_shared>> -> memref<32768xf32, #tpu.memory_space<vmem_shared>>
    tpu.wait_dma2 semaphore(%arg8 : memref<!tpu.dma_semaphore, #tpu.memory_space<semaphore_mem>>) src(%dma_wait3A_163 : memref<32768xf32, #tpu.memory_space<vmem_shared>>) dst(%dma_wait3A_160 : memref<32768xf32, #tpu.memory_space<hbm>>)
    %add3A_164 = arith.constant 16777216 : i32
    %add3A_165 = arith.addi %add3A_164, %mul3A_2 : i32
    %add3A_166 = arith.constant 32768 : i32
    %add3A_167 = arith.addi %add3A_165, %add3A_166 : i32
    %dma_start3A_168 = arith.constant 0 : i32
    %dma_start3A_169 = arith.constant 0 : i32
    %dma_start3A_170 = tpu.memref_slice %arg5[%arg1, %dma_start3A_168, %dma_start3A_169] : memref<16x2x32768xf32, #tpu.memory_space<vmem_shared>> -> memref<1x1x32768xf32, #tpu.memory_space<vmem_shared>>
    %dma_start3A_171 = tpu.memref_squeeze %dma_start3A_170 : memref<1x1x32768xf32, #tpu.memory_space<vmem_shared>> -> memref<32768xf32, #tpu.memory_space<vmem_shared>>
    %dma_start3A_172 = tpu.memref_slice %arg2[%add3A_167] : memref<33554432xf32, #tpu.memory_space<hbm>> -> memref<32768xf32, #tpu.memory_space<hbm>>
    tpu.enqueue_dma source(%dma_start3A_172 : memref<32768xf32, #tpu.memory_space<hbm>>) target(%dma_start3A_171 : memref<32768xf32, #tpu.memory_space<vmem_shared>>) target_semaphore(%arg6 : memref<!tpu.dma_semaphore, #tpu.memory_space<semaphore_mem>>)
    %dma_wait3A_173 = arith.constant 0 : i32
    %dma_wait3A_174 = arith.constant 0 : i32
    %dma_wait3A_175 = tpu.memref_slice %arg5[%arg1, %dma_wait3A_173, %dma_wait3A_174] : memref<16x2x32768xf32, #tpu.memory_space<vmem_shared>> -> memref<1x1x32768xf32, #tpu.memory_space<vmem_shared>>
    %dma_wait3A_176 = tpu.memref_squeeze %dma_wait3A_175 : memref<1x1x32768xf32, #tpu.memory_space<vmem_shared>> -> memref<32768xf32, #tpu.memory_space<vmem_shared>>
    %dma_wait3A_177 = tpu.memref_slice %arg2[%add3A_167] : memref<33554432xf32, #tpu.memory_space<hbm>> -> memref<32768xf32, #tpu.memory_space<hbm>>
    tpu.wait_dma2 semaphore(%arg6 : memref<!tpu.dma_semaphore, #tpu.memory_space<semaphore_mem>>) src(%dma_wait3A_177 : memref<32768xf32, #tpu.memory_space<hbm>>) dst(%dma_wait3A_176 : memref<32768xf32, #tpu.memory_space<vmem_shared>>)
    %add3A_178 = arith.constant 16777216 : i32
    %add3A_179 = arith.addi %add3A_178, %mul3A_2 : i32
    %add3A_180 = arith.constant 32768 : i32
    %add3A_181 = arith.addi %add3A_179, %add3A_180 : i32
    %dma_start3A_182 = arith.constant 0 : i32
    %dma_start3A_183 = tpu.memref_slice %arg4[%add3A_181] : memref<33554432xf32, #tpu.memory_space<hbm>> -> memref<32768xf32, #tpu.memory_space<hbm>>
    %dma_start3A_184 = arith.constant 0 : i32
    %dma_start3A_185 = tpu.memref_slice %arg5[%arg1, %dma_start3A_182, %dma_start3A_184] : memref<16x2x32768xf32, #tpu.memory_space<vmem_shared>> -> memref<1x1x32768xf32, #tpu.memory_space<vmem_shared>>
    %dma_start3A_186 = tpu.memref_squeeze %dma_start3A_185 : memref<1x1x32768xf32, #tpu.memory_space<vmem_shared>> -> memref<32768xf32, #tpu.memory_space<vmem_shared>>
    tpu.enqueue_dma source(%dma_start3A_186 : memref<32768xf32, #tpu.memory_space<vmem_shared>>) target(%dma_start3A_183 : memref<32768xf32, #tpu.memory_space<hbm>>) target_semaphore(%arg8 : memref<!tpu.dma_semaphore, #tpu.memory_space<semaphore_mem>>)
    %dma_wait3A_187 = arith.constant 1 : i32
    %dma_wait3A_188 = tpu.memref_slice %arg4[%add3A_153] : memref<33554432xf32, #tpu.memory_space<hbm>> -> memref<32768xf32, #tpu.memory_space<hbm>>
    %dma_wait3A_189 = arith.constant 0 : i32
    %dma_wait3A_190 = tpu.memref_slice %arg5[%arg1, %dma_wait3A_187, %dma_wait3A_189] : memref<16x2x32768xf32, #tpu.memory_space<vmem_shared>> -> memref<1x1x32768xf32, #tpu.memory_space<vmem_shared>>
    %dma_wait3A_191 = tpu.memref_squeeze %dma_wait3A_190 : memref<1x1x32768xf32, #tpu.memory_space<vmem_shared>> -> memref<32768xf32, #tpu.memory_space<vmem_shared>>
    tpu.wait_dma2 semaphore(%arg9 : memref<!tpu.dma_semaphore, #tpu.memory_space<semaphore_mem>>) src(%dma_wait3A_191 : memref<32768xf32, #tpu.memory_space<vmem_shared>>) dst(%dma_wait3A_188 : memref<32768xf32, #tpu.memory_space<hbm>>)
    %add3A_192 = arith.constant 25165824 : i32
    %add3A_193 = arith.addi %add3A_192, %mul3A_2 : i32
    %add3A_194 = arith.constant 32768 : i32
    %add3A_195 = arith.addi %add3A_193, %add3A_194 : i32
    %dma_start3A_196 = arith.constant 1 : i32
    %dma_start3A_197 = arith.constant 0 : i32
    %dma_start3A_198 = tpu.memref_slice %arg5[%arg1, %dma_start3A_196, %dma_start3A_197] : memref<16x2x32768xf32, #tpu.memory_space<vmem_shared>> -> memref<1x1x32768xf32, #tpu.memory_space<vmem_shared>>
    %dma_start3A_199 = tpu.memref_squeeze %dma_start3A_198 : memref<1x1x32768xf32, #tpu.memory_space<vmem_shared>> -> memref<32768xf32, #tpu.memory_space<vmem_shared>>
    %dma_start3A_200 = tpu.memref_slice %arg2[%add3A_195] : memref<33554432xf32, #tpu.memory_space<hbm>> -> memref<32768xf32, #tpu.memory_space<hbm>>
    tpu.enqueue_dma source(%dma_start3A_200 : memref<32768xf32, #tpu.memory_space<hbm>>) target(%dma_start3A_199 : memref<32768xf32, #tpu.memory_space<vmem_shared>>) target_semaphore(%arg7 : memref<!tpu.dma_semaphore, #tpu.memory_space<semaphore_mem>>)
    %dma_wait3A_201 = arith.constant 1 : i32
    %dma_wait3A_202 = arith.constant 0 : i32
    %dma_wait3A_203 = tpu.memref_slice %arg5[%arg1, %dma_wait3A_201, %dma_wait3A_202] : memref<16x2x32768xf32, #tpu.memory_space<vmem_shared>> -> memref<1x1x32768xf32, #tpu.memory_space<vmem_shared>>
    %dma_wait3A_204 = tpu.memref_squeeze %dma_wait3A_203 : memref<1x1x32768xf32, #tpu.memory_space<vmem_shared>> -> memref<32768xf32, #tpu.memory_space<vmem_shared>>
    %dma_wait3A_205 = tpu.memref_slice %arg2[%add3A_195] : memref<33554432xf32, #tpu.memory_space<hbm>> -> memref<32768xf32, #tpu.memory_space<hbm>>
    tpu.wait_dma2 semaphore(%arg7 : memref<!tpu.dma_semaphore, #tpu.memory_space<semaphore_mem>>) src(%dma_wait3A_205 : memref<32768xf32, #tpu.memory_space<hbm>>) dst(%dma_wait3A_204 : memref<32768xf32, #tpu.memory_space<vmem_shared>>)
    %add3A_206 = arith.constant 25165824 : i32
    %add3A_207 = arith.addi %add3A_206, %mul3A_2 : i32
    %add3A_208 = arith.constant 32768 : i32
    %add3A_209 = arith.addi %add3A_207, %add3A_208 : i32
    %dma_start3A_210 = arith.constant 1 : i32
    %dma_start3A_211 = tpu.memref_slice %arg4[%add3A_209] : memref<33554432xf32, #tpu.memory_space<hbm>> -> memref<32768xf32, #tpu.memory_space<hbm>>
    %dma_start3A_212 = arith.constant 0 : i32
    %dma_start3A_213 = tpu.memref_slice %arg5[%arg1, %dma_start3A_210, %dma_start3A_212] : memref<16x2x32768xf32, #tpu.memory_space<vmem_shared>> -> memref<1x1x32768xf32, #tpu.memory_space<vmem_shared>>
    %dma_start3A_214 = tpu.memref_squeeze %dma_start3A_213 : memref<1x1x32768xf32, #tpu.memory_space<vmem_shared>> -> memref<32768xf32, #tpu.memory_space<vmem_shared>>
    tpu.enqueue_dma source(%dma_start3A_214 : memref<32768xf32, #tpu.memory_space<vmem_shared>>) target(%dma_start3A_211 : memref<32768xf32, #tpu.memory_space<hbm>>) target_semaphore(%arg9 : memref<!tpu.dma_semaphore, #tpu.memory_space<semaphore_mem>>)
    %dma_wait3A_215 = arith.constant 0 : i32
    %dma_wait3A_216 = tpu.memref_slice %arg4[%add3A_181] : memref<33554432xf32, #tpu.memory_space<hbm>> -> memref<32768xf32, #tpu.memory_space<hbm>>
    %dma_wait3A_217 = arith.constant 0 : i32
    %dma_wait3A_218 = tpu.memref_slice %arg5[%arg1, %dma_wait3A_215, %dma_wait3A_217] : memref<16x2x32768xf32, #tpu.memory_space<vmem_shared>> -> memref<1x1x32768xf32, #tpu.memory_space<vmem_shared>>
    %dma_wait3A_219 = tpu.memref_squeeze %dma_wait3A_218 : memref<1x1x32768xf32, #tpu.memory_space<vmem_shared>> -> memref<32768xf32, #tpu.memory_space<vmem_shared>>
    tpu.wait_dma2 semaphore(%arg8 : memref<!tpu.dma_semaphore, #tpu.memory_space<semaphore_mem>>) src(%dma_wait3A_219 : memref<32768xf32, #tpu.memory_space<vmem_shared>>) dst(%dma_wait3A_216 : memref<32768xf32, #tpu.memory_space<hbm>>)
    %add3A_220 = arith.constant 0 : i32
    %add3A_221 = arith.addi %add3A_220, %mul3A_2 : i32
    %add3A_222 = arith.constant 65536 : i32
    %add3A_223 = arith.addi %add3A_221, %add3A_222 : i32
    %dma_start3A_224 = arith.constant 0 : i32
    %dma_start3A_225 = arith.constant 0 : i32
    %dma_start3A_226 = tpu.memref_slice %arg5[%arg1, %dma_start3A_224, %dma_start3A_225] : memref<16x2x32768xf32, #tpu.memory_space<vmem_shared>> -> memref<1x1x32768xf32, #tpu.memory_space<vmem_shared>>
    %dma_start3A_227 = tpu.memref_squeeze %dma_start3A_226 : memref<1x1x32768xf32, #tpu.memory_space<vmem_shared>> -> memref<32768xf32, #tpu.memory_space<vmem_shared>>
    %dma_start3A_228 = tpu.memref_slice %arg2[%add3A_223] : memref<33554432xf32, #tpu.memory_space<hbm>> -> memref<32768xf32, #tpu.memory_space<hbm>>
    tpu.enqueue_dma source(%dma_start3A_228 : memref<32768xf32, #tpu.memory_space<hbm>>) target(%dma_start3A_227 : memref<32768xf32, #tpu.memory_space<vmem_shared>>) target_semaphore(%arg6 : memref<!tpu.dma_semaphore, #tpu.memory_space<semaphore_mem>>)
    %dma_wait3A_229 = arith.constant 0 : i32
    %dma_wait3A_230 = arith.constant 0 : i32
    %dma_wait3A_231 = tpu.memref_slice %arg5[%arg1, %dma_wait3A_229, %dma_wait3A_230] : memref<16x2x32768xf32, #tpu.memory_space<vmem_shared>> -> memref<1x1x32768xf32, #tpu.memory_space<vmem_shared>>
    %dma_wait3A_232 = tpu.memref_squeeze %dma_wait3A_231 : memref<1x1x32768xf32, #tpu.memory_space<vmem_shared>> -> memref<32768xf32, #tpu.memory_space<vmem_shared>>
    %dma_wait3A_233 = tpu.memref_slice %arg2[%add3A_223] : memref<33554432xf32, #tpu.memory_space<hbm>> -> memref<32768xf32, #tpu.memory_space<hbm>>
    tpu.wait_dma2 semaphore(%arg6 : memref<!tpu.dma_semaphore, #tpu.memory_space<semaphore_mem>>) src(%dma_wait3A_233 : memref<32768xf32, #tpu.memory_space<hbm>>) dst(%dma_wait3A_232 : memref<32768xf32, #tpu.memory_space<vmem_shared>>)
    %add3A_234 = arith.constant 0 : i32
    %add3A_235 = arith.addi %add3A_234, %mul3A_2 : i32
    %add3A_236 = arith.constant 65536 : i32
    %add3A_237 = arith.addi %add3A_235, %add3A_236 : i32
    %dma_start3A_238 = arith.constant 0 : i32
    %dma_start3A_239 = tpu.memref_slice %arg4[%add3A_237] : memref<33554432xf32, #tpu.memory_space<hbm>> -> memref<32768xf32, #tpu.memory_space<hbm>>
    %dma_start3A_240 = arith.constant 0 : i32
    %dma_start3A_241 = tpu.memref_slice %arg5[%arg1, %dma_start3A_238, %dma_start3A_240] : memref<16x2x32768xf32, #tpu.memory_space<vmem_shared>> -> memref<1x1x32768xf32, #tpu.memory_space<vmem_shared>>
    %dma_start3A_242 = tpu.memref_squeeze %dma_start3A_241 : memref<1x1x32768xf32, #tpu.memory_space<vmem_shared>> -> memref<32768xf32, #tpu.memory_space<vmem_shared>>
    tpu.enqueue_dma source(%dma_start3A_242 : memref<32768xf32, #tpu.memory_space<vmem_shared>>) target(%dma_start3A_239 : memref<32768xf32, #tpu.memory_space<hbm>>) target_semaphore(%arg8 : memref<!tpu.dma_semaphore, #tpu.memory_space<semaphore_mem>>)
    %dma_wait3A_243 = arith.constant 1 : i32
    %dma_wait3A_244 = tpu.memref_slice %arg4[%add3A_209] : memref<33554432xf32, #tpu.memory_space<hbm>> -> memref<32768xf32, #tpu.memory_space<hbm>>
    %dma_wait3A_245 = arith.constant 0 : i32
    %dma_wait3A_246 = tpu.memref_slice %arg5[%arg1, %dma_wait3A_243, %dma_wait3A_245] : memref<16x2x32768xf32, #tpu.memory_space<vmem_shared>> -> memref<1x1x32768xf32, #tpu.memory_space<vmem_shared>>
    %dma_wait3A_247 = tpu.memref_squeeze %dma_wait3A_246 : memref<1x1x32768xf32, #tpu.memory_space<vmem_shared>> -> memref<32768xf32, #tpu.memory_space<vmem_shared>>
    tpu.wait_dma2 semaphore(%arg9 : memref<!tpu.dma_semaphore, #tpu.memory_space<semaphore_mem>>) src(%dma_wait3A_247 : memref<32768xf32, #tpu.memory_space<vmem_shared>>) dst(%dma_wait3A_244 : memref<32768xf32, #tpu.memory_space<hbm>>)
    %add3A_248 = arith.constant 8388608 : i32
    %add3A_249 = arith.addi %add3A_248, %mul3A_2 : i32
    %add3A_250 = arith.constant 65536 : i32
    %add3A_251 = arith.addi %add3A_249, %add3A_250 : i32
    %dma_start3A_252 = arith.constant 1 : i32
    %dma_start3A_253 = arith.constant 0 : i32
    %dma_start3A_254 = tpu.memref_slice %arg5[%arg1, %dma_start3A_252, %dma_start3A_253] : memref<16x2x32768xf32, #tpu.memory_space<vmem_shared>> -> memref<1x1x32768xf32, #tpu.memory_space<vmem_shared>>
    %dma_start3A_255 = tpu.memref_squeeze %dma_start3A_254 : memref<1x1x32768xf32, #tpu.memory_space<vmem_shared>> -> memref<32768xf32, #tpu.memory_space<vmem_shared>>
    %dma_start3A_256 = tpu.memref_slice %arg2[%add3A_251] : memref<33554432xf32, #tpu.memory_space<hbm>> -> memref<32768xf32, #tpu.memory_space<hbm>>
    tpu.enqueue_dma source(%dma_start3A_256 : memref<32768xf32, #tpu.memory_space<hbm>>) target(%dma_start3A_255 : memref<32768xf32, #tpu.memory_space<vmem_shared>>) target_semaphore(%arg7 : memref<!tpu.dma_semaphore, #tpu.memory_space<semaphore_mem>>)
    %dma_wait3A_257 = arith.constant 1 : i32
    %dma_wait3A_258 = arith.constant 0 : i32
    %dma_wait3A_259 = tpu.memref_slice %arg5[%arg1, %dma_wait3A_257, %dma_wait3A_258] : memref<16x2x32768xf32, #tpu.memory_space<vmem_shared>> -> memref<1x1x32768xf32, #tpu.memory_space<vmem_shared>>
    %dma_wait3A_260 = tpu.memref_squeeze %dma_wait3A_259 : memref<1x1x32768xf32, #tpu.memory_space<vmem_shared>> -> memref<32768xf32, #tpu.memory_space<vmem_shared>>
    %dma_wait3A_261 = tpu.memref_slice %arg2[%add3A_251] : memref<33554432xf32, #tpu.memory_space<hbm>> -> memref<32768xf32, #tpu.memory_space<hbm>>
    tpu.wait_dma2 semaphore(%arg7 : memref<!tpu.dma_semaphore, #tpu.memory_space<semaphore_mem>>) src(%dma_wait3A_261 : memref<32768xf32, #tpu.memory_space<hbm>>) dst(%dma_wait3A_260 : memref<32768xf32, #tpu.memory_space<vmem_shared>>)
    %add3A_262 = arith.constant 8388608 : i32
    %add3A_263 = arith.addi %add3A_262, %mul3A_2 : i32
    %add3A_264 = arith.constant 65536 : i32
    %add3A_265 = arith.addi %add3A_263, %add3A_264 : i32
    %dma_start3A_266 = arith.constant 1 : i32
    %dma_start3A_267 = tpu.memref_slice %arg4[%add3A_265] : memref<33554432xf32, #tpu.memory_space<hbm>> -> memref<32768xf32, #tpu.memory_space<hbm>>
    %dma_start3A_268 = arith.constant 0 : i32
    %dma_start3A_269 = tpu.memref_slice %arg5[%arg1, %dma_start3A_266, %dma_start3A_268] : memref<16x2x32768xf32, #tpu.memory_space<vmem_shared>> -> memref<1x1x32768xf32, #tpu.memory_space<vmem_shared>>
    %dma_start3A_270 = tpu.memref_squeeze %dma_start3A_269 : memref<1x1x32768xf32, #tpu.memory_space<vmem_shared>> -> memref<32768xf32, #tpu.memory_space<vmem_shared>>
    tpu.enqueue_dma source(%dma_start3A_270 : memref<32768xf32, #tpu.memory_space<vmem_shared>>) target(%dma_start3A_267 : memref<32768xf32, #tpu.memory_space<hbm>>) target_semaphore(%arg9 : memref<!tpu.dma_semaphore, #tpu.memory_space<semaphore_mem>>)
    %dma_wait3A_271 = arith.constant 0 : i32
    %dma_wait3A_272 = tpu.memref_slice %arg4[%add3A_237] : memref<33554432xf32, #tpu.memory_space<hbm>> -> memref<32768xf32, #tpu.memory_space<hbm>>
    %dma_wait3A_273 = arith.constant 0 : i32
    %dma_wait3A_274 = tpu.memref_slice %arg5[%arg1, %dma_wait3A_271, %dma_wait3A_273] : memref<16x2x32768xf32, #tpu.memory_space<vmem_shared>> -> memref<1x1x32768xf32, #tpu.memory_space<vmem_shared>>
    %dma_wait3A_275 = tpu.memref_squeeze %dma_wait3A_274 : memref<1x1x32768xf32, #tpu.memory_space<vmem_shared>> -> memref<32768xf32, #tpu.memory_space<vmem_shared>>
    tpu.wait_dma2 semaphore(%arg8 : memref<!tpu.dma_semaphore, #tpu.memory_space<semaphore_mem>>) src(%dma_wait3A_275 : memref<32768xf32, #tpu.memory_space<vmem_shared>>) dst(%dma_wait3A_272 : memref<32768xf32, #tpu.memory_space<hbm>>)
    %add3A_276 = arith.constant 16777216 : i32
    %add3A_277 = arith.addi %add3A_276, %mul3A_2 : i32
    %add3A_278 = arith.constant 65536 : i32
    %add3A_279 = arith.addi %add3A_277, %add3A_278 : i32
    %dma_start3A_280 = arith.constant 0 : i32
    %dma_start3A_281 = arith.constant 0 : i32
    %dma_start3A_282 = tpu.memref_slice %arg5[%arg1, %dma_start3A_280, %dma_start3A_281] : memref<16x2x32768xf32, #tpu.memory_space<vmem_shared>> -> memref<1x1x32768xf32, #tpu.memory_space<vmem_shared>>
    %dma_start3A_283 = tpu.memref_squeeze %dma_start3A_282 : memref<1x1x32768xf32, #tpu.memory_space<vmem_shared>> -> memref<32768xf32, #tpu.memory_space<vmem_shared>>
    %dma_start3A_284 = tpu.memref_slice %arg2[%add3A_279] : memref<33554432xf32, #tpu.memory_space<hbm>> -> memref<32768xf32, #tpu.memory_space<hbm>>
    tpu.enqueue_dma source(%dma_start3A_284 : memref<32768xf32, #tpu.memory_space<hbm>>) target(%dma_start3A_283 : memref<32768xf32, #tpu.memory_space<vmem_shared>>) target_semaphore(%arg6 : memref<!tpu.dma_semaphore, #tpu.memory_space<semaphore_mem>>)
    %dma_wait3A_285 = arith.constant 0 : i32
    %dma_wait3A_286 = arith.constant 0 : i32
    %dma_wait3A_287 = tpu.memref_slice %arg5[%arg1, %dma_wait3A_285, %dma_wait3A_286] : memref<16x2x32768xf32, #tpu.memory_space<vmem_shared>> -> memref<1x1x32768xf32, #tpu.memory_space<vmem_shared>>
    %dma_wait3A_288 = tpu.memref_squeeze %dma_wait3A_287 : memref<1x1x32768xf32, #tpu.memory_space<vmem_shared>> -> memref<32768xf32, #tpu.memory_space<vmem_shared>>
    %dma_wait3A_289 = tpu.memref_slice %arg2[%add3A_279] : memref<33554432xf32, #tpu.memory_space<hbm>> -> memref<32768xf32, #tpu.memory_space<hbm>>
    tpu.wait_dma2 semaphore(%arg6 : memref<!tpu.dma_semaphore, #tpu.memory_space<semaphore_mem>>) src(%dma_wait3A_289 : memref<32768xf32, #tpu.memory_space<hbm>>) dst(%dma_wait3A_288 : memref<32768xf32, #tpu.memory_space<vmem_shared>>)
    %add3A_290 = arith.constant 16777216 : i32
    %add3A_291 = arith.addi %add3A_290, %mul3A_2 : i32
    %add3A_292 = arith.constant 65536 : i32
    %add3A_293 = arith.addi %add3A_291, %add3A_292 : i32
    %dma_start3A_294 = arith.constant 0 : i32
    %dma_start3A_295 = tpu.memref_slice %arg4[%add3A_293] : memref<33554432xf32, #tpu.memory_space<hbm>> -> memref<32768xf32, #tpu.memory_space<hbm>>
    %dma_start3A_296 = arith.constant 0 : i32
    %dma_start3A_297 = tpu.memref_slice %arg5[%arg1, %dma_start3A_294, %dma_start3A_296] : memref<16x2x32768xf32, #tpu.memory_space<vmem_shared>> -> memref<1x1x32768xf32, #tpu.memory_space<vmem_shared>>
    %dma_start3A_298 = tpu.memref_squeeze %dma_start3A_297 : memref<1x1x32768xf32, #tpu.memory_space<vmem_shared>> -> memref<32768xf32, #tpu.memory_space<vmem_shared>>
    tpu.enqueue_dma source(%dma_start3A_298 : memref<32768xf32, #tpu.memory_space<vmem_shared>>) target(%dma_start3A_295 : memref<32768xf32, #tpu.memory_space<hbm>>) target_semaphore(%arg8 : memref<!tpu.dma_semaphore, #tpu.memory_space<semaphore_mem>>)
    %dma_wait3A_299 = arith.constant 1 : i32
    %dma_wait3A_300 = tpu.memref_slice %arg4[%add3A_265] : memref<33554432xf32, #tpu.memory_space<hbm>> -> memref<32768xf32, #tpu.memory_space<hbm>>
    %dma_wait3A_301 = arith.constant 0 : i32
    %dma_wait3A_302 = tpu.memref_slice %arg5[%arg1, %dma_wait3A_299, %dma_wait3A_301] : memref<16x2x32768xf32, #tpu.memory_space<vmem_shared>> -> memref<1x1x32768xf32, #tpu.memory_space<vmem_shared>>
    %dma_wait3A_303 = tpu.memref_squeeze %dma_wait3A_302 : memref<1x1x32768xf32, #tpu.memory_space<vmem_shared>> -> memref<32768xf32, #tpu.memory_space<vmem_shared>>
    tpu.wait_dma2 semaphore(%arg9 : memref<!tpu.dma_semaphore, #tpu.memory_space<semaphore_mem>>) src(%dma_wait3A_303 : memref<32768xf32, #tpu.memory_space<vmem_shared>>) dst(%dma_wait3A_300 : memref<32768xf32, #tpu.memory_space<hbm>>)
    %add3A_304 = arith.constant 25165824 : i32
    %add3A_305 = arith.addi %add3A_304, %mul3A_2 : i32
    %add3A_306 = arith.constant 65536 : i32
    %add3A_307 = arith.addi %add3A_305, %add3A_306 : i32
    %dma_start3A_308 = arith.constant 1 : i32
    %dma_start3A_309 = arith.constant 0 : i32
    %dma_start3A_310 = tpu.memref_slice %arg5[%arg1, %dma_start3A_308, %dma_start3A_309] : memref<16x2x32768xf32, #tpu.memory_space<vmem_shared>> -> memref<1x1x32768xf32, #tpu.memory_space<vmem_shared>>
    %dma_start3A_311 = tpu.memref_squeeze %dma_start3A_310 : memref<1x1x32768xf32, #tpu.memory_space<vmem_shared>> -> memref<32768xf32, #tpu.memory_space<vmem_shared>>
    %dma_start3A_312 = tpu.memref_slice %arg2[%add3A_307] : memref<33554432xf32, #tpu.memory_space<hbm>> -> memref<32768xf32, #tpu.memory_space<hbm>>
    tpu.enqueue_dma source(%dma_start3A_312 : memref<32768xf32, #tpu.memory_space<hbm>>) target(%dma_start3A_311 : memref<32768xf32, #tpu.memory_space<vmem_shared>>) target_semaphore(%arg7 : memref<!tpu.dma_semaphore, #tpu.memory_space<semaphore_mem>>)
    %dma_wait3A_313 = arith.constant 1 : i32
    %dma_wait3A_314 = arith.constant 0 : i32
    %dma_wait3A_315 = tpu.memref_slice %arg5[%arg1, %dma_wait3A_313, %dma_wait3A_314] : memref<16x2x32768xf32, #tpu.memory_space<vmem_shared>> -> memref<1x1x32768xf32, #tpu.memory_space<vmem_shared>>
    %dma_wait3A_316 = tpu.memref_squeeze %dma_wait3A_315 : memref<1x1x32768xf32, #tpu.memory_space<vmem_shared>> -> memref<32768xf32, #tpu.memory_space<vmem_shared>>
    %dma_wait3A_317 = tpu.memref_slice %arg2[%add3A_307] : memref<33554432xf32, #tpu.memory_space<hbm>> -> memref<32768xf32, #tpu.memory_space<hbm>>
    tpu.wait_dma2 semaphore(%arg7 : memref<!tpu.dma_semaphore, #tpu.memory_space<semaphore_mem>>) src(%dma_wait3A_317 : memref<32768xf32, #tpu.memory_space<hbm>>) dst(%dma_wait3A_316 : memref<32768xf32, #tpu.memory_space<vmem_shared>>)
    %add3A_318 = arith.constant 25165824 : i32
    %add3A_319 = arith.addi %add3A_318, %mul3A_2 : i32
    %add3A_320 = arith.constant 65536 : i32
    %add3A_321 = arith.addi %add3A_319, %add3A_320 : i32
    %dma_start3A_322 = arith.constant 1 : i32
    %dma_start3A_323 = tpu.memref_slice %arg4[%add3A_321] : memref<33554432xf32, #tpu.memory_space<hbm>> -> memref<32768xf32, #tpu.memory_space<hbm>>
    %dma_start3A_324 = arith.constant 0 : i32
    %dma_start3A_325 = tpu.memref_slice %arg5[%arg1, %dma_start3A_322, %dma_start3A_324] : memref<16x2x32768xf32, #tpu.memory_space<vmem_shared>> -> memref<1x1x32768xf32, #tpu.memory_space<vmem_shared>>
    %dma_start3A_326 = tpu.memref_squeeze %dma_start3A_325 : memref<1x1x32768xf32, #tpu.memory_space<vmem_shared>> -> memref<32768xf32, #tpu.memory_space<vmem_shared>>
    tpu.enqueue_dma source(%dma_start3A_326 : memref<32768xf32, #tpu.memory_space<vmem_shared>>) target(%dma_start3A_323 : memref<32768xf32, #tpu.memory_space<hbm>>) target_semaphore(%arg9 : memref<!tpu.dma_semaphore, #tpu.memory_space<semaphore_mem>>)
    %dma_wait3A_327 = arith.constant 0 : i32
    %dma_wait3A_328 = tpu.memref_slice %arg4[%add3A_293] : memref<33554432xf32, #tpu.memory_space<hbm>> -> memref<32768xf32, #tpu.memory_space<hbm>>
    %dma_wait3A_329 = arith.constant 0 : i32
    %dma_wait3A_330 = tpu.memref_slice %arg5[%arg1, %dma_wait3A_327, %dma_wait3A_329] : memref<16x2x32768xf32, #tpu.memory_space<vmem_shared>> -> memref<1x1x32768xf32, #tpu.memory_space<vmem_shared>>
    %dma_wait3A_331 = tpu.memref_squeeze %dma_wait3A_330 : memref<1x1x32768xf32, #tpu.memory_space<vmem_shared>> -> memref<32768xf32, #tpu.memory_space<vmem_shared>>
    tpu.wait_dma2 semaphore(%arg8 : memref<!tpu.dma_semaphore, #tpu.memory_space<semaphore_mem>>) src(%dma_wait3A_331 : memref<32768xf32, #tpu.memory_space<vmem_shared>>) dst(%dma_wait3A_328 : memref<32768xf32, #tpu.memory_space<hbm>>)
    %add3A_332 = arith.constant 0 : i32
    %add3A_333 = arith.addi %add3A_332, %mul3A_2 : i32
    %add3A_334 = arith.constant 98304 : i32
    %add3A_335 = arith.addi %add3A_333, %add3A_334 : i32
    %dma_start3A_336 = arith.constant 0 : i32
    %dma_start3A_337 = arith.constant 0 : i32
    %dma_start3A_338 = tpu.memref_slice %arg5[%arg1, %dma_start3A_336, %dma_start3A_337] : memref<16x2x32768xf32, #tpu.memory_space<vmem_shared>> -> memref<1x1x32768xf32, #tpu.memory_space<vmem_shared>>
    %dma_start3A_339 = tpu.memref_squeeze %dma_start3A_338 : memref<1x1x32768xf32, #tpu.memory_space<vmem_shared>> -> memref<32768xf32, #tpu.memory_space<vmem_shared>>
    %dma_start3A_340 = tpu.memref_slice %arg2[%add3A_335] : memref<33554432xf32, #tpu.memory_space<hbm>> -> memref<32768xf32, #tpu.memory_space<hbm>>
    tpu.enqueue_dma source(%dma_start3A_340 : memref<32768xf32, #tpu.memory_space<hbm>>) target(%dma_start3A_339 : memref<32768xf32, #tpu.memory_space<vmem_shared>>) target_semaphore(%arg6 : memref<!tpu.dma_semaphore, #tpu.memory_space<semaphore_mem>>)
    %dma_wait3A_341 = arith.constant 0 : i32
    %dma_wait3A_342 = arith.constant 0 : i32
    %dma_wait3A_343 = tpu.memref_slice %arg5[%arg1, %dma_wait3A_341, %dma_wait3A_342] : memref<16x2x32768xf32, #tpu.memory_space<vmem_shared>> -> memref<1x1x32768xf32, #tpu.memory_space<vmem_shared>>
    %dma_wait3A_344 = tpu.memref_squeeze %dma_wait3A_343 : memref<1x1x32768xf32, #tpu.memory_space<vmem_shared>> -> memref<32768xf32, #tpu.memory_space<vmem_shared>>
    %dma_wait3A_345 = tpu.memref_slice %arg2[%add3A_335] : memref<33554432xf32, #tpu.memory_space<hbm>> -> memref<32768xf32, #tpu.memory_space<hbm>>
    tpu.wait_dma2 semaphore(%arg6 : memref<!tpu.dma_semaphore, #tpu.memory_space<semaphore_mem>>) src(%dma_wait3A_345 : memref<32768xf32, #tpu.memory_space<hbm>>) dst(%dma_wait3A_344 : memref<32768xf32, #tpu.memory_space<vmem_shared>>)
    %add3A_346 = arith.constant 0 : i32
    %add3A_347 = arith.addi %add3A_346, %mul3A_2 : i32
    %add3A_348 = arith.constant 98304 : i32
    %add3A_349 = arith.addi %add3A_347, %add3A_348 : i32
    %dma_start3A_350 = arith.constant 0 : i32
    %dma_start3A_351 = tpu.memref_slice %arg4[%add3A_349] : memref<33554432xf32, #tpu.memory_space<hbm>> -> memref<32768xf32, #tpu.memory_space<hbm>>
    %dma_start3A_352 = arith.constant 0 : i32
    %dma_start3A_353 = tpu.memref_slice %arg5[%arg1, %dma_start3A_350, %dma_start3A_352] : memref<16x2x32768xf32, #tpu.memory_space<vmem_shared>> -> memref<1x1x32768xf32, #tpu.memory_space<vmem_shared>>
    %dma_start3A_354 = tpu.memref_squeeze %dma_start3A_353 : memref<1x1x32768xf32, #tpu.memory_space<vmem_shared>> -> memref<32768xf32, #tpu.memory_space<vmem_shared>>
    tpu.enqueue_dma source(%dma_start3A_354 : memref<32768xf32, #tpu.memory_space<vmem_shared>>) target(%dma_start3A_351 : memref<32768xf32, #tpu.memory_space<hbm>>) target_semaphore(%arg8 : memref<!tpu.dma_semaphore, #tpu.memory_space<semaphore_mem>>)
    %dma_wait3A_355 = arith.constant 1 : i32
    %dma_wait3A_356 = tpu.memref_slice %arg4[%add3A_321] : memref<33554432xf32, #tpu.memory_space<hbm>> -> memref<32768xf32, #tpu.memory_space<hbm>>
    %dma_wait3A_357 = arith.constant 0 : i32
    %dma_wait3A_358 = tpu.memref_slice %arg5[%arg1, %dma_wait3A_355, %dma_wait3A_357] : memref<16x2x32768xf32, #tpu.memory_space<vmem_shared>> -> memref<1x1x32768xf32, #tpu.memory_space<vmem_shared>>
    %dma_wait3A_359 = tpu.memref_squeeze %dma_wait3A_358 : memref<1x1x32768xf32, #tpu.memory_space<vmem_shared>> -> memref<32768xf32, #tpu.memory_space<vmem_shared>>
    tpu.wait_dma2 semaphore(%arg9 : memref<!tpu.dma_semaphore, #tpu.memory_space<semaphore_mem>>) src(%dma_wait3A_359 : memref<32768xf32, #tpu.memory_space<vmem_shared>>) dst(%dma_wait3A_356 : memref<32768xf32, #tpu.memory_space<hbm>>)
    %add3A_360 = arith.constant 8388608 : i32
    %add3A_361 = arith.addi %add3A_360, %mul3A_2 : i32
    %add3A_362 = arith.constant 98304 : i32
    %add3A_363 = arith.addi %add3A_361, %add3A_362 : i32
    %dma_start3A_364 = arith.constant 1 : i32
    %dma_start3A_365 = arith.constant 0 : i32
    %dma_start3A_366 = tpu.memref_slice %arg5[%arg1, %dma_start3A_364, %dma_start3A_365] : memref<16x2x32768xf32, #tpu.memory_space<vmem_shared>> -> memref<1x1x32768xf32, #tpu.memory_space<vmem_shared>>
    %dma_start3A_367 = tpu.memref_squeeze %dma_start3A_366 : memref<1x1x32768xf32, #tpu.memory_space<vmem_shared>> -> memref<32768xf32, #tpu.memory_space<vmem_shared>>
    %dma_start3A_368 = tpu.memref_slice %arg2[%add3A_363] : memref<33554432xf32, #tpu.memory_space<hbm>> -> memref<32768xf32, #tpu.memory_space<hbm>>
    tpu.enqueue_dma source(%dma_start3A_368 : memref<32768xf32, #tpu.memory_space<hbm>>) target(%dma_start3A_367 : memref<32768xf32, #tpu.memory_space<vmem_shared>>) target_semaphore(%arg7 : memref<!tpu.dma_semaphore, #tpu.memory_space<semaphore_mem>>)
    %dma_wait3A_369 = arith.constant 1 : i32
    %dma_wait3A_370 = arith.constant 0 : i32
    %dma_wait3A_371 = tpu.memref_slice %arg5[%arg1, %dma_wait3A_369, %dma_wait3A_370] : memref<16x2x32768xf32, #tpu.memory_space<vmem_shared>> -> memref<1x1x32768xf32, #tpu.memory_space<vmem_shared>>
    %dma_wait3A_372 = tpu.memref_squeeze %dma_wait3A_371 : memref<1x1x32768xf32, #tpu.memory_space<vmem_shared>> -> memref<32768xf32, #tpu.memory_space<vmem_shared>>
    %dma_wait3A_373 = tpu.memref_slice %arg2[%add3A_363] : memref<33554432xf32, #tpu.memory_space<hbm>> -> memref<32768xf32, #tpu.memory_space<hbm>>
    tpu.wait_dma2 semaphore(%arg7 : memref<!tpu.dma_semaphore, #tpu.memory_space<semaphore_mem>>) src(%dma_wait3A_373 : memref<32768xf32, #tpu.memory_space<hbm>>) dst(%dma_wait3A_372 : memref<32768xf32, #tpu.memory_space<vmem_shared>>)
    %add3A_374 = arith.constant 8388608 : i32
    %add3A_375 = arith.addi %add3A_374, %mul3A_2 : i32
    %add3A_376 = arith.constant 98304 : i32
    %add3A_377 = arith.addi %add3A_375, %add3A_376 : i32
    %dma_start3A_378 = arith.constant 1 : i32
    %dma_start3A_379 = tpu.memref_slice %arg4[%add3A_377] : memref<33554432xf32, #tpu.memory_space<hbm>> -> memref<32768xf32, #tpu.memory_space<hbm>>
    %dma_start3A_380 = arith.constant 0 : i32
    %dma_start3A_381 = tpu.memref_slice %arg5[%arg1, %dma_start3A_378, %dma_start3A_380] : memref<16x2x32768xf32, #tpu.memory_space<vmem_shared>> -> memref<1x1x32768xf32, #tpu.memory_space<vmem_shared>>
    %dma_start3A_382 = tpu.memref_squeeze %dma_start3A_381 : memref<1x1x32768xf32, #tpu.memory_space<vmem_shared>> -> memref<32768xf32, #tpu.memory_space<vmem_shared>>
    tpu.enqueue_dma source(%dma_start3A_382 : memref<32768xf32, #tpu.memory_space<vmem_shared>>) target(%dma_start3A_379 : memref<32768xf32, #tpu.memory_space<hbm>>) target_semaphore(%arg9 : memref<!tpu.dma_semaphore, #tpu.memory_space<semaphore_mem>>)
    %dma_wait3A_383 = arith.constant 0 : i32
    %dma_wait3A_384 = tpu.memref_slice %arg4[%add3A_349] : memref<33554432xf32, #tpu.memory_space<hbm>> -> memref<32768xf32, #tpu.memory_space<hbm>>
    %dma_wait3A_385 = arith.constant 0 : i32
    %dma_wait3A_386 = tpu.memref_slice %arg5[%arg1, %dma_wait3A_383, %dma_wait3A_385] : memref<16x2x32768xf32, #tpu.memory_space<vmem_shared>> -> memref<1x1x32768xf32, #tpu.memory_space<vmem_shared>>
    %dma_wait3A_387 = tpu.memref_squeeze %dma_wait3A_386 : memref<1x1x32768xf32, #tpu.memory_space<vmem_shared>> -> memref<32768xf32, #tpu.memory_space<vmem_shared>>
    tpu.wait_dma2 semaphore(%arg8 : memref<!tpu.dma_semaphore, #tpu.memory_space<semaphore_mem>>) src(%dma_wait3A_387 : memref<32768xf32, #tpu.memory_space<vmem_shared>>) dst(%dma_wait3A_384 : memref<32768xf32, #tpu.memory_space<hbm>>)
    %add3A_388 = arith.constant 16777216 : i32
    %add3A_389 = arith.addi %add3A_388, %mul3A_2 : i32
    %add3A_390 = arith.constant 98304 : i32
    %add3A_391 = arith.addi %add3A_389, %add3A_390 : i32
    %dma_start3A_392 = arith.constant 0 : i32
    %dma_start3A_393 = arith.constant 0 : i32
    %dma_start3A_394 = tpu.memref_slice %arg5[%arg1, %dma_start3A_392, %dma_start3A_393] : memref<16x2x32768xf32, #tpu.memory_space<vmem_shared>> -> memref<1x1x32768xf32, #tpu.memory_space<vmem_shared>>
    %dma_start3A_395 = tpu.memref_squeeze %dma_start3A_394 : memref<1x1x32768xf32, #tpu.memory_space<vmem_shared>> -> memref<32768xf32, #tpu.memory_space<vmem_shared>>
    %dma_start3A_396 = tpu.memref_slice %arg2[%add3A_391] : memref<33554432xf32, #tpu.memory_space<hbm>> -> memref<32768xf32, #tpu.memory_space<hbm>>
    tpu.enqueue_dma source(%dma_start3A_396 : memref<32768xf32, #tpu.memory_space<hbm>>) target(%dma_start3A_395 : memref<32768xf32, #tpu.memory_space<vmem_shared>>) target_semaphore(%arg6 : memref<!tpu.dma_semaphore, #tpu.memory_space<semaphore_mem>>)
    %dma_wait3A_397 = arith.constant 0 : i32
    %dma_wait3A_398 = arith.constant 0 : i32
    %dma_wait3A_399 = tpu.memref_slice %arg5[%arg1, %dma_wait3A_397, %dma_wait3A_398] : memref<16x2x32768xf32, #tpu.memory_space<vmem_shared>> -> memref<1x1x32768xf32, #tpu.memory_space<vmem_shared>>
    %dma_wait3A_400 = tpu.memref_squeeze %dma_wait3A_399 : memref<1x1x32768xf32, #tpu.memory_space<vmem_shared>> -> memref<32768xf32, #tpu.memory_space<vmem_shared>>
    %dma_wait3A_401 = tpu.memref_slice %arg2[%add3A_391] : memref<33554432xf32, #tpu.memory_space<hbm>> -> memref<32768xf32, #tpu.memory_space<hbm>>
    tpu.wait_dma2 semaphore(%arg6 : memref<!tpu.dma_semaphore, #tpu.memory_space<semaphore_mem>>) src(%dma_wait3A_401 : memref<32768xf32, #tpu.memory_space<hbm>>) dst(%dma_wait3A_400 : memref<32768xf32, #tpu.memory_space<vmem_shared>>)
    %add3A_402 = arith.constant 16777216 : i32
    %add3A_403 = arith.addi %add3A_402, %mul3A_2 : i32
    %add3A_404 = arith.constant 98304 : i32
    %add3A_405 = arith.addi %add3A_403, %add3A_404 : i32
    %dma_start3A_406 = arith.constant 0 : i32
    %dma_start3A_407 = tpu.memref_slice %arg4[%add3A_405] : memref<33554432xf32, #tpu.memory_space<hbm>> -> memref<32768xf32, #tpu.memory_space<hbm>>
    %dma_start3A_408 = arith.constant 0 : i32
    %dma_start3A_409 = tpu.memref_slice %arg5[%arg1, %dma_start3A_406, %dma_start3A_408] : memref<16x2x32768xf32, #tpu.memory_space<vmem_shared>> -> memref<1x1x32768xf32, #tpu.memory_space<vmem_shared>>
    %dma_start3A_410 = tpu.memref_squeeze %dma_start3A_409 : memref<1x1x32768xf32, #tpu.memory_space<vmem_shared>> -> memref<32768xf32, #tpu.memory_space<vmem_shared>>
    tpu.enqueue_dma source(%dma_start3A_410 : memref<32768xf32, #tpu.memory_space<vmem_shared>>) target(%dma_start3A_407 : memref<32768xf32, #tpu.memory_space<hbm>>) target_semaphore(%arg8 : memref<!tpu.dma_semaphore, #tpu.memory_space<semaphore_mem>>)
    %dma_wait3A_411 = arith.constant 1 : i32
    %dma_wait3A_412 = tpu.memref_slice %arg4[%add3A_377] : memref<33554432xf32, #tpu.memory_space<hbm>> -> memref<32768xf32, #tpu.memory_space<hbm>>
    %dma_wait3A_413 = arith.constant 0 : i32
    %dma_wait3A_414 = tpu.memref_slice %arg5[%arg1, %dma_wait3A_411, %dma_wait3A_413] : memref<16x2x32768xf32, #tpu.memory_space<vmem_shared>> -> memref<1x1x32768xf32, #tpu.memory_space<vmem_shared>>
    %dma_wait3A_415 = tpu.memref_squeeze %dma_wait3A_414 : memref<1x1x32768xf32, #tpu.memory_space<vmem_shared>> -> memref<32768xf32, #tpu.memory_space<vmem_shared>>
    tpu.wait_dma2 semaphore(%arg9 : memref<!tpu.dma_semaphore, #tpu.memory_space<semaphore_mem>>) src(%dma_wait3A_415 : memref<32768xf32, #tpu.memory_space<vmem_shared>>) dst(%dma_wait3A_412 : memref<32768xf32, #tpu.memory_space<hbm>>)
    %add3A_416 = arith.constant 25165824 : i32
    %add3A_417 = arith.addi %add3A_416, %mul3A_2 : i32
    %add3A_418 = arith.constant 98304 : i32
    %add3A_419 = arith.addi %add3A_417, %add3A_418 : i32
    %dma_start3A_420 = arith.constant 1 : i32
    %dma_start3A_421 = arith.constant 0 : i32
    %dma_start3A_422 = tpu.memref_slice %arg5[%arg1, %dma_start3A_420, %dma_start3A_421] : memref<16x2x32768xf32, #tpu.memory_space<vmem_shared>> -> memref<1x1x32768xf32, #tpu.memory_space<vmem_shared>>
    %dma_start3A_423 = tpu.memref_squeeze %dma_start3A_422 : memref<1x1x32768xf32, #tpu.memory_space<vmem_shared>> -> memref<32768xf32, #tpu.memory_space<vmem_shared>>
    %dma_start3A_424 = tpu.memref_slice %arg2[%add3A_419] : memref<33554432xf32, #tpu.memory_space<hbm>> -> memref<32768xf32, #tpu.memory_space<hbm>>
    tpu.enqueue_dma source(%dma_start3A_424 : memref<32768xf32, #tpu.memory_space<hbm>>) target(%dma_start3A_423 : memref<32768xf32, #tpu.memory_space<vmem_shared>>) target_semaphore(%arg7 : memref<!tpu.dma_semaphore, #tpu.memory_space<semaphore_mem>>)
    %dma_wait3A_425 = arith.constant 1 : i32
    %dma_wait3A_426 = arith.constant 0 : i32
    %dma_wait3A_427 = tpu.memref_slice %arg5[%arg1, %dma_wait3A_425, %dma_wait3A_426] : memref<16x2x32768xf32, #tpu.memory_space<vmem_shared>> -> memref<1x1x32768xf32, #tpu.memory_space<vmem_shared>>
    %dma_wait3A_428 = tpu.memref_squeeze %dma_wait3A_427 : memref<1x1x32768xf32, #tpu.memory_space<vmem_shared>> -> memref<32768xf32, #tpu.memory_space<vmem_shared>>
    %dma_wait3A_429 = tpu.memref_slice %arg2[%add3A_419] : memref<33554432xf32, #tpu.memory_space<hbm>> -> memref<32768xf32, #tpu.memory_space<hbm>>
    tpu.wait_dma2 semaphore(%arg7 : memref<!tpu.dma_semaphore, #tpu.memory_space<semaphore_mem>>) src(%dma_wait3A_429 : memref<32768xf32, #tpu.memory_space<hbm>>) dst(%dma_wait3A_428 : memref<32768xf32, #tpu.memory_space<vmem_shared>>)
    %add3A_430 = arith.constant 25165824 : i32
    %add3A_431 = arith.addi %add3A_430, %mul3A_2 : i32
    %add3A_432 = arith.constant 98304 : i32
    %add3A_433 = arith.addi %add3A_431, %add3A_432 : i32
    %dma_start3A_434 = arith.constant 1 : i32
    %dma_start3A_435 = tpu.memref_slice %arg4[%add3A_433] : memref<33554432xf32, #tpu.memory_space<hbm>> -> memref<32768xf32, #tpu.memory_space<hbm>>
    %dma_start3A_436 = arith.constant 0 : i32
    %dma_start3A_437 = tpu.memref_slice %arg5[%arg1, %dma_start3A_434, %dma_start3A_436] : memref<16x2x32768xf32, #tpu.memory_space<vmem_shared>> -> memref<1x1x32768xf32, #tpu.memory_space<vmem_shared>>
    %dma_start3A_438 = tpu.memref_squeeze %dma_start3A_437 : memref<1x1x32768xf32, #tpu.memory_space<vmem_shared>> -> memref<32768xf32, #tpu.memory_space<vmem_shared>>
    tpu.enqueue_dma source(%dma_start3A_438 : memref<32768xf32, #tpu.memory_space<vmem_shared>>) target(%dma_start3A_435 : memref<32768xf32, #tpu.memory_space<hbm>>) target_semaphore(%arg9 : memref<!tpu.dma_semaphore, #tpu.memory_space<semaphore_mem>>)
    %dma_wait3A_439 = arith.constant 0 : i32
    %dma_wait3A_440 = tpu.memref_slice %arg4[%add3A_405] : memref<33554432xf32, #tpu.memory_space<hbm>> -> memref<32768xf32, #tpu.memory_space<hbm>>
    %dma_wait3A_441 = arith.constant 0 : i32
    %dma_wait3A_442 = tpu.memref_slice %arg5[%arg1, %dma_wait3A_439, %dma_wait3A_441] : memref<16x2x32768xf32, #tpu.memory_space<vmem_shared>> -> memref<1x1x32768xf32, #tpu.memory_space<vmem_shared>>
    %dma_wait3A_443 = tpu.memref_squeeze %dma_wait3A_442 : memref<1x1x32768xf32, #tpu.memory_space<vmem_shared>> -> memref<32768xf32, #tpu.memory_space<vmem_shared>>
    tpu.wait_dma2 semaphore(%arg8 : memref<!tpu.dma_semaphore, #tpu.memory_space<semaphore_mem>>) src(%dma_wait3A_443 : memref<32768xf32, #tpu.memory_space<vmem_shared>>) dst(%dma_wait3A_440 : memref<32768xf32, #tpu.memory_space<hbm>>)
    %add3A_444 = arith.constant 0 : i32
    %add3A_445 = arith.addi %add3A_444, %mul3A_2 : i32
    %add3A_446 = arith.constant 131072 : i32
    %add3A_447 = arith.addi %add3A_445, %add3A_446 : i32
    %dma_start3A_448 = arith.constant 0 : i32
    %dma_start3A_449 = arith.constant 0 : i32
    %dma_start3A_450 = tpu.memref_slice %arg5[%arg1, %dma_start3A_448, %dma_start3A_449] : memref<16x2x32768xf32, #tpu.memory_space<vmem_shared>> -> memref<1x1x32768xf32, #tpu.memory_space<vmem_shared>>
    %dma_start3A_451 = tpu.memref_squeeze %dma_start3A_450 : memref<1x1x32768xf32, #tpu.memory_space<vmem_shared>> -> memref<32768xf32, #tpu.memory_space<vmem_shared>>
    %dma_start3A_452 = tpu.memref_slice %arg2[%add3A_447] : memref<33554432xf32, #tpu.memory_space<hbm>> -> memref<32768xf32, #tpu.memory_space<hbm>>
    tpu.enqueue_dma source(%dma_start3A_452 : memref<32768xf32, #tpu.memory_space<hbm>>) target(%dma_start3A_451 : memref<32768xf32, #tpu.memory_space<vmem_shared>>) target_semaphore(%arg6 : memref<!tpu.dma_semaphore, #tpu.memory_space<semaphore_mem>>)
    %dma_wait3A_453 = arith.constant 0 : i32
    %dma_wait3A_454 = arith.constant 0 : i32
    %dma_wait3A_455 = tpu.memref_slice %arg5[%arg1, %dma_wait3A_453, %dma_wait3A_454] : memref<16x2x32768xf32, #tpu.memory_space<vmem_shared>> -> memref<1x1x32768xf32, #tpu.memory_space<vmem_shared>>
    %dma_wait3A_456 = tpu.memref_squeeze %dma_wait3A_455 : memref<1x1x32768xf32, #tpu.memory_space<vmem_shared>> -> memref<32768xf32, #tpu.memory_space<vmem_shared>>
    %dma_wait3A_457 = tpu.memref_slice %arg2[%add3A_447] : memref<33554432xf32, #tpu.memory_space<hbm>> -> memref<32768xf32, #tpu.memory_space<hbm>>
    tpu.wait_dma2 semaphore(%arg6 : memref<!tpu.dma_semaphore, #tpu.memory_space<semaphore_mem>>) src(%dma_wait3A_457 : memref<32768xf32, #tpu.memory_space<hbm>>) dst(%dma_wait3A_456 : memref<32768xf32, #tpu.memory_space<vmem_shared>>)
    %add3A_458 = arith.constant 0 : i32
    %add3A_459 = arith.addi %add3A_458, %mul3A_2 : i32
    %add3A_460 = arith.constant 131072 : i32
    %add3A_461 = arith.addi %add3A_459, %add3A_460 : i32
    %dma_start3A_462 = arith.constant 0 : i32
    %dma_start3A_463 = tpu.memref_slice %arg4[%add3A_461] : memref<33554432xf32, #tpu.memory_space<hbm>> -> memref<32768xf32, #tpu.memory_space<hbm>>
    %dma_start3A_464 = arith.constant 0 : i32
    %dma_start3A_465 = tpu.memref_slice %arg5[%arg1, %dma_start3A_462, %dma_start3A_464] : memref<16x2x32768xf32, #tpu.memory_space<vmem_shared>> -> memref<1x1x32768xf32, #tpu.memory_space<vmem_shared>>
    %dma_start3A_466 = tpu.memref_squeeze %dma_start3A_465 : memref<1x1x32768xf32, #tpu.memory_space<vmem_shared>> -> memref<32768xf32, #tpu.memory_space<vmem_shared>>
    tpu.enqueue_dma source(%dma_start3A_466 : memref<32768xf32, #tpu.memory_space<vmem_shared>>) target(%dma_start3A_463 : memref<32768xf32, #tpu.memory_space<hbm>>) target_semaphore(%arg8 : memref<!tpu.dma_semaphore, #tpu.memory_space<semaphore_mem>>)
    %dma_wait3A_467 = arith.constant 1 : i32
    %dma_wait3A_468 = tpu.memref_slice %arg4[%add3A_433] : memref<33554432xf32, #tpu.memory_space<hbm>> -> memref<32768xf32, #tpu.memory_space<hbm>>
    %dma_wait3A_469 = arith.constant 0 : i32
    %dma_wait3A_470 = tpu.memref_slice %arg5[%arg1, %dma_wait3A_467, %dma_wait3A_469] : memref<16x2x32768xf32, #tpu.memory_space<vmem_shared>> -> memref<1x1x32768xf32, #tpu.memory_space<vmem_shared>>
    %dma_wait3A_471 = tpu.memref_squeeze %dma_wait3A_470 : memref<1x1x32768xf32, #tpu.memory_space<vmem_shared>> -> memref<32768xf32, #tpu.memory_space<vmem_shared>>
    tpu.wait_dma2 semaphore(%arg9 : memref<!tpu.dma_semaphore, #tpu.memory_space<semaphore_mem>>) src(%dma_wait3A_471 : memref<32768xf32, #tpu.memory_space<vmem_shared>>) dst(%dma_wait3A_468 : memref<32768xf32, #tpu.memory_space<hbm>>)
    %add3A_472 = arith.constant 8388608 : i32
    %add3A_473 = arith.addi %add3A_472, %mul3A_2 : i32
    %add3A_474 = arith.constant 131072 : i32
    %add3A_475 = arith.addi %add3A_473, %add3A_474 : i32
    %dma_start3A_476 = arith.constant 1 : i32
    %dma_start3A_477 = arith.constant 0 : i32
    %dma_start3A_478 = tpu.memref_slice %arg5[%arg1, %dma_start3A_476, %dma_start3A_477] : memref<16x2x32768xf32, #tpu.memory_space<vmem_shared>> -> memref<1x1x32768xf32, #tpu.memory_space<vmem_shared>>
    %dma_start3A_479 = tpu.memref_squeeze %dma_start3A_478 : memref<1x1x32768xf32, #tpu.memory_space<vmem_shared>> -> memref<32768xf32, #tpu.memory_space<vmem_shared>>
    %dma_start3A_480 = tpu.memref_slice %arg2[%add3A_475] : memref<33554432xf32, #tpu.memory_space<hbm>> -> memref<32768xf32, #tpu.memory_space<hbm>>
    tpu.enqueue_dma source(%dma_start3A_480 : memref<32768xf32, #tpu.memory_space<hbm>>) target(%dma_start3A_479 : memref<32768xf32, #tpu.memory_space<vmem_shared>>) target_semaphore(%arg7 : memref<!tpu.dma_semaphore, #tpu.memory_space<semaphore_mem>>)
    %dma_wait3A_481 = arith.constant 1 : i32
    %dma_wait3A_482 = arith.constant 0 : i32
    %dma_wait3A_483 = tpu.memref_slice %arg5[%arg1, %dma_wait3A_481, %dma_wait3A_482] : memref<16x2x32768xf32, #tpu.memory_space<vmem_shared>> -> memref<1x1x32768xf32, #tpu.memory_space<vmem_shared>>
    %dma_wait3A_484 = tpu.memref_squeeze %dma_wait3A_483 : memref<1x1x32768xf32, #tpu.memory_space<vmem_shared>> -> memref<32768xf32, #tpu.memory_space<vmem_shared>>
    %dma_wait3A_485 = tpu.memref_slice %arg2[%add3A_475] : memref<33554432xf32, #tpu.memory_space<hbm>> -> memref<32768xf32, #tpu.memory_space<hbm>>
    tpu.wait_dma2 semaphore(%arg7 : memref<!tpu.dma_semaphore, #tpu.memory_space<semaphore_mem>>) src(%dma_wait3A_485 : memref<32768xf32, #tpu.memory_space<hbm>>) dst(%dma_wait3A_484 : memref<32768xf32, #tpu.memory_space<vmem_shared>>)
    %add3A_486 = arith.constant 8388608 : i32
    %add3A_487 = arith.addi %add3A_486, %mul3A_2 : i32
    %add3A_488 = arith.constant 131072 : i32
    %add3A_489 = arith.addi %add3A_487, %add3A_488 : i32
    %dma_start3A_490 = arith.constant 1 : i32
    %dma_start3A_491 = tpu.memref_slice %arg4[%add3A_489] : memref<33554432xf32, #tpu.memory_space<hbm>> -> memref<32768xf32, #tpu.memory_space<hbm>>
    %dma_start3A_492 = arith.constant 0 : i32
    %dma_start3A_493 = tpu.memref_slice %arg5[%arg1, %dma_start3A_490, %dma_start3A_492] : memref<16x2x32768xf32, #tpu.memory_space<vmem_shared>> -> memref<1x1x32768xf32, #tpu.memory_space<vmem_shared>>
    %dma_start3A_494 = tpu.memref_squeeze %dma_start3A_493 : memref<1x1x32768xf32, #tpu.memory_space<vmem_shared>> -> memref<32768xf32, #tpu.memory_space<vmem_shared>>
    tpu.enqueue_dma source(%dma_start3A_494 : memref<32768xf32, #tpu.memory_space<vmem_shared>>) target(%dma_start3A_491 : memref<32768xf32, #tpu.memory_space<hbm>>) target_semaphore(%arg9 : memref<!tpu.dma_semaphore, #tpu.memory_space<semaphore_mem>>)
    %dma_wait3A_495 = arith.constant 0 : i32
    %dma_wait3A_496 = tpu.memref_slice %arg4[%add3A_461] : memref<33554432xf32, #tpu.memory_space<hbm>> -> memref<32768xf32, #tpu.memory_space<hbm>>
    %dma_wait3A_497 = arith.constant 0 : i32
    %dma_wait3A_498 = tpu.memref_slice %arg5[%arg1, %dma_wait3A_495, %dma_wait3A_497] : memref<16x2x32768xf32, #tpu.memory_space<vmem_shared>> -> memref<1x1x32768xf32, #tpu.memory_space<vmem_shared>>
    %dma_wait3A_499 = tpu.memref_squeeze %dma_wait3A_498 : memref<1x1x32768xf32, #tpu.memory_space<vmem_shared>> -> memref<32768xf32, #tpu.memory_space<vmem_shared>>
    tpu.wait_dma2 semaphore(%arg8 : memref<!tpu.dma_semaphore, #tpu.memory_space<semaphore_mem>>) src(%dma_wait3A_499 : memref<32768xf32, #tpu.memory_space<vmem_shared>>) dst(%dma_wait3A_496 : memref<32768xf32, #tpu.memory_space<hbm>>)
    %add3A_500 = arith.constant 16777216 : i32
    %add3A_501 = arith.addi %add3A_500, %mul3A_2 : i32
    %add3A_502 = arith.constant 131072 : i32
    %add3A_503 = arith.addi %add3A_501, %add3A_502 : i32
    %dma_start3A_504 = arith.constant 0 : i32
    %dma_start3A_505 = arith.constant 0 : i32
    %dma_start3A_506 = tpu.memref_slice %arg5[%arg1, %dma_start3A_504, %dma_start3A_505] : memref<16x2x32768xf32, #tpu.memory_space<vmem_shared>> -> memref<1x1x32768xf32, #tpu.memory_space<vmem_shared>>
    %dma_start3A_507 = tpu.memref_squeeze %dma_start3A_506 : memref<1x1x32768xf32, #tpu.memory_space<vmem_shared>> -> memref<32768xf32, #tpu.memory_space<vmem_shared>>
    %dma_start3A_508 = tpu.memref_slice %arg2[%add3A_503] : memref<33554432xf32, #tpu.memory_space<hbm>> -> memref<32768xf32, #tpu.memory_space<hbm>>
    tpu.enqueue_dma source(%dma_start3A_508 : memref<32768xf32, #tpu.memory_space<hbm>>) target(%dma_start3A_507 : memref<32768xf32, #tpu.memory_space<vmem_shared>>) target_semaphore(%arg6 : memref<!tpu.dma_semaphore, #tpu.memory_space<semaphore_mem>>)
    %dma_wait3A_509 = arith.constant 0 : i32
    %dma_wait3A_510 = arith.constant 0 : i32
    %dma_wait3A_511 = tpu.memref_slice %arg5[%arg1, %dma_wait3A_509, %dma_wait3A_510] : memref<16x2x32768xf32, #tpu.memory_space<vmem_shared>> -> memref<1x1x32768xf32, #tpu.memory_space<vmem_shared>>
    %dma_wait3A_512 = tpu.memref_squeeze %dma_wait3A_511 : memref<1x1x32768xf32, #tpu.memory_space<vmem_shared>> -> memref<32768xf32, #tpu.memory_space<vmem_shared>>
    %dma_wait3A_513 = tpu.memref_slice %arg2[%add3A_503] : memref<33554432xf32, #tpu.memory_space<hbm>> -> memref<32768xf32, #tpu.memory_space<hbm>>
    tpu.wait_dma2 semaphore(%arg6 : memref<!tpu.dma_semaphore, #tpu.memory_space<semaphore_mem>>) src(%dma_wait3A_513 : memref<32768xf32, #tpu.memory_space<hbm>>) dst(%dma_wait3A_512 : memref<32768xf32, #tpu.memory_space<vmem_shared>>)
    %add3A_514 = arith.constant 16777216 : i32
    %add3A_515 = arith.addi %add3A_514, %mul3A_2 : i32
    %add3A_516 = arith.constant 131072 : i32
    %add3A_517 = arith.addi %add3A_515, %add3A_516 : i32
    %dma_start3A_518 = arith.constant 0 : i32
    %dma_start3A_519 = tpu.memref_slice %arg4[%add3A_517] : memref<33554432xf32, #tpu.memory_space<hbm>> -> memref<32768xf32, #tpu.memory_space<hbm>>
    %dma_start3A_520 = arith.constant 0 : i32
    %dma_start3A_521 = tpu.memref_slice %arg5[%arg1, %dma_start3A_518, %dma_start3A_520] : memref<16x2x32768xf32, #tpu.memory_space<vmem_shared>> -> memref<1x1x32768xf32, #tpu.memory_space<vmem_shared>>
    %dma_start3A_522 = tpu.memref_squeeze %dma_start3A_521 : memref<1x1x32768xf32, #tpu.memory_space<vmem_shared>> -> memref<32768xf32, #tpu.memory_space<vmem_shared>>
    tpu.enqueue_dma source(%dma_start3A_522 : memref<32768xf32, #tpu.memory_space<vmem_shared>>) target(%dma_start3A_519 : memref<32768xf32, #tpu.memory_space<hbm>>) target_semaphore(%arg8 : memref<!tpu.dma_semaphore, #tpu.memory_space<semaphore_mem>>)
    %dma_wait3A_523 = arith.constant 1 : i32
    %dma_wait3A_524 = tpu.memref_slice %arg4[%add3A_489] : memref<33554432xf32, #tpu.memory_space<hbm>> -> memref<32768xf32, #tpu.memory_space<hbm>>
    %dma_wait3A_525 = arith.constant 0 : i32
    %dma_wait3A_526 = tpu.memref_slice %arg5[%arg1, %dma_wait3A_523, %dma_wait3A_525] : memref<16x2x32768xf32, #tpu.memory_space<vmem_shared>> -> memref<1x1x32768xf32, #tpu.memory_space<vmem_shared>>
    %dma_wait3A_527 = tpu.memref_squeeze %dma_wait3A_526 : memref<1x1x32768xf32, #tpu.memory_space<vmem_shared>> -> memref<32768xf32, #tpu.memory_space<vmem_shared>>
    tpu.wait_dma2 semaphore(%arg9 : memref<!tpu.dma_semaphore, #tpu.memory_space<semaphore_mem>>) src(%dma_wait3A_527 : memref<32768xf32, #tpu.memory_space<vmem_shared>>) dst(%dma_wait3A_524 : memref<32768xf32, #tpu.memory_space<hbm>>)
    %add3A_528 = arith.constant 25165824 : i32
    %add3A_529 = arith.addi %add3A_528, %mul3A_2 : i32
    %add3A_530 = arith.constant 131072 : i32
    %add3A_531 = arith.addi %add3A_529, %add3A_530 : i32
    %dma_start3A_532 = arith.constant 1 : i32
    %dma_start3A_533 = arith.constant 0 : i32
    %dma_start3A_534 = tpu.memref_slice %arg5[%arg1, %dma_start3A_532, %dma_start3A_533] : memref<16x2x32768xf32, #tpu.memory_space<vmem_shared>> -> memref<1x1x32768xf32, #tpu.memory_space<vmem_shared>>
    %dma_start3A_535 = tpu.memref_squeeze %dma_start3A_534 : memref<1x1x32768xf32, #tpu.memory_space<vmem_shared>> -> memref<32768xf32, #tpu.memory_space<vmem_shared>>
    %dma_start3A_536 = tpu.memref_slice %arg2[%add3A_531] : memref<33554432xf32, #tpu.memory_space<hbm>> -> memref<32768xf32, #tpu.memory_space<hbm>>
    tpu.enqueue_dma source(%dma_start3A_536 : memref<32768xf32, #tpu.memory_space<hbm>>) target(%dma_start3A_535 : memref<32768xf32, #tpu.memory_space<vmem_shared>>) target_semaphore(%arg7 : memref<!tpu.dma_semaphore, #tpu.memory_space<semaphore_mem>>)
    %dma_wait3A_537 = arith.constant 1 : i32
    %dma_wait3A_538 = arith.constant 0 : i32
    %dma_wait3A_539 = tpu.memref_slice %arg5[%arg1, %dma_wait3A_537, %dma_wait3A_538] : memref<16x2x32768xf32, #tpu.memory_space<vmem_shared>> -> memref<1x1x32768xf32, #tpu.memory_space<vmem_shared>>
    %dma_wait3A_540 = tpu.memref_squeeze %dma_wait3A_539 : memref<1x1x32768xf32, #tpu.memory_space<vmem_shared>> -> memref<32768xf32, #tpu.memory_space<vmem_shared>>
    %dma_wait3A_541 = tpu.memref_slice %arg2[%add3A_531] : memref<33554432xf32, #tpu.memory_space<hbm>> -> memref<32768xf32, #tpu.memory_space<hbm>>
    tpu.wait_dma2 semaphore(%arg7 : memref<!tpu.dma_semaphore, #tpu.memory_space<semaphore_mem>>) src(%dma_wait3A_541 : memref<32768xf32, #tpu.memory_space<hbm>>) dst(%dma_wait3A_540 : memref<32768xf32, #tpu.memory_space<vmem_shared>>)
    %add3A_542 = arith.constant 25165824 : i32
    %add3A_543 = arith.addi %add3A_542, %mul3A_2 : i32
    %add3A_544 = arith.constant 131072 : i32
    %add3A_545 = arith.addi %add3A_543, %add3A_544 : i32
    %dma_start3A_546 = arith.constant 1 : i32
    %dma_start3A_547 = tpu.memref_slice %arg4[%add3A_545] : memref<33554432xf32, #tpu.memory_space<hbm>> -> memref<32768xf32, #tpu.memory_space<hbm>>
    %dma_start3A_548 = arith.constant 0 : i32
    %dma_start3A_549 = tpu.memref_slice %arg5[%arg1, %dma_start3A_546, %dma_start3A_548] : memref<16x2x32768xf32, #tpu.memory_space<vmem_shared>> -> memref<1x1x32768xf32, #tpu.memory_space<vmem_shared>>
    %dma_start3A_550 = tpu.memref_squeeze %dma_start3A_549 : memref<1x1x32768xf32, #tpu.memory_space<vmem_shared>> -> memref<32768xf32, #tpu.memory_space<vmem_shared>>
    tpu.enqueue_dma source(%dma_start3A_550 : memref<32768xf32, #tpu.memory_space<vmem_shared>>) target(%dma_start3A_547 : memref<32768xf32, #tpu.memory_space<hbm>>) target_semaphore(%arg9 : memref<!tpu.dma_semaphore, #tpu.memory_space<semaphore_mem>>)
    %dma_wait3A_551 = arith.constant 0 : i32
    %dma_wait3A_552 = tpu.memref_slice %arg4[%add3A_517] : memref<33554432xf32, #tpu.memory_space<hbm>> -> memref<32768xf32, #tpu.memory_space<hbm>>
    %dma_wait3A_553 = arith.constant 0 : i32
    %dma_wait3A_554 = tpu.memref_slice %arg5[%arg1, %dma_wait3A_551, %dma_wait3A_553] : memref<16x2x32768xf32, #tpu.memory_space<vmem_shared>> -> memref<1x1x32768xf32, #tpu.memory_space<vmem_shared>>
    %dma_wait3A_555 = tpu.memref_squeeze %dma_wait3A_554 : memref<1x1x32768xf32, #tpu.memory_space<vmem_shared>> -> memref<32768xf32, #tpu.memory_space<vmem_shared>>
    tpu.wait_dma2 semaphore(%arg8 : memref<!tpu.dma_semaphore, #tpu.memory_space<semaphore_mem>>) src(%dma_wait3A_555 : memref<32768xf32, #tpu.memory_space<vmem_shared>>) dst(%dma_wait3A_552 : memref<32768xf32, #tpu.memory_space<hbm>>)
    %add3A_556 = arith.constant 0 : i32
    %add3A_557 = arith.addi %add3A_556, %mul3A_2 : i32
    %add3A_558 = arith.constant 163840 : i32
    %add3A_559 = arith.addi %add3A_557, %add3A_558 : i32
    %dma_start3A_560 = arith.constant 0 : i32
    %dma_start3A_561 = arith.constant 0 : i32
    %dma_start3A_562 = tpu.memref_slice %arg5[%arg1, %dma_start3A_560, %dma_start3A_561] : memref<16x2x32768xf32, #tpu.memory_space<vmem_shared>> -> memref<1x1x32768xf32, #tpu.memory_space<vmem_shared>>
    %dma_start3A_563 = tpu.memref_squeeze %dma_start3A_562 : memref<1x1x32768xf32, #tpu.memory_space<vmem_shared>> -> memref<32768xf32, #tpu.memory_space<vmem_shared>>
    %dma_start3A_564 = tpu.memref_slice %arg2[%add3A_559] : memref<33554432xf32, #tpu.memory_space<hbm>> -> memref<32768xf32, #tpu.memory_space<hbm>>
    tpu.enqueue_dma source(%dma_start3A_564 : memref<32768xf32, #tpu.memory_space<hbm>>) target(%dma_start3A_563 : memref<32768xf32, #tpu.memory_space<vmem_shared>>) target_semaphore(%arg6 : memref<!tpu.dma_semaphore, #tpu.memory_space<semaphore_mem>>)
    %dma_wait3A_565 = arith.constant 0 : i32
    %dma_wait3A_566 = arith.constant 0 : i32
    %dma_wait3A_567 = tpu.memref_slice %arg5[%arg1, %dma_wait3A_565, %dma_wait3A_566] : memref<16x2x32768xf32, #tpu.memory_space<vmem_shared>> -> memref<1x1x32768xf32, #tpu.memory_space<vmem_shared>>
    %dma_wait3A_568 = tpu.memref_squeeze %dma_wait3A_567 : memref<1x1x32768xf32, #tpu.memory_space<vmem_shared>> -> memref<32768xf32, #tpu.memory_space<vmem_shared>>
    %dma_wait3A_569 = tpu.memref_slice %arg2[%add3A_559] : memref<33554432xf32, #tpu.memory_space<hbm>> -> memref<32768xf32, #tpu.memory_space<hbm>>
    tpu.wait_dma2 semaphore(%arg6 : memref<!tpu.dma_semaphore, #tpu.memory_space<semaphore_mem>>) src(%dma_wait3A_569 : memref<32768xf32, #tpu.memory_space<hbm>>) dst(%dma_wait3A_568 : memref<32768xf32, #tpu.memory_space<vmem_shared>>)
    %add3A_570 = arith.constant 0 : i32
    %add3A_571 = arith.addi %add3A_570, %mul3A_2 : i32
    %add3A_572 = arith.constant 163840 : i32
    %add3A_573 = arith.addi %add3A_571, %add3A_572 : i32
    %dma_start3A_574 = arith.constant 0 : i32
    %dma_start3A_575 = tpu.memref_slice %arg4[%add3A_573] : memref<33554432xf32, #tpu.memory_space<hbm>> -> memref<32768xf32, #tpu.memory_space<hbm>>
    %dma_start3A_576 = arith.constant 0 : i32
    %dma_start3A_577 = tpu.memref_slice %arg5[%arg1, %dma_start3A_574, %dma_start3A_576] : memref<16x2x32768xf32, #tpu.memory_space<vmem_shared>> -> memref<1x1x32768xf32, #tpu.memory_space<vmem_shared>>
    %dma_start3A_578 = tpu.memref_squeeze %dma_start3A_577 : memref<1x1x32768xf32, #tpu.memory_space<vmem_shared>> -> memref<32768xf32, #tpu.memory_space<vmem_shared>>
    tpu.enqueue_dma source(%dma_start3A_578 : memref<32768xf32, #tpu.memory_space<vmem_shared>>) target(%dma_start3A_575 : memref<32768xf32, #tpu.memory_space<hbm>>) target_semaphore(%arg8 : memref<!tpu.dma_semaphore, #tpu.memory_space<semaphore_mem>>)
    %dma_wait3A_579 = arith.constant 1 : i32
    %dma_wait3A_580 = tpu.memref_slice %arg4[%add3A_545] : memref<33554432xf32, #tpu.memory_space<hbm>> -> memref<32768xf32, #tpu.memory_space<hbm>>
    %dma_wait3A_581 = arith.constant 0 : i32
    %dma_wait3A_582 = tpu.memref_slice %arg5[%arg1, %dma_wait3A_579, %dma_wait3A_581] : memref<16x2x32768xf32, #tpu.memory_space<vmem_shared>> -> memref<1x1x32768xf32, #tpu.memory_space<vmem_shared>>
    %dma_wait3A_583 = tpu.memref_squeeze %dma_wait3A_582 : memref<1x1x32768xf32, #tpu.memory_space<vmem_shared>> -> memref<32768xf32, #tpu.memory_space<vmem_shared>>
    tpu.wait_dma2 semaphore(%arg9 : memref<!tpu.dma_semaphore, #tpu.memory_space<semaphore_mem>>) src(%dma_wait3A_583 : memref<32768xf32, #tpu.memory_space<vmem_shared>>) dst(%dma_wait3A_580 : memref<32768xf32, #tpu.memory_space<hbm>>)
    %add3A_584 = arith.constant 8388608 : i32
    %add3A_585 = arith.addi %add3A_584, %mul3A_2 : i32
    %add3A_586 = arith.constant 163840 : i32
    %add3A_587 = arith.addi %add3A_585, %add3A_586 : i32
    %dma_start3A_588 = arith.constant 1 : i32
    %dma_start3A_589 = arith.constant 0 : i32
    %dma_start3A_590 = tpu.memref_slice %arg5[%arg1, %dma_start3A_588, %dma_start3A_589] : memref<16x2x32768xf32, #tpu.memory_space<vmem_shared>> -> memref<1x1x32768xf32, #tpu.memory_space<vmem_shared>>
    %dma_start3A_591 = tpu.memref_squeeze %dma_start3A_590 : memref<1x1x32768xf32, #tpu.memory_space<vmem_shared>> -> memref<32768xf32, #tpu.memory_space<vmem_shared>>
    %dma_start3A_592 = tpu.memref_slice %arg2[%add3A_587] : memref<33554432xf32, #tpu.memory_space<hbm>> -> memref<32768xf32, #tpu.memory_space<hbm>>
    tpu.enqueue_dma source(%dma_start3A_592 : memref<32768xf32, #tpu.memory_space<hbm>>) target(%dma_start3A_591 : memref<32768xf32, #tpu.memory_space<vmem_shared>>) target_semaphore(%arg7 : memref<!tpu.dma_semaphore, #tpu.memory_space<semaphore_mem>>)
    %dma_wait3A_593 = arith.constant 1 : i32
    %dma_wait3A_594 = arith.constant 0 : i32
    %dma_wait3A_595 = tpu.memref_slice %arg5[%arg1, %dma_wait3A_593, %dma_wait3A_594] : memref<16x2x32768xf32, #tpu.memory_space<vmem_shared>> -> memref<1x1x32768xf32, #tpu.memory_space<vmem_shared>>
    %dma_wait3A_596 = tpu.memref_squeeze %dma_wait3A_595 : memref<1x1x32768xf32, #tpu.memory_space<vmem_shared>> -> memref<32768xf32, #tpu.memory_space<vmem_shared>>
    %dma_wait3A_597 = tpu.memref_slice %arg2[%add3A_587] : memref<33554432xf32, #tpu.memory_space<hbm>> -> memref<32768xf32, #tpu.memory_space<hbm>>
    tpu.wait_dma2 semaphore(%arg7 : memref<!tpu.dma_semaphore, #tpu.memory_space<semaphore_mem>>) src(%dma_wait3A_597 : memref<32768xf32, #tpu.memory_space<hbm>>) dst(%dma_wait3A_596 : memref<32768xf32, #tpu.memory_space<vmem_shared>>)
    %add3A_598 = arith.constant 8388608 : i32
    %add3A_599 = arith.addi %add3A_598, %mul3A_2 : i32
    %add3A_600 = arith.constant 163840 : i32
    %add3A_601 = arith.addi %add3A_599, %add3A_600 : i32
    %dma_start3A_602 = arith.constant 1 : i32
    %dma_start3A_603 = tpu.memref_slice %arg4[%add3A_601] : memref<33554432xf32, #tpu.memory_space<hbm>> -> memref<32768xf32, #tpu.memory_space<hbm>>
    %dma_start3A_604 = arith.constant 0 : i32
    %dma_start3A_605 = tpu.memref_slice %arg5[%arg1, %dma_start3A_602, %dma_start3A_604] : memref<16x2x32768xf32, #tpu.memory_space<vmem_shared>> -> memref<1x1x32768xf32, #tpu.memory_space<vmem_shared>>
    %dma_start3A_606 = tpu.memref_squeeze %dma_start3A_605 : memref<1x1x32768xf32, #tpu.memory_space<vmem_shared>> -> memref<32768xf32, #tpu.memory_space<vmem_shared>>
    tpu.enqueue_dma source(%dma_start3A_606 : memref<32768xf32, #tpu.memory_space<vmem_shared>>) target(%dma_start3A_603 : memref<32768xf32, #tpu.memory_space<hbm>>) target_semaphore(%arg9 : memref<!tpu.dma_semaphore, #tpu.memory_space<semaphore_mem>>)
    %dma_wait3A_607 = arith.constant 0 : i32
    %dma_wait3A_608 = tpu.memref_slice %arg4[%add3A_573] : memref<33554432xf32, #tpu.memory_space<hbm>> -> memref<32768xf32, #tpu.memory_space<hbm>>
    %dma_wait3A_609 = arith.constant 0 : i32
    %dma_wait3A_610 = tpu.memref_slice %arg5[%arg1, %dma_wait3A_607, %dma_wait3A_609] : memref<16x2x32768xf32, #tpu.memory_space<vmem_shared>> -> memref<1x1x32768xf32, #tpu.memory_space<vmem_shared>>
    %dma_wait3A_611 = tpu.memref_squeeze %dma_wait3A_610 : memref<1x1x32768xf32, #tpu.memory_space<vmem_shared>> -> memref<32768xf32, #tpu.memory_space<vmem_shared>>
    tpu.wait_dma2 semaphore(%arg8 : memref<!tpu.dma_semaphore, #tpu.memory_space<semaphore_mem>>) src(%dma_wait3A_611 : memref<32768xf32, #tpu.memory_space<vmem_shared>>) dst(%dma_wait3A_608 : memref<32768xf32, #tpu.memory_space<hbm>>)
    %add3A_612 = arith.constant 16777216 : i32
    %add3A_613 = arith.addi %add3A_612, %mul3A_2 : i32
    %add3A_614 = arith.constant 163840 : i32
    %add3A_615 = arith.addi %add3A_613, %add3A_614 : i32
    %dma_start3A_616 = arith.constant 0 : i32
    %dma_start3A_617 = arith.constant 0 : i32
    %dma_start3A_618 = tpu.memref_slice %arg5[%arg1, %dma_start3A_616, %dma_start3A_617] : memref<16x2x32768xf32, #tpu.memory_space<vmem_shared>> -> memref<1x1x32768xf32, #tpu.memory_space<vmem_shared>>
    %dma_start3A_619 = tpu.memref_squeeze %dma_start3A_618 : memref<1x1x32768xf32, #tpu.memory_space<vmem_shared>> -> memref<32768xf32, #tpu.memory_space<vmem_shared>>
    %dma_start3A_620 = tpu.memref_slice %arg2[%add3A_615] : memref<33554432xf32, #tpu.memory_space<hbm>> -> memref<32768xf32, #tpu.memory_space<hbm>>
    tpu.enqueue_dma source(%dma_start3A_620 : memref<32768xf32, #tpu.memory_space<hbm>>) target(%dma_start3A_619 : memref<32768xf32, #tpu.memory_space<vmem_shared>>) target_semaphore(%arg6 : memref<!tpu.dma_semaphore, #tpu.memory_space<semaphore_mem>>)
    %dma_wait3A_621 = arith.constant 0 : i32
    %dma_wait3A_622 = arith.constant 0 : i32
    %dma_wait3A_623 = tpu.memref_slice %arg5[%arg1, %dma_wait3A_621, %dma_wait3A_622] : memref<16x2x32768xf32, #tpu.memory_space<vmem_shared>> -> memref<1x1x32768xf32, #tpu.memory_space<vmem_shared>>
    %dma_wait3A_624 = tpu.memref_squeeze %dma_wait3A_623 : memref<1x1x32768xf32, #tpu.memory_space<vmem_shared>> -> memref<32768xf32, #tpu.memory_space<vmem_shared>>
    %dma_wait3A_625 = tpu.memref_slice %arg2[%add3A_615] : memref<33554432xf32, #tpu.memory_space<hbm>> -> memref<32768xf32, #tpu.memory_space<hbm>>
    tpu.wait_dma2 semaphore(%arg6 : memref<!tpu.dma_semaphore, #tpu.memory_space<semaphore_mem>>) src(%dma_wait3A_625 : memref<32768xf32, #tpu.memory_space<hbm>>) dst(%dma_wait3A_624 : memref<32768xf32, #tpu.memory_space<vmem_shared>>)
    %add3A_626 = arith.constant 16777216 : i32
    %add3A_627 = arith.addi %add3A_626, %mul3A_2 : i32
    %add3A_628 = arith.constant 163840 : i32
    %add3A_629 = arith.addi %add3A_627, %add3A_628 : i32
    %dma_start3A_630 = arith.constant 0 : i32
    %dma_start3A_631 = tpu.memref_slice %arg4[%add3A_629] : memref<33554432xf32, #tpu.memory_space<hbm>> -> memref<32768xf32, #tpu.memory_space<hbm>>
    %dma_start3A_632 = arith.constant 0 : i32
    %dma_start3A_633 = tpu.memref_slice %arg5[%arg1, %dma_start3A_630, %dma_start3A_632] : memref<16x2x32768xf32, #tpu.memory_space<vmem_shared>> -> memref<1x1x32768xf32, #tpu.memory_space<vmem_shared>>
    %dma_start3A_634 = tpu.memref_squeeze %dma_start3A_633 : memref<1x1x32768xf32, #tpu.memory_space<vmem_shared>> -> memref<32768xf32, #tpu.memory_space<vmem_shared>>
    tpu.enqueue_dma source(%dma_start3A_634 : memref<32768xf32, #tpu.memory_space<vmem_shared>>) target(%dma_start3A_631 : memref<32768xf32, #tpu.memory_space<hbm>>) target_semaphore(%arg8 : memref<!tpu.dma_semaphore, #tpu.memory_space<semaphore_mem>>)
    %dma_wait3A_635 = arith.constant 1 : i32
    %dma_wait3A_636 = tpu.memref_slice %arg4[%add3A_601] : memref<33554432xf32, #tpu.memory_space<hbm>> -> memref<32768xf32, #tpu.memory_space<hbm>>
    %dma_wait3A_637 = arith.constant 0 : i32
    %dma_wait3A_638 = tpu.memref_slice %arg5[%arg1, %dma_wait3A_635, %dma_wait3A_637] : memref<16x2x32768xf32, #tpu.memory_space<vmem_shared>> -> memref<1x1x32768xf32, #tpu.memory_space<vmem_shared>>
    %dma_wait3A_639 = tpu.memref_squeeze %dma_wait3A_638 : memref<1x1x32768xf32, #tpu.memory_space<vmem_shared>> -> memref<32768xf32, #tpu.memory_space<vmem_shared>>
    tpu.wait_dma2 semaphore(%arg9 : memref<!tpu.dma_semaphore, #tpu.memory_space<semaphore_mem>>) src(%dma_wait3A_639 : memref<32768xf32, #tpu.memory_space<vmem_shared>>) dst(%dma_wait3A_636 : memref<32768xf32, #tpu.memory_space<hbm>>)
    %add3A_640 = arith.constant 25165824 : i32
    %add3A_641 = arith.addi %add3A_640, %mul3A_2 : i32
    %add3A_642 = arith.constant 163840 : i32
    %add3A_643 = arith.addi %add3A_641, %add3A_642 : i32
    %dma_start3A_644 = arith.constant 1 : i32
    %dma_start3A_645 = arith.constant 0 : i32
    %dma_start3A_646 = tpu.memref_slice %arg5[%arg1, %dma_start3A_644, %dma_start3A_645] : memref<16x2x32768xf32, #tpu.memory_space<vmem_shared>> -> memref<1x1x32768xf32, #tpu.memory_space<vmem_shared>>
    %dma_start3A_647 = tpu.memref_squeeze %dma_start3A_646 : memref<1x1x32768xf32, #tpu.memory_space<vmem_shared>> -> memref<32768xf32, #tpu.memory_space<vmem_shared>>
    %dma_start3A_648 = tpu.memref_slice %arg2[%add3A_643] : memref<33554432xf32, #tpu.memory_space<hbm>> -> memref<32768xf32, #tpu.memory_space<hbm>>
    tpu.enqueue_dma source(%dma_start3A_648 : memref<32768xf32, #tpu.memory_space<hbm>>) target(%dma_start3A_647 : memref<32768xf32, #tpu.memory_space<vmem_shared>>) target_semaphore(%arg7 : memref<!tpu.dma_semaphore, #tpu.memory_space<semaphore_mem>>)
    %dma_wait3A_649 = arith.constant 1 : i32
    %dma_wait3A_650 = arith.constant 0 : i32
    %dma_wait3A_651 = tpu.memref_slice %arg5[%arg1, %dma_wait3A_649, %dma_wait3A_650] : memref<16x2x32768xf32, #tpu.memory_space<vmem_shared>> -> memref<1x1x32768xf32, #tpu.memory_space<vmem_shared>>
    %dma_wait3A_652 = tpu.memref_squeeze %dma_wait3A_651 : memref<1x1x32768xf32, #tpu.memory_space<vmem_shared>> -> memref<32768xf32, #tpu.memory_space<vmem_shared>>
    %dma_wait3A_653 = tpu.memref_slice %arg2[%add3A_643] : memref<33554432xf32, #tpu.memory_space<hbm>> -> memref<32768xf32, #tpu.memory_space<hbm>>
    tpu.wait_dma2 semaphore(%arg7 : memref<!tpu.dma_semaphore, #tpu.memory_space<semaphore_mem>>) src(%dma_wait3A_653 : memref<32768xf32, #tpu.memory_space<hbm>>) dst(%dma_wait3A_652 : memref<32768xf32, #tpu.memory_space<vmem_shared>>)
    %add3A_654 = arith.constant 25165824 : i32
    %add3A_655 = arith.addi %add3A_654, %mul3A_2 : i32
    %add3A_656 = arith.constant 163840 : i32
    %add3A_657 = arith.addi %add3A_655, %add3A_656 : i32
    %dma_start3A_658 = arith.constant 1 : i32
    %dma_start3A_659 = tpu.memref_slice %arg4[%add3A_657] : memref<33554432xf32, #tpu.memory_space<hbm>> -> memref<32768xf32, #tpu.memory_space<hbm>>
    %dma_start3A_660 = arith.constant 0 : i32
    %dma_start3A_661 = tpu.memref_slice %arg5[%arg1, %dma_start3A_658, %dma_start3A_660] : memref<16x2x32768xf32, #tpu.memory_space<vmem_shared>> -> memref<1x1x32768xf32, #tpu.memory_space<vmem_shared>>
    %dma_start3A_662 = tpu.memref_squeeze %dma_start3A_661 : memref<1x1x32768xf32, #tpu.memory_space<vmem_shared>> -> memref<32768xf32, #tpu.memory_space<vmem_shared>>
    tpu.enqueue_dma source(%dma_start3A_662 : memref<32768xf32, #tpu.memory_space<vmem_shared>>) target(%dma_start3A_659 : memref<32768xf32, #tpu.memory_space<hbm>>) target_semaphore(%arg9 : memref<!tpu.dma_semaphore, #tpu.memory_space<semaphore_mem>>)
    %dma_wait3A_663 = arith.constant 0 : i32
    %dma_wait3A_664 = tpu.memref_slice %arg4[%add3A_629] : memref<33554432xf32, #tpu.memory_space<hbm>> -> memref<32768xf32, #tpu.memory_space<hbm>>
    %dma_wait3A_665 = arith.constant 0 : i32
    %dma_wait3A_666 = tpu.memref_slice %arg5[%arg1, %dma_wait3A_663, %dma_wait3A_665] : memref<16x2x32768xf32, #tpu.memory_space<vmem_shared>> -> memref<1x1x32768xf32, #tpu.memory_space<vmem_shared>>
    %dma_wait3A_667 = tpu.memref_squeeze %dma_wait3A_666 : memref<1x1x32768xf32, #tpu.memory_space<vmem_shared>> -> memref<32768xf32, #tpu.memory_space<vmem_shared>>
    tpu.wait_dma2 semaphore(%arg8 : memref<!tpu.dma_semaphore, #tpu.memory_space<semaphore_mem>>) src(%dma_wait3A_667 : memref<32768xf32, #tpu.memory_space<vmem_shared>>) dst(%dma_wait3A_664 : memref<32768xf32, #tpu.memory_space<hbm>>)
    %add3A_668 = arith.constant 0 : i32
    %add3A_669 = arith.addi %add3A_668, %mul3A_2 : i32
    %add3A_670 = arith.constant 196608 : i32
    %add3A_671 = arith.addi %add3A_669, %add3A_670 : i32
    %dma_start3A_672 = arith.constant 0 : i32
    %dma_start3A_673 = arith.constant 0 : i32
    %dma_start3A_674 = tpu.memref_slice %arg5[%arg1, %dma_start3A_672, %dma_start3A_673] : memref<16x2x32768xf32, #tpu.memory_space<vmem_shared>> -> memref<1x1x32768xf32, #tpu.memory_space<vmem_shared>>
    %dma_start3A_675 = tpu.memref_squeeze %dma_start3A_674 : memref<1x1x32768xf32, #tpu.memory_space<vmem_shared>> -> memref<32768xf32, #tpu.memory_space<vmem_shared>>
    %dma_start3A_676 = tpu.memref_slice %arg2[%add3A_671] : memref<33554432xf32, #tpu.memory_space<hbm>> -> memref<32768xf32, #tpu.memory_space<hbm>>
    tpu.enqueue_dma source(%dma_start3A_676 : memref<32768xf32, #tpu.memory_space<hbm>>) target(%dma_start3A_675 : memref<32768xf32, #tpu.memory_space<vmem_shared>>) target_semaphore(%arg6 : memref<!tpu.dma_semaphore, #tpu.memory_space<semaphore_mem>>)
    %dma_wait3A_677 = arith.constant 0 : i32
    %dma_wait3A_678 = arith.constant 0 : i32
    %dma_wait3A_679 = tpu.memref_slice %arg5[%arg1, %dma_wait3A_677, %dma_wait3A_678] : memref<16x2x32768xf32, #tpu.memory_space<vmem_shared>> -> memref<1x1x32768xf32, #tpu.memory_space<vmem_shared>>
    %dma_wait3A_680 = tpu.memref_squeeze %dma_wait3A_679 : memref<1x1x32768xf32, #tpu.memory_space<vmem_shared>> -> memref<32768xf32, #tpu.memory_space<vmem_shared>>
    %dma_wait3A_681 = tpu.memref_slice %arg2[%add3A_671] : memref<33554432xf32, #tpu.memory_space<hbm>> -> memref<32768xf32, #tpu.memory_space<hbm>>
    tpu.wait_dma2 semaphore(%arg6 : memref<!tpu.dma_semaphore, #tpu.memory_space<semaphore_mem>>) src(%dma_wait3A_681 : memref<32768xf32, #tpu.memory_space<hbm>>) dst(%dma_wait3A_680 : memref<32768xf32, #tpu.memory_space<vmem_shared>>)
    %add3A_682 = arith.constant 0 : i32
    %add3A_683 = arith.addi %add3A_682, %mul3A_2 : i32
    %add3A_684 = arith.constant 196608 : i32
    %add3A_685 = arith.addi %add3A_683, %add3A_684 : i32
    %dma_start3A_686 = arith.constant 0 : i32
    %dma_start3A_687 = tpu.memref_slice %arg4[%add3A_685] : memref<33554432xf32, #tpu.memory_space<hbm>> -> memref<32768xf32, #tpu.memory_space<hbm>>
    %dma_start3A_688 = arith.constant 0 : i32
    %dma_start3A_689 = tpu.memref_slice %arg5[%arg1, %dma_start3A_686, %dma_start3A_688] : memref<16x2x32768xf32, #tpu.memory_space<vmem_shared>> -> memref<1x1x32768xf32, #tpu.memory_space<vmem_shared>>
    %dma_start3A_690 = tpu.memref_squeeze %dma_start3A_689 : memref<1x1x32768xf32, #tpu.memory_space<vmem_shared>> -> memref<32768xf32, #tpu.memory_space<vmem_shared>>
    tpu.enqueue_dma source(%dma_start3A_690 : memref<32768xf32, #tpu.memory_space<vmem_shared>>) target(%dma_start3A_687 : memref<32768xf32, #tpu.memory_space<hbm>>) target_semaphore(%arg8 : memref<!tpu.dma_semaphore, #tpu.memory_space<semaphore_mem>>)
    %dma_wait3A_691 = arith.constant 1 : i32
    %dma_wait3A_692 = tpu.memref_slice %arg4[%add3A_657] : memref<33554432xf32, #tpu.memory_space<hbm>> -> memref<32768xf32, #tpu.memory_space<hbm>>
    %dma_wait3A_693 = arith.constant 0 : i32
    %dma_wait3A_694 = tpu.memref_slice %arg5[%arg1, %dma_wait3A_691, %dma_wait3A_693] : memref<16x2x32768xf32, #tpu.memory_space<vmem_shared>> -> memref<1x1x32768xf32, #tpu.memory_space<vmem_shared>>
    %dma_wait3A_695 = tpu.memref_squeeze %dma_wait3A_694 : memref<1x1x32768xf32, #tpu.memory_space<vmem_shared>> -> memref<32768xf32, #tpu.memory_space<vmem_shared>>
    tpu.wait_dma2 semaphore(%arg9 : memref<!tpu.dma_semaphore, #tpu.memory_space<semaphore_mem>>) src(%dma_wait3A_695 : memref<32768xf32, #tpu.memory_space<vmem_shared>>) dst(%dma_wait3A_692 : memref<32768xf32, #tpu.memory_space<hbm>>)
    %add3A_696 = arith.constant 8388608 : i32
    %add3A_697 = arith.addi %add3A_696, %mul3A_2 : i32
    %add3A_698 = arith.constant 196608 : i32
    %add3A_699 = arith.addi %add3A_697, %add3A_698 : i32
    %dma_start3A_700 = arith.constant 1 : i32
    %dma_start3A_701 = arith.constant 0 : i32
    %dma_start3A_702 = tpu.memref_slice %arg5[%arg1, %dma_start3A_700, %dma_start3A_701] : memref<16x2x32768xf32, #tpu.memory_space<vmem_shared>> -> memref<1x1x32768xf32, #tpu.memory_space<vmem_shared>>
    %dma_start3A_703 = tpu.memref_squeeze %dma_start3A_702 : memref<1x1x32768xf32, #tpu.memory_space<vmem_shared>> -> memref<32768xf32, #tpu.memory_space<vmem_shared>>
    %dma_start3A_704 = tpu.memref_slice %arg2[%add3A_699] : memref<33554432xf32, #tpu.memory_space<hbm>> -> memref<32768xf32, #tpu.memory_space<hbm>>
    tpu.enqueue_dma source(%dma_start3A_704 : memref<32768xf32, #tpu.memory_space<hbm>>) target(%dma_start3A_703 : memref<32768xf32, #tpu.memory_space<vmem_shared>>) target_semaphore(%arg7 : memref<!tpu.dma_semaphore, #tpu.memory_space<semaphore_mem>>)
    %dma_wait3A_705 = arith.constant 1 : i32
    %dma_wait3A_706 = arith.constant 0 : i32
    %dma_wait3A_707 = tpu.memref_slice %arg5[%arg1, %dma_wait3A_705, %dma_wait3A_706] : memref<16x2x32768xf32, #tpu.memory_space<vmem_shared>> -> memref<1x1x32768xf32, #tpu.memory_space<vmem_shared>>
    %dma_wait3A_708 = tpu.memref_squeeze %dma_wait3A_707 : memref<1x1x32768xf32, #tpu.memory_space<vmem_shared>> -> memref<32768xf32, #tpu.memory_space<vmem_shared>>
    %dma_wait3A_709 = tpu.memref_slice %arg2[%add3A_699] : memref<33554432xf32, #tpu.memory_space<hbm>> -> memref<32768xf32, #tpu.memory_space<hbm>>
    tpu.wait_dma2 semaphore(%arg7 : memref<!tpu.dma_semaphore, #tpu.memory_space<semaphore_mem>>) src(%dma_wait3A_709 : memref<32768xf32, #tpu.memory_space<hbm>>) dst(%dma_wait3A_708 : memref<32768xf32, #tpu.memory_space<vmem_shared>>)
    %add3A_710 = arith.constant 8388608 : i32
    %add3A_711 = arith.addi %add3A_710, %mul3A_2 : i32
    %add3A_712 = arith.constant 196608 : i32
    %add3A_713 = arith.addi %add3A_711, %add3A_712 : i32
    %dma_start3A_714 = arith.constant 1 : i32
    %dma_start3A_715 = tpu.memref_slice %arg4[%add3A_713] : memref<33554432xf32, #tpu.memory_space<hbm>> -> memref<32768xf32, #tpu.memory_space<hbm>>
    %dma_start3A_716 = arith.constant 0 : i32
    %dma_start3A_717 = tpu.memref_slice %arg5[%arg1, %dma_start3A_714, %dma_start3A_716] : memref<16x2x32768xf32, #tpu.memory_space<vmem_shared>> -> memref<1x1x32768xf32, #tpu.memory_space<vmem_shared>>
    %dma_start3A_718 = tpu.memref_squeeze %dma_start3A_717 : memref<1x1x32768xf32, #tpu.memory_space<vmem_shared>> -> memref<32768xf32, #tpu.memory_space<vmem_shared>>
    tpu.enqueue_dma source(%dma_start3A_718 : memref<32768xf32, #tpu.memory_space<vmem_shared>>) target(%dma_start3A_715 : memref<32768xf32, #tpu.memory_space<hbm>>) target_semaphore(%arg9 : memref<!tpu.dma_semaphore, #tpu.memory_space<semaphore_mem>>)
    %dma_wait3A_719 = arith.constant 0 : i32
    %dma_wait3A_720 = tpu.memref_slice %arg4[%add3A_685] : memref<33554432xf32, #tpu.memory_space<hbm>> -> memref<32768xf32, #tpu.memory_space<hbm>>
    %dma_wait3A_721 = arith.constant 0 : i32
    %dma_wait3A_722 = tpu.memref_slice %arg5[%arg1, %dma_wait3A_719, %dma_wait3A_721] : memref<16x2x32768xf32, #tpu.memory_space<vmem_shared>> -> memref<1x1x32768xf32, #tpu.memory_space<vmem_shared>>
    %dma_wait3A_723 = tpu.memref_squeeze %dma_wait3A_722 : memref<1x1x32768xf32, #tpu.memory_space<vmem_shared>> -> memref<32768xf32, #tpu.memory_space<vmem_shared>>
    tpu.wait_dma2 semaphore(%arg8 : memref<!tpu.dma_semaphore, #tpu.memory_space<semaphore_mem>>) src(%dma_wait3A_723 : memref<32768xf32, #tpu.memory_space<vmem_shared>>) dst(%dma_wait3A_720 : memref<32768xf32, #tpu.memory_space<hbm>>)
    %add3A_724 = arith.constant 16777216 : i32
    %add3A_725 = arith.addi %add3A_724, %mul3A_2 : i32
    %add3A_726 = arith.constant 196608 : i32
    %add3A_727 = arith.addi %add3A_725, %add3A_726 : i32
    %dma_start3A_728 = arith.constant 0 : i32
    %dma_start3A_729 = arith.constant 0 : i32
    %dma_start3A_730 = tpu.memref_slice %arg5[%arg1, %dma_start3A_728, %dma_start3A_729] : memref<16x2x32768xf32, #tpu.memory_space<vmem_shared>> -> memref<1x1x32768xf32, #tpu.memory_space<vmem_shared>>
    %dma_start3A_731 = tpu.memref_squeeze %dma_start3A_730 : memref<1x1x32768xf32, #tpu.memory_space<vmem_shared>> -> memref<32768xf32, #tpu.memory_space<vmem_shared>>
    %dma_start3A_732 = tpu.memref_slice %arg2[%add3A_727] : memref<33554432xf32, #tpu.memory_space<hbm>> -> memref<32768xf32, #tpu.memory_space<hbm>>
    tpu.enqueue_dma source(%dma_start3A_732 : memref<32768xf32, #tpu.memory_space<hbm>>) target(%dma_start3A_731 : memref<32768xf32, #tpu.memory_space<vmem_shared>>) target_semaphore(%arg6 : memref<!tpu.dma_semaphore, #tpu.memory_space<semaphore_mem>>)
    %dma_wait3A_733 = arith.constant 0 : i32
    %dma_wait3A_734 = arith.constant 0 : i32
    %dma_wait3A_735 = tpu.memref_slice %arg5[%arg1, %dma_wait3A_733, %dma_wait3A_734] : memref<16x2x32768xf32, #tpu.memory_space<vmem_shared>> -> memref<1x1x32768xf32, #tpu.memory_space<vmem_shared>>
    %dma_wait3A_736 = tpu.memref_squeeze %dma_wait3A_735 : memref<1x1x32768xf32, #tpu.memory_space<vmem_shared>> -> memref<32768xf32, #tpu.memory_space<vmem_shared>>
    %dma_wait3A_737 = tpu.memref_slice %arg2[%add3A_727] : memref<33554432xf32, #tpu.memory_space<hbm>> -> memref<32768xf32, #tpu.memory_space<hbm>>
    tpu.wait_dma2 semaphore(%arg6 : memref<!tpu.dma_semaphore, #tpu.memory_space<semaphore_mem>>) src(%dma_wait3A_737 : memref<32768xf32, #tpu.memory_space<hbm>>) dst(%dma_wait3A_736 : memref<32768xf32, #tpu.memory_space<vmem_shared>>)
    %add3A_738 = arith.constant 16777216 : i32
    %add3A_739 = arith.addi %add3A_738, %mul3A_2 : i32
    %add3A_740 = arith.constant 196608 : i32
    %add3A_741 = arith.addi %add3A_739, %add3A_740 : i32
    %dma_start3A_742 = arith.constant 0 : i32
    %dma_start3A_743 = tpu.memref_slice %arg4[%add3A_741] : memref<33554432xf32, #tpu.memory_space<hbm>> -> memref<32768xf32, #tpu.memory_space<hbm>>
    %dma_start3A_744 = arith.constant 0 : i32
    %dma_start3A_745 = tpu.memref_slice %arg5[%arg1, %dma_start3A_742, %dma_start3A_744] : memref<16x2x32768xf32, #tpu.memory_space<vmem_shared>> -> memref<1x1x32768xf32, #tpu.memory_space<vmem_shared>>
    %dma_start3A_746 = tpu.memref_squeeze %dma_start3A_745 : memref<1x1x32768xf32, #tpu.memory_space<vmem_shared>> -> memref<32768xf32, #tpu.memory_space<vmem_shared>>
    tpu.enqueue_dma source(%dma_start3A_746 : memref<32768xf32, #tpu.memory_space<vmem_shared>>) target(%dma_start3A_743 : memref<32768xf32, #tpu.memory_space<hbm>>) target_semaphore(%arg8 : memref<!tpu.dma_semaphore, #tpu.memory_space<semaphore_mem>>)
    %dma_wait3A_747 = arith.constant 1 : i32
    %dma_wait3A_748 = tpu.memref_slice %arg4[%add3A_713] : memref<33554432xf32, #tpu.memory_space<hbm>> -> memref<32768xf32, #tpu.memory_space<hbm>>
    %dma_wait3A_749 = arith.constant 0 : i32
    %dma_wait3A_750 = tpu.memref_slice %arg5[%arg1, %dma_wait3A_747, %dma_wait3A_749] : memref<16x2x32768xf32, #tpu.memory_space<vmem_shared>> -> memref<1x1x32768xf32, #tpu.memory_space<vmem_shared>>
    %dma_wait3A_751 = tpu.memref_squeeze %dma_wait3A_750 : memref<1x1x32768xf32, #tpu.memory_space<vmem_shared>> -> memref<32768xf32, #tpu.memory_space<vmem_shared>>
    tpu.wait_dma2 semaphore(%arg9 : memref<!tpu.dma_semaphore, #tpu.memory_space<semaphore_mem>>) src(%dma_wait3A_751 : memref<32768xf32, #tpu.memory_space<vmem_shared>>) dst(%dma_wait3A_748 : memref<32768xf32, #tpu.memory_space<hbm>>)
    %add3A_752 = arith.constant 25165824 : i32
    %add3A_753 = arith.addi %add3A_752, %mul3A_2 : i32
    %add3A_754 = arith.constant 196608 : i32
    %add3A_755 = arith.addi %add3A_753, %add3A_754 : i32
    %dma_start3A_756 = arith.constant 1 : i32
    %dma_start3A_757 = arith.constant 0 : i32
    %dma_start3A_758 = tpu.memref_slice %arg5[%arg1, %dma_start3A_756, %dma_start3A_757] : memref<16x2x32768xf32, #tpu.memory_space<vmem_shared>> -> memref<1x1x32768xf32, #tpu.memory_space<vmem_shared>>
    %dma_start3A_759 = tpu.memref_squeeze %dma_start3A_758 : memref<1x1x32768xf32, #tpu.memory_space<vmem_shared>> -> memref<32768xf32, #tpu.memory_space<vmem_shared>>
    %dma_start3A_760 = tpu.memref_slice %arg2[%add3A_755] : memref<33554432xf32, #tpu.memory_space<hbm>> -> memref<32768xf32, #tpu.memory_space<hbm>>
    tpu.enqueue_dma source(%dma_start3A_760 : memref<32768xf32, #tpu.memory_space<hbm>>) target(%dma_start3A_759 : memref<32768xf32, #tpu.memory_space<vmem_shared>>) target_semaphore(%arg7 : memref<!tpu.dma_semaphore, #tpu.memory_space<semaphore_mem>>)
    %dma_wait3A_761 = arith.constant 1 : i32
    %dma_wait3A_762 = arith.constant 0 : i32
    %dma_wait3A_763 = tpu.memref_slice %arg5[%arg1, %dma_wait3A_761, %dma_wait3A_762] : memref<16x2x32768xf32, #tpu.memory_space<vmem_shared>> -> memref<1x1x32768xf32, #tpu.memory_space<vmem_shared>>
    %dma_wait3A_764 = tpu.memref_squeeze %dma_wait3A_763 : memref<1x1x32768xf32, #tpu.memory_space<vmem_shared>> -> memref<32768xf32, #tpu.memory_space<vmem_shared>>
    %dma_wait3A_765 = tpu.memref_slice %arg2[%add3A_755] : memref<33554432xf32, #tpu.memory_space<hbm>> -> memref<32768xf32, #tpu.memory_space<hbm>>
    tpu.wait_dma2 semaphore(%arg7 : memref<!tpu.dma_semaphore, #tpu.memory_space<semaphore_mem>>) src(%dma_wait3A_765 : memref<32768xf32, #tpu.memory_space<hbm>>) dst(%dma_wait3A_764 : memref<32768xf32, #tpu.memory_space<vmem_shared>>)
    %add3A_766 = arith.constant 25165824 : i32
    %add3A_767 = arith.addi %add3A_766, %mul3A_2 : i32
    %add3A_768 = arith.constant 196608 : i32
    %add3A_769 = arith.addi %add3A_767, %add3A_768 : i32
    %dma_start3A_770 = arith.constant 1 : i32
    %dma_start3A_771 = tpu.memref_slice %arg4[%add3A_769] : memref<33554432xf32, #tpu.memory_space<hbm>> -> memref<32768xf32, #tpu.memory_space<hbm>>
    %dma_start3A_772 = arith.constant 0 : i32
    %dma_start3A_773 = tpu.memref_slice %arg5[%arg1, %dma_start3A_770, %dma_start3A_772] : memref<16x2x32768xf32, #tpu.memory_space<vmem_shared>> -> memref<1x1x32768xf32, #tpu.memory_space<vmem_shared>>
    %dma_start3A_774 = tpu.memref_squeeze %dma_start3A_773 : memref<1x1x32768xf32, #tpu.memory_space<vmem_shared>> -> memref<32768xf32, #tpu.memory_space<vmem_shared>>
    tpu.enqueue_dma source(%dma_start3A_774 : memref<32768xf32, #tpu.memory_space<vmem_shared>>) target(%dma_start3A_771 : memref<32768xf32, #tpu.memory_space<hbm>>) target_semaphore(%arg9 : memref<!tpu.dma_semaphore, #tpu.memory_space<semaphore_mem>>)
    %dma_wait3A_775 = arith.constant 0 : i32
    %dma_wait3A_776 = tpu.memref_slice %arg4[%add3A_741] : memref<33554432xf32, #tpu.memory_space<hbm>> -> memref<32768xf32, #tpu.memory_space<hbm>>
    %dma_wait3A_777 = arith.constant 0 : i32
    %dma_wait3A_778 = tpu.memref_slice %arg5[%arg1, %dma_wait3A_775, %dma_wait3A_777] : memref<16x2x32768xf32, #tpu.memory_space<vmem_shared>> -> memref<1x1x32768xf32, #tpu.memory_space<vmem_shared>>
    %dma_wait3A_779 = tpu.memref_squeeze %dma_wait3A_778 : memref<1x1x32768xf32, #tpu.memory_space<vmem_shared>> -> memref<32768xf32, #tpu.memory_space<vmem_shared>>
    tpu.wait_dma2 semaphore(%arg8 : memref<!tpu.dma_semaphore, #tpu.memory_space<semaphore_mem>>) src(%dma_wait3A_779 : memref<32768xf32, #tpu.memory_space<vmem_shared>>) dst(%dma_wait3A_776 : memref<32768xf32, #tpu.memory_space<hbm>>)
    %add3A_780 = arith.constant 0 : i32
    %add3A_781 = arith.addi %add3A_780, %mul3A_2 : i32
    %add3A_782 = arith.constant 229376 : i32
    %add3A_783 = arith.addi %add3A_781, %add3A_782 : i32
    %dma_start3A_784 = arith.constant 0 : i32
    %dma_start3A_785 = arith.constant 0 : i32
    %dma_start3A_786 = tpu.memref_slice %arg5[%arg1, %dma_start3A_784, %dma_start3A_785] : memref<16x2x32768xf32, #tpu.memory_space<vmem_shared>> -> memref<1x1x32768xf32, #tpu.memory_space<vmem_shared>>
    %dma_start3A_787 = tpu.memref_squeeze %dma_start3A_786 : memref<1x1x32768xf32, #tpu.memory_space<vmem_shared>> -> memref<32768xf32, #tpu.memory_space<vmem_shared>>
    %dma_start3A_788 = tpu.memref_slice %arg2[%add3A_783] : memref<33554432xf32, #tpu.memory_space<hbm>> -> memref<32768xf32, #tpu.memory_space<hbm>>
    tpu.enqueue_dma source(%dma_start3A_788 : memref<32768xf32, #tpu.memory_space<hbm>>) target(%dma_start3A_787 : memref<32768xf32, #tpu.memory_space<vmem_shared>>) target_semaphore(%arg6 : memref<!tpu.dma_semaphore, #tpu.memory_space<semaphore_mem>>)
    %dma_wait3A_789 = arith.constant 0 : i32
    %dma_wait3A_790 = arith.constant 0 : i32
    %dma_wait3A_791 = tpu.memref_slice %arg5[%arg1, %dma_wait3A_789, %dma_wait3A_790] : memref<16x2x32768xf32, #tpu.memory_space<vmem_shared>> -> memref<1x1x32768xf32, #tpu.memory_space<vmem_shared>>
    %dma_wait3A_792 = tpu.memref_squeeze %dma_wait3A_791 : memref<1x1x32768xf32, #tpu.memory_space<vmem_shared>> -> memref<32768xf32, #tpu.memory_space<vmem_shared>>
    %dma_wait3A_793 = tpu.memref_slice %arg2[%add3A_783] : memref<33554432xf32, #tpu.memory_space<hbm>> -> memref<32768xf32, #tpu.memory_space<hbm>>
    tpu.wait_dma2 semaphore(%arg6 : memref<!tpu.dma_semaphore, #tpu.memory_space<semaphore_mem>>) src(%dma_wait3A_793 : memref<32768xf32, #tpu.memory_space<hbm>>) dst(%dma_wait3A_792 : memref<32768xf32, #tpu.memory_space<vmem_shared>>)
    %add3A_794 = arith.constant 0 : i32
    %add3A_795 = arith.addi %add3A_794, %mul3A_2 : i32
    %add3A_796 = arith.constant 229376 : i32
    %add3A_797 = arith.addi %add3A_795, %add3A_796 : i32
    %dma_start3A_798 = arith.constant 0 : i32
    %dma_start3A_799 = tpu.memref_slice %arg4[%add3A_797] : memref<33554432xf32, #tpu.memory_space<hbm>> -> memref<32768xf32, #tpu.memory_space<hbm>>
    %dma_start3A_800 = arith.constant 0 : i32
    %dma_start3A_801 = tpu.memref_slice %arg5[%arg1, %dma_start3A_798, %dma_start3A_800] : memref<16x2x32768xf32, #tpu.memory_space<vmem_shared>> -> memref<1x1x32768xf32, #tpu.memory_space<vmem_shared>>
    %dma_start3A_802 = tpu.memref_squeeze %dma_start3A_801 : memref<1x1x32768xf32, #tpu.memory_space<vmem_shared>> -> memref<32768xf32, #tpu.memory_space<vmem_shared>>
    tpu.enqueue_dma source(%dma_start3A_802 : memref<32768xf32, #tpu.memory_space<vmem_shared>>) target(%dma_start3A_799 : memref<32768xf32, #tpu.memory_space<hbm>>) target_semaphore(%arg8 : memref<!tpu.dma_semaphore, #tpu.memory_space<semaphore_mem>>)
    %dma_wait3A_803 = arith.constant 1 : i32
    %dma_wait3A_804 = tpu.memref_slice %arg4[%add3A_769] : memref<33554432xf32, #tpu.memory_space<hbm>> -> memref<32768xf32, #tpu.memory_space<hbm>>
    %dma_wait3A_805 = arith.constant 0 : i32
    %dma_wait3A_806 = tpu.memref_slice %arg5[%arg1, %dma_wait3A_803, %dma_wait3A_805] : memref<16x2x32768xf32, #tpu.memory_space<vmem_shared>> -> memref<1x1x32768xf32, #tpu.memory_space<vmem_shared>>
    %dma_wait3A_807 = tpu.memref_squeeze %dma_wait3A_806 : memref<1x1x32768xf32, #tpu.memory_space<vmem_shared>> -> memref<32768xf32, #tpu.memory_space<vmem_shared>>
    tpu.wait_dma2 semaphore(%arg9 : memref<!tpu.dma_semaphore, #tpu.memory_space<semaphore_mem>>) src(%dma_wait3A_807 : memref<32768xf32, #tpu.memory_space<vmem_shared>>) dst(%dma_wait3A_804 : memref<32768xf32, #tpu.memory_space<hbm>>)
    %add3A_808 = arith.constant 8388608 : i32
    %add3A_809 = arith.addi %add3A_808, %mul3A_2 : i32
    %add3A_810 = arith.constant 229376 : i32
    %add3A_811 = arith.addi %add3A_809, %add3A_810 : i32
    %dma_start3A_812 = arith.constant 1 : i32
    %dma_start3A_813 = arith.constant 0 : i32
    %dma_start3A_814 = tpu.memref_slice %arg5[%arg1, %dma_start3A_812, %dma_start3A_813] : memref<16x2x32768xf32, #tpu.memory_space<vmem_shared>> -> memref<1x1x32768xf32, #tpu.memory_space<vmem_shared>>
    %dma_start3A_815 = tpu.memref_squeeze %dma_start3A_814 : memref<1x1x32768xf32, #tpu.memory_space<vmem_shared>> -> memref<32768xf32, #tpu.memory_space<vmem_shared>>
    %dma_start3A_816 = tpu.memref_slice %arg2[%add3A_811] : memref<33554432xf32, #tpu.memory_space<hbm>> -> memref<32768xf32, #tpu.memory_space<hbm>>
    tpu.enqueue_dma source(%dma_start3A_816 : memref<32768xf32, #tpu.memory_space<hbm>>) target(%dma_start3A_815 : memref<32768xf32, #tpu.memory_space<vmem_shared>>) target_semaphore(%arg7 : memref<!tpu.dma_semaphore, #tpu.memory_space<semaphore_mem>>)
    %dma_wait3A_817 = arith.constant 1 : i32
    %dma_wait3A_818 = arith.constant 0 : i32
    %dma_wait3A_819 = tpu.memref_slice %arg5[%arg1, %dma_wait3A_817, %dma_wait3A_818] : memref<16x2x32768xf32, #tpu.memory_space<vmem_shared>> -> memref<1x1x32768xf32, #tpu.memory_space<vmem_shared>>
    %dma_wait3A_820 = tpu.memref_squeeze %dma_wait3A_819 : memref<1x1x32768xf32, #tpu.memory_space<vmem_shared>> -> memref<32768xf32, #tpu.memory_space<vmem_shared>>
    %dma_wait3A_821 = tpu.memref_slice %arg2[%add3A_811] : memref<33554432xf32, #tpu.memory_space<hbm>> -> memref<32768xf32, #tpu.memory_space<hbm>>
    tpu.wait_dma2 semaphore(%arg7 : memref<!tpu.dma_semaphore, #tpu.memory_space<semaphore_mem>>) src(%dma_wait3A_821 : memref<32768xf32, #tpu.memory_space<hbm>>) dst(%dma_wait3A_820 : memref<32768xf32, #tpu.memory_space<vmem_shared>>)
    %add3A_822 = arith.constant 8388608 : i32
    %add3A_823 = arith.addi %add3A_822, %mul3A_2 : i32
    %add3A_824 = arith.constant 229376 : i32
    %add3A_825 = arith.addi %add3A_823, %add3A_824 : i32
    %dma_start3A_826 = arith.constant 1 : i32
    %dma_start3A_827 = tpu.memref_slice %arg4[%add3A_825] : memref<33554432xf32, #tpu.memory_space<hbm>> -> memref<32768xf32, #tpu.memory_space<hbm>>
    %dma_start3A_828 = arith.constant 0 : i32
    %dma_start3A_829 = tpu.memref_slice %arg5[%arg1, %dma_start3A_826, %dma_start3A_828] : memref<16x2x32768xf32, #tpu.memory_space<vmem_shared>> -> memref<1x1x32768xf32, #tpu.memory_space<vmem_shared>>
    %dma_start3A_830 = tpu.memref_squeeze %dma_start3A_829 : memref<1x1x32768xf32, #tpu.memory_space<vmem_shared>> -> memref<32768xf32, #tpu.memory_space<vmem_shared>>
    tpu.enqueue_dma source(%dma_start3A_830 : memref<32768xf32, #tpu.memory_space<vmem_shared>>) target(%dma_start3A_827 : memref<32768xf32, #tpu.memory_space<hbm>>) target_semaphore(%arg9 : memref<!tpu.dma_semaphore, #tpu.memory_space<semaphore_mem>>)
    %dma_wait3A_831 = arith.constant 0 : i32
    %dma_wait3A_832 = tpu.memref_slice %arg4[%add3A_797] : memref<33554432xf32, #tpu.memory_space<hbm>> -> memref<32768xf32, #tpu.memory_space<hbm>>
    %dma_wait3A_833 = arith.constant 0 : i32
    %dma_wait3A_834 = tpu.memref_slice %arg5[%arg1, %dma_wait3A_831, %dma_wait3A_833] : memref<16x2x32768xf32, #tpu.memory_space<vmem_shared>> -> memref<1x1x32768xf32, #tpu.memory_space<vmem_shared>>
    %dma_wait3A_835 = tpu.memref_squeeze %dma_wait3A_834 : memref<1x1x32768xf32, #tpu.memory_space<vmem_shared>> -> memref<32768xf32, #tpu.memory_space<vmem_shared>>
    tpu.wait_dma2 semaphore(%arg8 : memref<!tpu.dma_semaphore, #tpu.memory_space<semaphore_mem>>) src(%dma_wait3A_835 : memref<32768xf32, #tpu.memory_space<vmem_shared>>) dst(%dma_wait3A_832 : memref<32768xf32, #tpu.memory_space<hbm>>)
    %add3A_836 = arith.constant 16777216 : i32
    %add3A_837 = arith.addi %add3A_836, %mul3A_2 : i32
    %add3A_838 = arith.constant 229376 : i32
    %add3A_839 = arith.addi %add3A_837, %add3A_838 : i32
    %dma_start3A_840 = arith.constant 0 : i32
    %dma_start3A_841 = arith.constant 0 : i32
    %dma_start3A_842 = tpu.memref_slice %arg5[%arg1, %dma_start3A_840, %dma_start3A_841] : memref<16x2x32768xf32, #tpu.memory_space<vmem_shared>> -> memref<1x1x32768xf32, #tpu.memory_space<vmem_shared>>
    %dma_start3A_843 = tpu.memref_squeeze %dma_start3A_842 : memref<1x1x32768xf32, #tpu.memory_space<vmem_shared>> -> memref<32768xf32, #tpu.memory_space<vmem_shared>>
    %dma_start3A_844 = tpu.memref_slice %arg2[%add3A_839] : memref<33554432xf32, #tpu.memory_space<hbm>> -> memref<32768xf32, #tpu.memory_space<hbm>>
    tpu.enqueue_dma source(%dma_start3A_844 : memref<32768xf32, #tpu.memory_space<hbm>>) target(%dma_start3A_843 : memref<32768xf32, #tpu.memory_space<vmem_shared>>) target_semaphore(%arg6 : memref<!tpu.dma_semaphore, #tpu.memory_space<semaphore_mem>>)
    %dma_wait3A_845 = arith.constant 0 : i32
    %dma_wait3A_846 = arith.constant 0 : i32
    %dma_wait3A_847 = tpu.memref_slice %arg5[%arg1, %dma_wait3A_845, %dma_wait3A_846] : memref<16x2x32768xf32, #tpu.memory_space<vmem_shared>> -> memref<1x1x32768xf32, #tpu.memory_space<vmem_shared>>
    %dma_wait3A_848 = tpu.memref_squeeze %dma_wait3A_847 : memref<1x1x32768xf32, #tpu.memory_space<vmem_shared>> -> memref<32768xf32, #tpu.memory_space<vmem_shared>>
    %dma_wait3A_849 = tpu.memref_slice %arg2[%add3A_839] : memref<33554432xf32, #tpu.memory_space<hbm>> -> memref<32768xf32, #tpu.memory_space<hbm>>
    tpu.wait_dma2 semaphore(%arg6 : memref<!tpu.dma_semaphore, #tpu.memory_space<semaphore_mem>>) src(%dma_wait3A_849 : memref<32768xf32, #tpu.memory_space<hbm>>) dst(%dma_wait3A_848 : memref<32768xf32, #tpu.memory_space<vmem_shared>>)
    %add3A_850 = arith.constant 16777216 : i32
    %add3A_851 = arith.addi %add3A_850, %mul3A_2 : i32
    %add3A_852 = arith.constant 229376 : i32
    %add3A_853 = arith.addi %add3A_851, %add3A_852 : i32
    %dma_start3A_854 = arith.constant 0 : i32
    %dma_start3A_855 = tpu.memref_slice %arg4[%add3A_853] : memref<33554432xf32, #tpu.memory_space<hbm>> -> memref<32768xf32, #tpu.memory_space<hbm>>
    %dma_start3A_856 = arith.constant 0 : i32
    %dma_start3A_857 = tpu.memref_slice %arg5[%arg1, %dma_start3A_854, %dma_start3A_856] : memref<16x2x32768xf32, #tpu.memory_space<vmem_shared>> -> memref<1x1x32768xf32, #tpu.memory_space<vmem_shared>>
    %dma_start3A_858 = tpu.memref_squeeze %dma_start3A_857 : memref<1x1x32768xf32, #tpu.memory_space<vmem_shared>> -> memref<32768xf32, #tpu.memory_space<vmem_shared>>
    tpu.enqueue_dma source(%dma_start3A_858 : memref<32768xf32, #tpu.memory_space<vmem_shared>>) target(%dma_start3A_855 : memref<32768xf32, #tpu.memory_space<hbm>>) target_semaphore(%arg8 : memref<!tpu.dma_semaphore, #tpu.memory_space<semaphore_mem>>)
    %dma_wait3A_859 = arith.constant 1 : i32
    %dma_wait3A_860 = tpu.memref_slice %arg4[%add3A_825] : memref<33554432xf32, #tpu.memory_space<hbm>> -> memref<32768xf32, #tpu.memory_space<hbm>>
    %dma_wait3A_861 = arith.constant 0 : i32
    %dma_wait3A_862 = tpu.memref_slice %arg5[%arg1, %dma_wait3A_859, %dma_wait3A_861] : memref<16x2x32768xf32, #tpu.memory_space<vmem_shared>> -> memref<1x1x32768xf32, #tpu.memory_space<vmem_shared>>
    %dma_wait3A_863 = tpu.memref_squeeze %dma_wait3A_862 : memref<1x1x32768xf32, #tpu.memory_space<vmem_shared>> -> memref<32768xf32, #tpu.memory_space<vmem_shared>>
    tpu.wait_dma2 semaphore(%arg9 : memref<!tpu.dma_semaphore, #tpu.memory_space<semaphore_mem>>) src(%dma_wait3A_863 : memref<32768xf32, #tpu.memory_space<vmem_shared>>) dst(%dma_wait3A_860 : memref<32768xf32, #tpu.memory_space<hbm>>)
    %add3A_864 = arith.constant 25165824 : i32
    %add3A_865 = arith.addi %add3A_864, %mul3A_2 : i32
    %add3A_866 = arith.constant 229376 : i32
    %add3A_867 = arith.addi %add3A_865, %add3A_866 : i32
    %dma_start3A_868 = arith.constant 1 : i32
    %dma_start3A_869 = arith.constant 0 : i32
    %dma_start3A_870 = tpu.memref_slice %arg5[%arg1, %dma_start3A_868, %dma_start3A_869] : memref<16x2x32768xf32, #tpu.memory_space<vmem_shared>> -> memref<1x1x32768xf32, #tpu.memory_space<vmem_shared>>
    %dma_start3A_871 = tpu.memref_squeeze %dma_start3A_870 : memref<1x1x32768xf32, #tpu.memory_space<vmem_shared>> -> memref<32768xf32, #tpu.memory_space<vmem_shared>>
    %dma_start3A_872 = tpu.memref_slice %arg2[%add3A_867] : memref<33554432xf32, #tpu.memory_space<hbm>> -> memref<32768xf32, #tpu.memory_space<hbm>>
    tpu.enqueue_dma source(%dma_start3A_872 : memref<32768xf32, #tpu.memory_space<hbm>>) target(%dma_start3A_871 : memref<32768xf32, #tpu.memory_space<vmem_shared>>) target_semaphore(%arg7 : memref<!tpu.dma_semaphore, #tpu.memory_space<semaphore_mem>>)
    %dma_wait3A_873 = arith.constant 1 : i32
    %dma_wait3A_874 = arith.constant 0 : i32
    %dma_wait3A_875 = tpu.memref_slice %arg5[%arg1, %dma_wait3A_873, %dma_wait3A_874] : memref<16x2x32768xf32, #tpu.memory_space<vmem_shared>> -> memref<1x1x32768xf32, #tpu.memory_space<vmem_shared>>
    %dma_wait3A_876 = tpu.memref_squeeze %dma_wait3A_875 : memref<1x1x32768xf32, #tpu.memory_space<vmem_shared>> -> memref<32768xf32, #tpu.memory_space<vmem_shared>>
    %dma_wait3A_877 = tpu.memref_slice %arg2[%add3A_867] : memref<33554432xf32, #tpu.memory_space<hbm>> -> memref<32768xf32, #tpu.memory_space<hbm>>
    tpu.wait_dma2 semaphore(%arg7 : memref<!tpu.dma_semaphore, #tpu.memory_space<semaphore_mem>>) src(%dma_wait3A_877 : memref<32768xf32, #tpu.memory_space<hbm>>) dst(%dma_wait3A_876 : memref<32768xf32, #tpu.memory_space<vmem_shared>>)
    %add3A_878 = arith.constant 25165824 : i32
    %add3A_879 = arith.addi %add3A_878, %mul3A_2 : i32
    %add3A_880 = arith.constant 229376 : i32
    %add3A_881 = arith.addi %add3A_879, %add3A_880 : i32
    %dma_start3A_882 = arith.constant 1 : i32
    %dma_start3A_883 = tpu.memref_slice %arg4[%add3A_881] : memref<33554432xf32, #tpu.memory_space<hbm>> -> memref<32768xf32, #tpu.memory_space<hbm>>
    %dma_start3A_884 = arith.constant 0 : i32
    %dma_start3A_885 = tpu.memref_slice %arg5[%arg1, %dma_start3A_882, %dma_start3A_884] : memref<16x2x32768xf32, #tpu.memory_space<vmem_shared>> -> memref<1x1x32768xf32, #tpu.memory_space<vmem_shared>>
    %dma_start3A_886 = tpu.memref_squeeze %dma_start3A_885 : memref<1x1x32768xf32, #tpu.memory_space<vmem_shared>> -> memref<32768xf32, #tpu.memory_space<vmem_shared>>
    tpu.enqueue_dma source(%dma_start3A_886 : memref<32768xf32, #tpu.memory_space<vmem_shared>>) target(%dma_start3A_883 : memref<32768xf32, #tpu.memory_space<hbm>>) target_semaphore(%arg9 : memref<!tpu.dma_semaphore, #tpu.memory_space<semaphore_mem>>)
    %dma_wait3A_887 = arith.constant 1 : i32
    %dma_wait3A_888 = tpu.memref_slice %arg4[%add3A_881] : memref<33554432xf32, #tpu.memory_space<hbm>> -> memref<32768xf32, #tpu.memory_space<hbm>>
    %dma_wait3A_889 = arith.constant 0 : i32
    %dma_wait3A_890 = tpu.memref_slice %arg5[%arg1, %dma_wait3A_887, %dma_wait3A_889] : memref<16x2x32768xf32, #tpu.memory_space<vmem_shared>> -> memref<1x1x32768xf32, #tpu.memory_space<vmem_shared>>
    %dma_wait3A_891 = tpu.memref_squeeze %dma_wait3A_890 : memref<1x1x32768xf32, #tpu.memory_space<vmem_shared>> -> memref<32768xf32, #tpu.memory_space<vmem_shared>>
    tpu.wait_dma2 semaphore(%arg9 : memref<!tpu.dma_semaphore, #tpu.memory_space<semaphore_mem>>) src(%dma_wait3A_891 : memref<32768xf32, #tpu.memory_space<vmem_shared>>) dst(%dma_wait3A_888 : memref<32768xf32, #tpu.memory_space<hbm>>)
    return
  }
}

</mosaic_0001>

<sc_bundles>
// kernel: kernel.3.cloned.1.call-start
scs
__scs_entry_jumppad:
0x0: {  	(pc) =	sbr.rel $0x88, $3  }
0x1: {  	(tag) =	ssettag $0x0;
	lr =	simm.s32 $0x1  }
0x2: {  	[smem:$0x3F9F] =	sst lr;
	_ =	strace $0xD0000000  }
0x3: {  	_ = 	snop  }
0x4: {  	_ = 	snop  }
0x5: {  	_ = 	snop  }
0x6: {  	_ = 	snop  }
0x7: {  	_ = 	snop  }
__scs_overlays_trampoline_lowered:
0x8: {  	[smem:$0x3FAE] =	sst s0  }
0x9: {  	[smem:$0x3FAF] =	sst s1  }
0xa: {  	[smem:$0x3FB0] =	sst s2  }
0xb: {  	[smem:$0x3FB1] =	sst s3  }
0xc: {  	[smem:$0x3FB2] =	sst s4  }
0xd: {  	[smem:$0x3FB3] =	sst s5  }
0xe: {  	[smem:$0x3FB4] =	sst s6  }
0xf: {  	[smem:$0x3FB5] =	sst s7  }
0x10: {  	[smem:$0x3FB6] =	sst s8  }
0x11: {  	[smem:$0x3FB7] =	sst s9;
	s0 =	simm.s32 @!p0 $0x0  }
0x12: {  	s1 =	sld [smem:$0x3F9D];
	s0 =	simm.s32 @p0 $0x1  }
0x13: {  	[smem:$0x3FB8] =	sst s0;
	s0 =	simm.s32 @!p1 $0x0  }
0x14: {  	s2 =	sld [smem:$0x3F9C];
	s0 =	simm.s32 @p1 $0x1  }
0x15: {  	[smem:$0x3FB9] =	sst s0;
	s0 =	simm.s32 @!p2 $0x0  }
0x16: {  	s3 =	sld [smem:$0x3FDB];
	s0 =	simm.s32 @p2 $0x1  }
0x17: {  	s4 =	simm.s32 $0x1BF5;
	[smem:$0x3FBB] =	sst s0  }
0x18: {  	s0 =	sld [smem:$0x3F9E];
	_ =	swait.ge [sflag:s4], $0x0  }
0x19: {  	s7 =	sld [smem:$0x3F9F]  }
0x1a: {  	s8 =	sadd.s32 $0xFFFFE003, lr  }
0x1b: {  	s9 =	sadd.s32 $0xFFFFFEF7, lr;
	s5 =	simm.s32 $0xFFFFFFFF;
	p2 =	slt.u32 s8, $0xFFFFF086  }
0x1c: {  	p1 =	slt.u32 s9, $0xF7A;
	s5 =	simm.s32 @!p2 $0x0  }
0x1d: {  	s5 =	simm.s32 @p1 $0x1;
	p0 =	seq.s32 s7, s2  }
0x1e: {  	s7 =	smul.u32 @!p0 $0xF7A, s2;
	p2 =	seq.s32 @!p0 s5, $0x0  }
0x1f: {  	s9 =	smul.u32 $0xF7A, s1;
	s8 =	simm.s32 @!p0 $0x1BF5;
	p2 =	por !p2, p0  }
0x20: {  	[sflag:s8] =	ssyncset.s32 @!p0 $0xFFFFF086;
	s6 =	sadd.s32 @!p0 s3, s7;
	s7 =	simm.s32 @!p0 $0x108  }
0x21: {  	s3 =	sadd.s32 s3, s9;
	s6 =	sadd.s32 @!p0 $0x88, s6;
	s7 =	simm.s32 @p2 $0x1082  }
0x22: {  	[simem:s7], [sflag:s8] =	dma.local @!p0 [hbm:s6], $0xF7A  }
0x23: {  	s9 =	sor.u32 $0xD0000000, s2;
	s6 =	simm.s32 $0x108;
	_ =	swait.ge @!p0 [sflag:s8], $0x0  }
0x24: {  	s3 =	sadd.s32 $0x88, s3;
	s6 =	simm.s32 @!p1 $0x1082;
	[sflag:s4] =	ssyncset.s32 $0xFFFFF086  }
0x25: {  	[simem:s6], [sflag:s4] =	dma.local [hbm:s3], $0xF7A  }
0x26: {  	[smem:$0x3F9F] =	sst s1;
	(tag) =	ssettag s2;
	_ =	strace s9  }
0x27: {  	s1 =	sld [smem:$0x3FAF]  }
0x28: {  	s2 =	sld [smem:$0x3FB0]  }
0x29: {  	s4 =	sld [smem:$0x3FB2]  }
0x2a: {  	p0 =	seq.s32 s5, $0x0;
	s5 =	sld [smem:$0x3FB3]  }
0x2b: {  	s6 =	sld [smem:$0x3FB4]  }
0x2c: {  	s7 =	sld [smem:$0x3FB5]  }
0x2d: {  	s3 =	simm.s32 $0x108;
	s8 =	sld [smem:$0x3FB6]  }
0x2e: {  	s3 =	simm.s32 @!p0 $0x1082;
	s9 =	sld [smem:$0x3FB7]  }
0x2f: {  	lr =	sadd.s32 s0, s3;
	s0 =	sld [smem:$0x3FAE]  }
0x30: {  	s3 =	sld [smem:$0x3FB1]  }
0x31: {  	[smem:$0x3FBA] =	sst s10  }
0x32: {  	s10 =	sld [smem:$0x3FB8];
	_ =	sdelay $0x3  }
0x33: {  	p0 =	seq.s32 s10, $0x1;
	s10 =	sld [smem:$0x3FBA];
	_ =	sdelay $0x3  }
0x34: {  	[smem:$0x3FBA] =	sst s10  }
0x35: {  	s10 =	sld [smem:$0x3FB9];
	_ =	sdelay $0x3  }
0x36: {  	p1 =	seq.s32 s10, $0x1;
	s10 =	sld [smem:$0x3FBA];
	_ =	sdelay $0x3  }
0x37: {  	[smem:$0x3FBA] =	sst s10  }
0x38: {  	s10 =	sld [smem:$0x3FBB]  }
0x39: {  	_ = 	snop;
	(pc) =	sbr.ind lr, $3  }
0x3a: {  	_ = 	snop  }
0x3b: {  	_ = 	snop  }
0x3c: {  	p2 =	seq.s32 s10, $0x1;
	s10 =	sld [smem:$0x3FBA]  }
0x3d: {  	_ =	shalt  }
0x3e: {  	_ =	shalt  }
0x3f: {  	_ =	shalt  }
0x40: {  	_ =	shalt  }
0x41: {  	_ =	shalt  }
0x42: {  	_ =	shalt  }
0x43: {  	_ =	shalt  }
0x44: {  	_ =	shalt  }
0x45: {  	_ =	shalt  }
0x46: {  	_ =	shalt  }
0x47: {  	_ =	shalt  }
0x48: {  	_ =	shalt  }
0x49: {  	_ =	shalt  }
0x4a: {  	_ =	shalt  }
0x4b: {  	_ =	shalt  }
0x4c: {  	_ =	shalt  }
0x4d: {  	_ =	shalt  }
0x4e: {  	_ =	shalt  }
0x4f: {  	_ =	shalt  }
0x50: {  	_ =	shalt  }
0x51: {  	_ =	shalt  }
0x52: {  	_ =	shalt  }
0x53: {  	_ =	shalt  }
0x54: {  	_ =	shalt  }
0x55: {  	_ =	shalt  }
0x56: {  	_ =	shalt  }
0x57: {  	_ =	shalt  }
0x58: {  	_ =	shalt  }
0x59: {  	_ =	shalt  }
0x5a: {  	_ =	shalt  }
0x5b: {  	_ =	shalt  }
0x5c: {  	_ =	shalt  }
0x5d: {  	_ =	shalt  }
0x5e: {  	_ =	shalt  }
0x5f: {  	_ =	shalt  }
0x60: {  	_ =	shalt  }
0x61: {  	_ =	shalt  }
0x62: {  	_ =	shalt  }
0x63: {  	_ =	shalt  }
0x64: {  	_ =	shalt  }
0x65: {  	_ =	shalt  }
0x66: {  	_ =	shalt  }
0x67: {  	_ =	shalt  }
0x68: {  	_ =	shalt  }
0x69: {  	_ =	shalt  }
0x6a: {  	_ =	shalt  }
0x6b: {  	_ =	shalt  }
0x6c: {  	_ =	shalt  }
0x6d: {  	_ =	shalt  }
0x6e: {  	_ =	shalt  }
0x6f: {  	_ =	shalt  }
0x70: {  	_ =	shalt  }
0x71: {  	_ =	shalt  }
0x72: {  	_ =	shalt  }
0x73: {  	_ =	shalt  }
0x74: {  	_ =	shalt  }
0x75: {  	_ =	shalt  }
0x76: {  	_ =	shalt  }
0x77: {  	_ =	shalt  }
0x78: {  	_ =	shalt  }
0x79: {  	_ =	shalt  }
0x7a: {  	_ =	shalt  }
0x7b: {  	_ =	shalt  }
0x7c: {  	_ =	shalt  }
0x7d: {  	_ =	shalt  }
0x7e: {  	_ =	shalt  }
0x7f: {  	_ =	shalt  }
0x80: {  	_ =	shalt  }
0x81: {  	_ =	shalt  }
0x82: {  	_ =	shalt  }
0x83: {  	_ =	shalt  }
0x84: {  	_ =	shalt  }
0x85: {  	_ =	shalt  }
0x86: {  	_ =	shalt  }
0x87: {  	_ =	shalt  }
.Lfunc_end0:
.L_simem_size_0:
called_computation.2_lowered:
.L_overlay_start_0:
0x88: {  	s2 =	sld [smem:$0x3FD9]  }
0x89: {  	s3 =	sld [smem:$0x3FFE];
	_ =	sdelay $0x1  }
0x8a: {  	s1 =	srdreg.scid  }
0x8b: {  	s0 =	sand.u32 $0x1, s1  }
0x8c: {  	s17 =	sshll.u32 s0, $0xA;
	s2 =	sadd.s32 s3, s2  }
0x8d: {  	s2 =	sadd.s32 s2, s17  }
0x8e: {  	[smem:$0x3FC6] =	sst s2  }
0x8f: {  	_ = 	snop  }
0x90: {  	s2 =	sld [smem:$0x3FD0];
	(tm) =	ssettm $0x1  }
0x91: {  	s18 =	sld [smem:$0x3FFB];
	_ =	sdelay $0x3  }
0x92: {  	_ =	strace s18  }
0x93: {  	s3 =	sld [smem:$0x3FFC];
	_ =	sdelay $0x3  }
0x94: {  	_ =	strace s3  }
0x95: {  	s3 =	sld [smem:$0x3FFD];
	_ =	sdelay $0x3  }
0x96: {  	_ =	strace s3  }
0x97: {  	_ =	strace $0x8FFFFFFF  }
0x98: {  	s19 =	sld [smem:$0x3FDB];
	_ =	sdelay $0x1  }
0x99: {  	s4 =	simm.s32 $_scs_section_size  }
0x9a: {  	s5 =	simm.s32 $_size__tile_overlayer_lowered;
	s6 =	simm.s32 $_tile_overlayer_lowered  }
0x9b: {  	s22 =	simm.s32 $0x1BFF;
	s21 =	sshll.u32 s6, $0x1;
	s3 =	sadd.s32 s4, s19  }
0x9c: {  	s7 =	simm.s32 $0x0;
	s20 =	sshll.u32 s5, $0x1;
	s5 =	sadd.s32 s21, s3  }
0x9d: {  	[timem:s7], [sflag:s22] =	dma.local [hbm:s5], s20  }
0x9e: {  	_ =	swait.ge [sflag:s22], s20  }
0x9f: {  	s4 =	ssub.s32 $0x0, s20;
	[sflag:s22] =	ssyncset.done $0x0  }
0xa0: {  	[sflag:s22] =	ssyncadd.s32 s4;
	_ =	sdelay $0x1  }
0xa1: {  	s23 =	simm.s32 $0x1B8B  }
0xa2: {  	_ =	swait.ge [sflag:s23], $0x1  }
0xa3: {  	[sflag:s23] =	ssyncset.done $0x0  }
0xa4: {  	s25 =	simm.s32 $0x1B8E;
	s24 =	sld [smem:$0x3FFE];
	[sflag:s23] =	ssyncadd.s32 $0xFFFFFFFF  }
0xa5: {  	s26 =	simm.s32 $execute0_lowered;
	[smem:$0x3FD2] =	sst s25  }
0xa6: {  	s5 =	sshll.u32 s26, $0x1;
	_ =	strace $0x8000004C;
	[dreg:$0x1] =	wrdreg $0xFFFFFFFF  }
0xa7: {  	s28 =	simm.s32 $_size_execute0_lowered;
	s3 =	sadd.s32 s3, s5;
	[dreg:$0x0] =	wrdreg $0x0  }
0xa8: {  	s5 =	sshll.u32 s28, $0x1;
	[dreg:$0x2] =	wrdreg s3  }
0xa9: {  	[dreg:$0x3] =	wrdreg s5  }
0xaa: {  	[dreg:$0x4] =	wrdreg $0xC0  }
0xab: {  	_ =	task [dreg:s7], $0x5FFFF  }
0xac: {  	[dreg:$0x1] =	wrdreg $0xFFFFFFFF  }
0xad: {  	[dreg:$0x0] =	wrdreg $0x60  }
0xae: {  	[dreg:$0x2] =	wrdreg s2  }
0xaf: {  	[dreg:$0x3] =	wrdreg s24  }
0xb0: {  	[dreg:$0x4] =	wrdreg $0x0  }
0xb1: {  	[dreg:$0x5] =	wrdreg $0x9  }
0xb2: {  	_ =	task.clear_ibuf [dreg:s7], $0x6FFFF;
	_ =	strace $0x9000004C  }
0xb3: {  	s29 =	simm.s32 $0x9;
	_ =	strace $0x8000004E  }
0xb4: {  	_ =	swait.ge [sflag:s29], $0x1  }
0xb5: {  	[sflag:s29] =	ssyncadd.s32 $0xFFFFFFFF  }
0xb6: {  	_ =	strace $0x9000004E  }
0xb7: {  	_ =	sfence  }
0xb8: {  	s30 =	sld [smem:$0x0];
	_ =	sdelay $0x2  }
0xb9: {  	s31 =	sshll.u32 s1, $0xD;
	s1 =	sshrl.u32 s1, $0x2  }
0xba: {  	s3 =	sand.u32 $0x4000, s31;
	s1 =	sadd.s32 s1, s30  }
0xbb: {  	s0 =	sor.u32 s3, s0;
	s1 =	sshll.u32 s1, $0x11  }
0xbc: {  	s0 =	sor.u32 s1, s0  }
0xbd: {  	s0 =	sadd.s32 $0x8F2B, s0  }
0xbe: {  	[sflag:s0] =	ssyncadd.remote.s32 $0x1  }
0xbf: {  	_ =	sfence.sel $0xFFFF  }
0xc0: {  	[dreg:$0x0] =	wrdreg $0xFFFFFFFF;
	(pc) =	sbr.abs _section_cstart, $3  }
0xc1: {  	[dreg:$0x1] =	wrdreg $0xFFFFFFFF  }
0xc2: {  	_ =	task.clear_ibuf [dreg:s7], $0x2FFFF;
	_ =	strace $0x9FFFFFFF  }
0xc3: {  	(tm) =	ssettm $0x7FFFFFFF  }
tec
execute0_lowered:
.L_overlay_start_1:
0x0: {  	(tag) =	ssettag $0x1  }
0x1: {  	s3 =	rddreg [dreg:$0x0]  }
0x2: {  	s0 =	rddreg [dreg:$0x1]  }
0x3: {  	s2 =	rddreg [dreg:$0x2];
	s4 =	srdreg.scid  }
0x4: {  	s30 =	rddreg [dreg:$0x3];
	s1 =	stileid.u32;
	s7 =	sand.u32 $0x1, s4  }
0x5: {  	s19 =	simm.s32 $0x0;
	s6 =	sshll.u32 s1, $0x10;
	s5 =	sshll.u32 s7, $0xF  }
0x6: {  	[smem:$0x7FF] =	sst s19;
	s5 =	sor.u32 s5, s6  }
0x7: {  	s4 =	sadd.s32 $0x100C00, s0;
	_ =	strace $0x8000004D;
	s20 =	sadd.s32 s3, s5  }
0x8: {  	s21 =	sadd.s32 s4, s5;
	s8 =	sor.u32 $0x100000, s5;
	[dreg:$0x4] =	wrdreg s20  }
0x9: {  	[dreg:$0x5] =	wrdreg s21;
	s22 =	sadd.s32 s3, s8  }
0xa: {  	s24 =	sor.u32 $0x200000, s5;
	s23 =	sadd.s32 s4, s8;
	[dreg:$0x6] =	wrdreg s22  }
0xb: {  	s25 =	sadd.s32 s3, s24;
	[dreg:$0x7] =	wrdreg s23  }
0xc: {  	s28 =	sor.u32 $0x300000, s5;
	s26 =	sadd.s32 s4, s24;
	[dreg:$0x8] =	wrdreg s25  }
0xd: {  	s29 =	sadd.s32 s3, s28;
	[dreg:$0x9] =	wrdreg s26  }
0xe: {  	s9 =	sor.u32 $0x1000, s5;
	s8 =	sadd.s32 s4, s28;
	[dreg:$0xa] =	wrdreg s29  }
0xf: {  	s10 =	sadd.s32 s3, s9;
	[dreg:$0xb] =	wrdreg s8  }
0x10: {  	s12 =	sor.u32 $0x101000, s5;
	s11 =	sadd.s32 s4, s9;
	[dreg:$0xc] =	wrdreg s10  }
0x11: {  	s13 =	sadd.s32 s3, s12;
	[dreg:$0xd] =	wrdreg s11  }
0x12: {  	s15 =	sor.u32 $0x201000, s5;
	s14 =	sadd.s32 s4, s12;
	[dreg:$0xe] =	wrdreg s13  }
0x13: {  	s16 =	sadd.s32 s3, s15;
	[dreg:$0xf] =	wrdreg s14  }
0x14: {  	s18 =	sor.u32 $0x301000, s5;
	s17 =	sadd.s32 s4, s15;
	[dreg:$0x10] =	wrdreg s16  }
0x15: {  	s19 =	sadd.s32 s3, s18;
	[dreg:$0x11] =	wrdreg s17  }
0x16: {  	s20 =	sadd.s32 s4, s18;
	[dreg:$0x12] =	wrdreg s19  }
0x17: {  	s21 =	sor.u32 $0x2000, s5;
	[dreg:$0x13] =	wrdreg s20  }
0x18: {  	s22 =	sadd.s32 s3, s21;
	s0 =	rddreg [dreg:$0x4]  }
0x19: {  	s24 =	sor.u32 $0x102000, s5;
	s23 =	sadd.s32 s4, s21;
	[dreg:$0x14] =	wrdreg s22  }
0x1a: {  	s25 =	sadd.s32 s3, s24;
	[dreg:$0x15] =	wrdreg s23  }
0x1b: {  	s28 =	sor.u32 $0x202000, s5;
	s26 =	sadd.s32 s4, s24;
	[dreg:$0x16] =	wrdreg s25  }
0x1c: {  	s29 =	sadd.s32 s3, s28;
	[dreg:$0x17] =	wrdreg s26  }
0x1d: {  	s9 =	sadd.s32 s4, s28;
	s10 =	sor.u32 $0x302000, s5;
	[dreg:$0x18] =	wrdreg s29  }
0x1e: {  	[dreg:$0x19] =	wrdreg s9;
	s11 =	sadd.s32 s3, s10  }
0x1f: {  	s13 =	sor.u32 $0x3000, s5;
	s12 =	sadd.s32 s4, s10;
	[dreg:$0x1a] =	wrdreg s11  }
0x20: {  	p0 =	por $0x0, $0x0;
	s14 =	sadd.s32 s3, s13;
	[dreg:$0x1b] =	wrdreg s12  }
0x21: {  	s16 =	sor.u32 $0x103000, s5;
	s15 =	sadd.s32 s4, s13;
	[dreg:$0x1c] =	wrdreg s14  }
0x22: {  	s7 =	ssub.s32 $0x2, s7;
	s17 =	sadd.s32 s3, s16;
	[dreg:$0x1d] =	wrdreg s15  }
0x23: {  	s19 =	sor.u32 $0x203000, s5;
	s18 =	sadd.s32 s4, s16;
	[dreg:$0x1e] =	wrdreg s17  }
0x24: {  	s8 =	sor.u32 $0x6000, s5;
	s20 =	sadd.s32 s3, s19;
	[dreg:$0x1f] =	wrdreg s18  }
0x25: {  	s21 =	sadd.s32 s4, s19;
	s22 =	sor.u32 $0x303000, s5;
	[smem:$0x7E9] =	sst s20  }
0x26: {  	s25 =	sor.u32 $0x4000, s5;
	[smem:$0x7EA] =	sst s21;
	s23 =	sadd.s32 s3, s22  }
0x27: {  	s29 =	sor.u32 $0x104000, s5;
	s24 =	sadd.s32 s4, s22;
	[smem:$0x7EB] =	sst s23  }
0x28: {  	s26 =	sadd.s32 s3, s25;
	s28 =	sadd.s32 s4, s25;
	[smem:$0x7EC] =	sst s24  }
0x29: {  	s9 =	sadd.s32 s3, s29;
	s10 =	sadd.s32 s4, s29;
	[smem:$0x7ED] =	sst s26  }
0x2a: {  	s11 =	sor.u32 $0x204000, s5;
	s14 =	sor.u32 $0x304000, s5;
	[smem:$0x7EE] =	sst s28  }
0x2b: {  	s17 =	sor.u32 $0x5000, s5;
	s20 =	sor.u32 $0x105000, s5;
	[smem:$0x7EF] =	sst s9  }
0x2c: {  	[smem:$0x7F0] =	sst s10;
	s12 =	sadd.s32 s3, s11;
	s13 =	sadd.s32 s4, s11  }
0x2d: {  	s9 =	sshrl.u32 s7, $0x1;
	s15 =	sadd.s32 s3, s14;
	s16 =	sadd.s32 s4, s14  }
0x2e: {  	s18 =	sadd.s32 s3, s17;
	s19 =	sadd.s32 s4, s17;
	[smem:$0x7F1] =	sst s12  }
0x2f: {  	s21 =	sadd.s32 s3, s20;
	s22 =	sadd.s32 s4, s20;
	[smem:$0x7F2] =	sst s13  }
0x30: {  	s23 =	sor.u32 $0x205000, s5;
	s26 =	sshll.u32 s1, $0x6;
	[smem:$0x7F3] =	sst s15  }
0x31: {  	s28 =	sor.u32 $0x305000, s5;
	s10 =	sadd.s32 s3, s8;
	[smem:$0x7F4] =	sst s16  }
0x32: {  	s11 =	sor.u32 $0x106000, s5;
	s14 =	sor.u32 $0x306000, s5;
	[smem:$0x7F5] =	sst s18  }
0x33: {  	s17 =	sor.u32 $0x107000, s5;
	s20 =	sor.u32 $0x207000, s5;
	[smem:$0x7F6] =	sst s19  }
0x34: {  	s7 =	ssub.s32 s7, s9;
	s12 =	sadd.s32 s6, s2;
	[smem:$0x7F7] =	sst s21  }
0x35: {  	[smem:$0x7F8] =	sst s22;
	s24 =	sadd.s32 s3, s23;
	s25 =	sadd.s32 s4, s23  }
0x36: {  	s2 =	sor.u32 $0x1C01, s26;
	s29 =	sadd.s32 s3, s28;
	s6 =	sadd.s32 s4, s28  }
0x37: {  	[smem:$0x7FD] =	sst s10;
	s23 =	sadd.s32 s4, s11;
	s13 =	sor.u32 $0x206000, s5  }
0x38: {  	s19 =	sadd.s32 s3, s14;
	s18 =	sadd.s32 s4, s14;
	[smem:$0x7F9] =	sst s24  }
0x39: {  	s15 =	sor.u32 $0x7000, s5;
	s14 =	sadd.s32 s3, s17;
	[smem:$0x7FA] =	sst s25  }
0x3a: {  	s28 =	sor.u32 $0x307000, s5;
	s10 =	simm.s32 $0x2;
	[smem:$0x7FB] =	sst s29  }
0x3b: {  	s9 =	sadd.s32 $0x80, s12;
	[smem:$0x7FC] =	sst s6;
	s25 =	sadd.s32 s4, s8  }
0x3c: {  	s24 =	sadd.s32 s3, s11;
	s22 =	sadd.s32 s3, s13;
	s29 =	smax.u32 s7, $0x1  }
0x3d: {  	s21 =	sadd.s32 s4, s13;
	s16 =	sadd.s32 s3, s15;
	p1 =	sne.s32 s29, $0x1  }
.Ltmp0:
0x3e: {  	s15 =	sadd.s32 s4, s15;
	s13 =	sadd.s32 s4, s17;
	(pc) =	sbr.rel @!p1 .LBB2_5-.Ltmp0, $4  }
0x3f: {  	s11 =	sadd.s32 s3, s20;
	s8 =	sadd.s32 s4, s20;
	s5 =	sadd.s32 s3, s28  }
0x40: {  	s3 =	sadd.s32 s4, s28;
	s4 =	simm.s32 $0x1;
	s6 =	simm.s32 $0x20  }
0x41: {  	s7 =	simm.s32 $0x10;
	s17 =	sshrl.u32 s12, $0x3;
	s20 =	simm.s32 $0x3  }
0x42: {  	s12 =	simm.s32 $0x4;
	s9 =	sshrl.u32 s9, $0x3;
	s31 =	sadd.s32 $0xFFFFFFFF, s29  }
0x43: {  	[spmem:s17@s6], [sflag:s2] =	dma.strided [hbm:s0@s7], $0x1000, s4, $0x10   }
0x44: {  	_ =	swait.ge [sflag:s4], $0x1000  }
0x45: {  	[sflag:s4] =	ssyncset.done $0x0  }
0x46: {  	s28 =	sor.u32 $0x1C03, s26;
	s0 =	rddreg [dreg:$0x5];
	[sflag:s4] =	ssyncadd.s32 $0xFFFFF000  }
0x47: {  	[hbm:s0@s7], [sflag:s28] =	dma.strided [spmem:s17@s6], $0x1000, s4, $0x10   }
0x48: {  	s29 =	sor.u32 $0x1C02, s26;
	s0 =	rddreg [dreg:$0x6]  }
0x49: {  	[spmem:s9@s6], [sflag:s29] =	dma.strided [hbm:s0@s7], $0x1000, s4, $0x10   }
0x4a: {  	_ =	swait.ge [sflag:s10], $0x1000  }
0x4b: {  	[sflag:s10] =	ssyncset.done $0x0  }
0x4c: {  	s30 =	sor.u32 $0x1C04, s26;
	s0 =	rddreg [dreg:$0x7];
	[sflag:s10] =	ssyncadd.s32 $0xFFFFF000  }
0x4d: {  	[hbm:s0@s7], [sflag:s30] =	dma.strided [spmem:s9@s6], $0x1000, s4, $0x10   }
0x4e: {  	_ =	swait.ge [sflag:s20], $0x1000  }
0x4f: {  	[sflag:s20] =	ssyncset.done $0x0  }
0x50: {  	s0 =	rddreg [dreg:$0x8];
	[sflag:s20] =	ssyncadd.s32 $0xFFFFF000  }
0x51: {  	[spmem:s17@s6], [sflag:s2] =	dma.strided [hbm:s0@s7], $0x1000, s4, $0x10   }
0x52: {  	_ =	swait.ge [sflag:s4], $0x1000  }
0x53: {  	[sflag:s4] =	ssyncset.done $0x0  }
0x54: {  	s0 =	rddreg [dreg:$0x9];
	[sflag:s4] =	ssyncadd.s32 $0xFFFFF000  }
0x55: {  	[hbm:s0@s7], [sflag:s28] =	dma.strided [spmem:s17@s6], $0x1000, s4, $0x10   }
0x56: {  	_ =	swait.ge [sflag:s12], $0x1000  }
0x57: {  	[sflag:s12] =	ssyncset.done $0x0  }
0x58: {  	s0 =	rddreg [dreg:$0xa];
	[sflag:s12] =	ssyncadd.s32 $0xFFFFF000  }
0x59: {  	[spmem:s9@s6], [sflag:s29] =	dma.strided [hbm:s0@s7], $0x1000, s4, $0x10   }
0x5a: {  	_ =	swait.ge [sflag:s10], $0x1000  }
0x5b: {  	[sflag:s10] =	ssyncset.done $0x0  }
0x5c: {  	s0 =	rddreg [dreg:$0xb];
	[sflag:s10] =	ssyncadd.s32 $0xFFFFF000  }
0x5d: {  	[hbm:s0@s7], [sflag:s30] =	dma.strided [spmem:s9@s6], $0x1000, s4, $0x10   }
0x5e: {  	_ =	swait.ge [sflag:s20], $0x1000  }
0x5f: {  	[sflag:s20] =	ssyncset.done $0x0  }
0x60: {  	s0 =	rddreg [dreg:$0xc];
	[sflag:s20] =	ssyncadd.s32 $0xFFFFF000  }
0x61: {  	[spmem:s17@s6], [sflag:s2] =	dma.strided [hbm:s0@s7], $0x1000, s4, $0x10   }
0x62: {  	_ =	swait.ge [sflag:s4], $0x1000  }
0x63: {  	[sflag:s4] =	ssyncset.done $0x0  }
0x64: {  	s0 =	rddreg [dreg:$0xd];
	[sflag:s4] =	ssyncadd.s32 $0xFFFFF000  }
0x65: {  	[hbm:s0@s7], [sflag:s28] =	dma.strided [spmem:s17@s6], $0x1000, s4, $0x10   }
0x66: {  	_ =	swait.ge [sflag:s12], $0x1000  }
0x67: {  	[sflag:s12] =	ssyncset.done $0x0  }
0x68: {  	s0 =	rddreg [dreg:$0xe];
	[sflag:s12] =	ssyncadd.s32 $0xFFFFF000  }
0x69: {  	[spmem:s9@s6], [sflag:s29] =	dma.strided [hbm:s0@s7], $0x1000, s4, $0x10   }
0x6a: {  	_ =	swait.ge [sflag:s10], $0x1000  }
0x6b: {  	[sflag:s10] =	ssyncset.done $0x0  }
0x6c: {  	s0 =	rddreg [dreg:$0xf];
	[sflag:s10] =	ssyncadd.s32 $0xFFFFF000  }
0x6d: {  	[hbm:s0@s7], [sflag:s30] =	dma.strided [spmem:s9@s6], $0x1000, s4, $0x10   }
0x6e: {  	_ =	swait.ge [sflag:s20], $0x1000  }
0x6f: {  	[sflag:s20] =	ssyncset.done $0x0  }
0x70: {  	s0 =	rddreg [dreg:$0x10];
	[sflag:s20] =	ssyncadd.s32 $0xFFFFF000  }
0x71: {  	[spmem:s17@s6], [sflag:s2] =	dma.strided [hbm:s0@s7], $0x1000, s4, $0x10   }
0x72: {  	_ =	swait.ge [sflag:s4], $0x1000  }
0x73: {  	[sflag:s4] =	ssyncset.done $0x0  }
0x74: {  	s0 =	rddreg [dreg:$0x11];
	[sflag:s4] =	ssyncadd.s32 $0xFFFFF000  }
0x75: {  	[hbm:s0@s7], [sflag:s28] =	dma.strided [spmem:s17@s6], $0x1000, s4, $0x10   }
0x76: {  	_ =	swait.ge [sflag:s12], $0x1000  }
0x77: {  	[sflag:s12] =	ssyncset.done $0x0  }
0x78: {  	s0 =	rddreg [dreg:$0x12];
	[sflag:s12] =	ssyncadd.s32 $0xFFFFF000  }
0x79: {  	[spmem:s9@s6], [sflag:s29] =	dma.strided [hbm:s0@s7], $0x1000, s4, $0x10   }
0x7a: {  	_ =	swait.ge [sflag:s10], $0x1000  }
0x7b: {  	[sflag:s10] =	ssyncset.done $0x0  }
0x7c: {  	s0 =	rddreg [dreg:$0x13];
	[sflag:s10] =	ssyncadd.s32 $0xFFFFF000  }
0x7d: {  	[hbm:s0@s7], [sflag:s30] =	dma.strided [spmem:s9@s6], $0x1000, s4, $0x10   }
0x7e: {  	_ =	swait.ge [sflag:s20], $0x1000  }
0x7f: {  	[sflag:s20] =	ssyncset.done $0x0  }
0x80: {  	s0 =	rddreg [dreg:$0x14];
	[sflag:s20] =	ssyncadd.s32 $0xFFFFF000  }
0x81: {  	[spmem:s17@s6], [sflag:s2] =	dma.strided [hbm:s0@s7], $0x1000, s4, $0x10   }
0x82: {  	_ =	swait.ge [sflag:s4], $0x1000  }
0x83: {  	[sflag:s4] =	ssyncset.done $0x0  }
0x84: {  	s0 =	rddreg [dreg:$0x15];
	[sflag:s4] =	ssyncadd.s32 $0xFFFFF000  }
0x85: {  	[hbm:s0@s7], [sflag:s28] =	dma.strided [spmem:s17@s6], $0x1000, s4, $0x10   }
0x86: {  	_ =	swait.ge [sflag:s12], $0x1000  }
0x87: {  	[sflag:s12] =	ssyncset.done $0x0  }
0x88: {  	s0 =	rddreg [dreg:$0x16];
	[sflag:s12] =	ssyncadd.s32 $0xFFFFF000  }
0x89: {  	[spmem:s9@s6], [sflag:s29] =	dma.strided [hbm:s0@s7], $0x1000, s4, $0x10   }
0x8a: {  	_ =	swait.ge [sflag:s10], $0x1000  }
0x8b: {  	[sflag:s10] =	ssyncset.done $0x0  }
0x8c: {  	s0 =	rddreg [dreg:$0x17];
	[sflag:s10] =	ssyncadd.s32 $0xFFFFF000  }
0x8d: {  	[hbm:s0@s7], [sflag:s30] =	dma.strided [spmem:s9@s6], $0x1000, s4, $0x10   }
0x8e: {  	_ =	swait.ge [sflag:s20], $0x1000  }
0x8f: {  	[sflag:s20] =	ssyncset.done $0x0  }
0x90: {  	s0 =	rddreg [dreg:$0x18];
	[sflag:s20] =	ssyncadd.s32 $0xFFFFF000  }
0x91: {  	[spmem:s17@s6], [sflag:s2] =	dma.strided [hbm:s0@s7], $0x1000, s4, $0x10   }
0x92: {  	_ =	swait.ge [sflag:s4], $0x1000  }
0x93: {  	[sflag:s4] =	ssyncset.done $0x0  }
0x94: {  	s0 =	rddreg [dreg:$0x19];
	[sflag:s4] =	ssyncadd.s32 $0xFFFFF000  }
0x95: {  	[hbm:s0@s7], [sflag:s28] =	dma.strided [spmem:s17@s6], $0x1000, s4, $0x10   }
0x96: {  	_ =	swait.ge [sflag:s12], $0x1000  }
0x97: {  	[sflag:s12] =	ssyncset.done $0x0  }
0x98: {  	s0 =	rddreg [dreg:$0x1a];
	[sflag:s12] =	ssyncadd.s32 $0xFFFFF000  }
0x99: {  	[spmem:s9@s6], [sflag:s29] =	dma.strided [hbm:s0@s7], $0x1000, s4, $0x10   }
0x9a: {  	_ =	swait.ge [sflag:s10], $0x1000  }
0x9b: {  	[sflag:s10] =	ssyncset.done $0x0  }
0x9c: {  	s0 =	rddreg [dreg:$0x1b];
	[sflag:s10] =	ssyncadd.s32 $0xFFFFF000  }
0x9d: {  	[hbm:s0@s7], [sflag:s30] =	dma.strided [spmem:s9@s6], $0x1000, s4, $0x10   }
0x9e: {  	_ =	swait.ge [sflag:s20], $0x1000  }
0x9f: {  	[sflag:s20] =	ssyncset.done $0x0  }
0xa0: {  	s0 =	rddreg [dreg:$0x1c];
	[sflag:s20] =	ssyncadd.s32 $0xFFFFF000  }
0xa1: {  	[spmem:s17@s6], [sflag:s2] =	dma.strided [hbm:s0@s7], $0x1000, s4, $0x10   }
0xa2: {  	_ =	swait.ge [sflag:s4], $0x1000  }
0xa3: {  	[sflag:s4] =	ssyncset.done $0x0  }
0xa4: {  	s0 =	rddreg [dreg:$0x1d];
	[sflag:s4] =	ssyncadd.s32 $0xFFFFF000  }
0xa5: {  	[hbm:s0@s7], [sflag:s28] =	dma.strided [spmem:s17@s6], $0x1000, s4, $0x10   }
0xa6: {  	_ =	swait.ge [sflag:s12], $0x1000  }
0xa7: {  	[sflag:s12] =	ssyncset.done $0x0  }
0xa8: {  	s0 =	rddreg [dreg:$0x1e];
	[sflag:s12] =	ssyncadd.s32 $0xFFFFF000  }
0xa9: {  	[spmem:s9@s6], [sflag:s29] =	dma.strided [hbm:s0@s7], $0x1000, s4, $0x10   }
0xaa: {  	_ =	swait.ge [sflag:s10], $0x1000  }
0xab: {  	[sflag:s10] =	ssyncset.done $0x0  }
0xac: {  	s0 =	rddreg [dreg:$0x1f];
	[sflag:s10] =	ssyncadd.s32 $0xFFFFF000  }
0xad: {  	[hbm:s0@s7], [sflag:s30] =	dma.strided [spmem:s9@s6], $0x1000, s4, $0x10   }
0xae: {  	_ =	swait.ge [sflag:s20], $0x1000  }
0xaf: {  	s0 =	sld [smem:$0x7E9]  }
0xb0: {  	[sflag:s20] =	ssyncset.done $0x0  }
0xb1: {  	[sflag:s20] =	ssyncadd.s32 $0xFFFFF000  }
0xb2: {  	[spmem:s17@s6], [sflag:s2] =	dma.strided [hbm:s0@s7], $0x1000, s4, $0x10   }
0xb3: {  	_ =	swait.ge [sflag:s4], $0x1000  }
0xb4: {  	s0 =	sld [smem:$0x7EA]  }
0xb5: {  	[sflag:s4] =	ssyncset.done $0x0  }
0xb6: {  	[sflag:s4] =	ssyncadd.s32 $0xFFFFF000  }
0xb7: {  	[hbm:s0@s7], [sflag:s28] =	dma.strided [spmem:s17@s6], $0x1000, s4, $0x10   }
0xb8: {  	_ =	swait.ge [sflag:s12], $0x1000  }
0xb9: {  	s0 =	sld [smem:$0x7EB]  }
0xba: {  	[sflag:s12] =	ssyncset.done $0x0  }
0xbb: {  	[sflag:s12] =	ssyncadd.s32 $0xFFFFF000  }
0xbc: {  	[spmem:s9@s6], [sflag:s29] =	dma.strided [hbm:s0@s7], $0x1000, s4, $0x10   }
0xbd: {  	_ =	swait.ge [sflag:s10], $0x1000  }
0xbe: {  	s0 =	sld [smem:$0x7EC]  }
0xbf: {  	[sflag:s10] =	ssyncset.done $0x0  }
0xc0: {  	[sflag:s10] =	ssyncadd.s32 $0xFFFFF000  }
0xc1: {  	[hbm:s0@s7], [sflag:s30] =	dma.strided [spmem:s9@s6], $0x1000, s4, $0x10   }
0xc2: {  	_ =	swait.ge [sflag:s20], $0x1000  }
0xc3: {  	s0 =	sld [smem:$0x7ED]  }
0xc4: {  	[sflag:s20] =	ssyncset.done $0x0  }
0xc5: {  	[sflag:s20] =	ssyncadd.s32 $0xFFFFF000  }
0xc6: {  	[spmem:s17@s6], [sflag:s2] =	dma.strided [hbm:s0@s7], $0x1000, s4, $0x10   }
0xc7: {  	_ =	swait.ge [sflag:s4], $0x1000  }
0xc8: {  	s0 =	sld [smem:$0x7EE]  }
0xc9: {  	[sflag:s4] =	ssyncset.done $0x0  }
0xca: {  	[sflag:s4] =	ssyncadd.s32 $0xFFFFF000  }
0xcb: {  	[hbm:s0@s7], [sflag:s28] =	dma.strided [spmem:s17@s6], $0x1000, s4, $0x10   }
0xcc: {  	_ =	swait.ge [sflag:s12], $0x1000  }
0xcd: {  	s0 =	sld [smem:$0x7EF]  }
0xce: {  	[sflag:s12] =	ssyncset.done $0x0  }
0xcf: {  	[sflag:s12] =	ssyncadd.s32 $0xFFFFF000  }
0xd0: {  	[spmem:s9@s6], [sflag:s29] =	dma.strided [hbm:s0@s7], $0x1000, s4, $0x10   }
0xd1: {  	_ =	swait.ge [sflag:s10], $0x1000  }
0xd2: {  	s0 =	sld [smem:$0x7F0]  }
0xd3: {  	[sflag:s10] =	ssyncset.done $0x0  }
0xd4: {  	[sflag:s10] =	ssyncadd.s32 $0xFFFFF000  }
0xd5: {  	[hbm:s0@s7], [sflag:s30] =	dma.strided [spmem:s9@s6], $0x1000, s4, $0x10   }
0xd6: {  	_ =	swait.ge [sflag:s20], $0x1000  }
0xd7: {  	s0 =	sld [smem:$0x7F1]  }
0xd8: {  	[sflag:s20] =	ssyncset.done $0x0  }
0xd9: {  	[sflag:s20] =	ssyncadd.s32 $0xFFFFF000  }
0xda: {  	[spmem:s17@s6], [sflag:s2] =	dma.strided [hbm:s0@s7], $0x1000, s4, $0x10   }
0xdb: {  	_ =	swait.ge [sflag:s4], $0x1000  }
0xdc: {  	s0 =	sld [smem:$0x7F2]  }
0xdd: {  	[sflag:s4] =	ssyncset.done $0x0  }
0xde: {  	[sflag:s4] =	ssyncadd.s32 $0xFFFFF000  }
0xdf: {  	[hbm:s0@s7], [sflag:s28] =	dma.strided [spmem:s17@s6], $0x1000, s4, $0x10   }
0xe0: {  	_ =	swait.ge [sflag:s12], $0x1000  }
0xe1: {  	s0 =	sld [smem:$0x7F3]  }
0xe2: {  	[sflag:s12] =	ssyncset.done $0x0  }
0xe3: {  	[sflag:s12] =	ssyncadd.s32 $0xFFFFF000  }
0xe4: {  	[spmem:s9@s6], [sflag:s29] =	dma.strided [hbm:s0@s7], $0x1000, s4, $0x10   }
0xe5: {  	_ =	swait.ge [sflag:s10], $0x1000  }
0xe6: {  	s0 =	sld [smem:$0x7F4]  }
0xe7: {  	[sflag:s10] =	ssyncset.done $0x0  }
0xe8: {  	[sflag:s10] =	ssyncadd.s32 $0xFFFFF000  }
0xe9: {  	[hbm:s0@s7], [sflag:s30] =	dma.strided [spmem:s9@s6], $0x1000, s4, $0x10   }
0xea: {  	_ =	swait.ge [sflag:s20], $0x1000  }
0xeb: {  	s0 =	sld [smem:$0x7F5]  }
0xec: {  	[sflag:s20] =	ssyncset.done $0x0  }
0xed: {  	[sflag:s20] =	ssyncadd.s32 $0xFFFFF000  }
0xee: {  	[spmem:s17@s6], [sflag:s2] =	dma.strided [hbm:s0@s7], $0x1000, s4, $0x10   }
0xef: {  	_ =	swait.ge [sflag:s4], $0x1000  }
0xf0: {  	s0 =	sld [smem:$0x7F6]  }
0xf1: {  	[sflag:s4] =	ssyncset.done $0x0  }
0xf2: {  	[sflag:s4] =	ssyncadd.s32 $0xFFFFF000  }
0xf3: {  	[hbm:s0@s7], [sflag:s28] =	dma.strided [spmem:s17@s6], $0x1000, s4, $0x10   }
0xf4: {  	_ =	swait.ge [sflag:s12], $0x1000  }
0xf5: {  	s0 =	sld [smem:$0x7F7]  }
0xf6: {  	[sflag:s12] =	ssyncset.done $0x0  }
0xf7: {  	[sflag:s12] =	ssyncadd.s32 $0xFFFFF000  }
0xf8: {  	[spmem:s9@s6], [sflag:s29] =	dma.strided [hbm:s0@s7], $0x1000, s4, $0x10   }
0xf9: {  	_ =	swait.ge [sflag:s10], $0x1000  }
0xfa: {  	s0 =	sld [smem:$0x7F8]  }
0xfb: {  	[sflag:s10] =	ssyncset.done $0x0  }
0xfc: {  	[sflag:s10] =	ssyncadd.s32 $0xFFFFF000  }
0xfd: {  	[hbm:s0@s7], [sflag:s30] =	dma.strided [spmem:s9@s6], $0x1000, s4, $0x10   }
0xfe: {  	_ =	swait.ge [sflag:s20], $0x1000  }
0xff: {  	s0 =	sld [smem:$0x7F9]  }
0x100: {  	[sflag:s20] =	ssyncset.done $0x0  }
0x101: {  	[sflag:s20] =	ssyncadd.s32 $0xFFFFF000  }
0x102: {  	[spmem:s17@s6], [sflag:s2] =	dma.strided [hbm:s0@s7], $0x1000, s4, $0x10   }
0x103: {  	_ =	swait.ge [sflag:s4], $0x1000  }
0x104: {  	s0 =	sld [smem:$0x7FA]  }
0x105: {  	[sflag:s4] =	ssyncset.done $0x0  }
0x106: {  	[sflag:s4] =	ssyncadd.s32 $0xFFFFF000  }
0x107: {  	[hbm:s0@s7], [sflag:s28] =	dma.strided [spmem:s17@s6], $0x1000, s4, $0x10   }
0x108: {  	_ =	swait.ge [sflag:s12], $0x1000  }
0x109: {  	s0 =	sld [smem:$0x7FB]  }
0x10a: {  	[sflag:s12] =	ssyncset.done $0x0  }
0x10b: {  	[sflag:s12] =	ssyncadd.s32 $0xFFFFF000  }
0x10c: {  	[spmem:s9@s6], [sflag:s29] =	dma.strided [hbm:s0@s7], $0x1000, s4, $0x10   }
0x10d: {  	_ =	swait.ge [sflag:s10], $0x1000  }
0x10e: {  	s0 =	sld [smem:$0x7FC]  }
0x10f: {  	[sflag:s10] =	ssyncset.done $0x0  }
0x110: {  	[sflag:s10] =	ssyncadd.s32 $0xFFFFF000  }
0x111: {  	[hbm:s0@s7], [sflag:s30] =	dma.strided [spmem:s9@s6], $0x1000, s4, $0x10   }
0x112: {  	_ =	swait.ge [sflag:s20], $0x1000  }
0x113: {  	s0 =	sld [smem:$0x7FD]  }
0x114: {  	[sflag:s20] =	ssyncset.done $0x0  }
0x115: {  	[sflag:s20] =	ssyncadd.s32 $0xFFFFF000  }
0x116: {  	[spmem:s17@s6], [sflag:s2] =	dma.strided [hbm:s0@s7], $0x1000, s4, $0x10   }
0x117: {  	_ =	swait.ge [sflag:s4], $0x1000  }
0x118: {  	[sflag:s4] =	ssyncset.done $0x0  }
0x119: {  	[sflag:s4] =	ssyncadd.s32 $0xFFFFF000  }
0x11a: {  	[hbm:s25@s7], [sflag:s28] =	dma.strided [spmem:s17@s6], $0x1000, s4, $0x10   }
0x11b: {  	_ =	swait.ge [sflag:s12], $0x1000  }
0x11c: {  	[sflag:s12] =	ssyncset.done $0x0  }
0x11d: {  	[sflag:s12] =	ssyncadd.s32 $0xFFFFF000  }
0x11e: {  	[spmem:s9@s6], [sflag:s29] =	dma.strided [hbm:s24@s7], $0x1000, s4, $0x10   }
0x11f: {  	_ =	swait.ge [sflag:s10], $0x1000  }
0x120: {  	[sflag:s10] =	ssyncset.done $0x0  }
0x121: {  	[sflag:s10] =	ssyncadd.s32 $0xFFFFF000  }
0x122: {  	[hbm:s23@s7], [sflag:s30] =	dma.strided [spmem:s9@s6], $0x1000, s4, $0x10   }
0x123: {  	_ =	swait.ge [sflag:s20], $0x1000  }
0x124: {  	[sflag:s20] =	ssyncset.done $0x0  }
0x125: {  	[sflag:s20] =	ssyncadd.s32 $0xFFFFF000  }
0x126: {  	[spmem:s17@s6], [sflag:s2] =	dma.strided [hbm:s22@s7], $0x1000, s4, $0x10   }
0x127: {  	_ =	swait.ge [sflag:s4], $0x1000  }
0x128: {  	[sflag:s4] =	ssyncset.done $0x0  }
0x129: {  	[sflag:s4] =	ssyncadd.s32 $0xFFFFF000  }
0x12a: {  	[hbm:s21@s7], [sflag:s28] =	dma.strided [spmem:s17@s6], $0x1000, s4, $0x10   }
0x12b: {  	_ =	swait.ge [sflag:s12], $0x1000  }
0x12c: {  	[sflag:s12] =	ssyncset.done $0x0  }
0x12d: {  	[sflag:s12] =	ssyncadd.s32 $0xFFFFF000  }
0x12e: {  	[spmem:s9@s6], [sflag:s29] =	dma.strided [hbm:s19@s7], $0x1000, s4, $0x10   }
0x12f: {  	_ =	swait.ge [sflag:s10], $0x1000  }
0x130: {  	[sflag:s10] =	ssyncset.done $0x0  }
0x131: {  	[sflag:s10] =	ssyncadd.s32 $0xFFFFF000  }
0x132: {  	[hbm:s18@s7], [sflag:s30] =	dma.strided [spmem:s9@s6], $0x1000, s4, $0x10   }
0x133: {  	_ =	swait.ge [sflag:s20], $0x1000  }
0x134: {  	[sflag:s20] =	ssyncset.done $0x0  }
0x135: {  	[sflag:s20] =	ssyncadd.s32 $0xFFFFF000  }
0x136: {  	[spmem:s17@s6], [sflag:s2] =	dma.strided [hbm:s16@s7], $0x1000, s4, $0x10   }
0x137: {  	_ =	swait.ge [sflag:s4], $0x1000  }
0x138: {  	[sflag:s4] =	ssyncset.done $0x0  }
0x139: {  	[sflag:s4] =	ssyncadd.s32 $0xFFFFF000  }
0x13a: {  	[hbm:s15@s7], [sflag:s28] =	dma.strided [spmem:s17@s6], $0x1000, s4, $0x10   }
0x13b: {  	_ =	swait.ge [sflag:s12], $0x1000  }
0x13c: {  	[sflag:s12] =	ssyncset.done $0x0  }
0x13d: {  	[sflag:s12] =	ssyncadd.s32 $0xFFFFF000  }
0x13e: {  	[spmem:s9@s6], [sflag:s29] =	dma.strided [hbm:s14@s7], $0x1000, s4, $0x10   }
0x13f: {  	_ =	swait.ge [sflag:s10], $0x1000  }
0x140: {  	[sflag:s10] =	ssyncset.done $0x0  }
0x141: {  	[sflag:s10] =	ssyncadd.s32 $0xFFFFF000  }
0x142: {  	[hbm:s13@s7], [sflag:s30] =	dma.strided [spmem:s9@s6], $0x1000, s4, $0x10   }
0x143: {  	_ =	swait.ge [sflag:s20], $0x1000  }
0x144: {  	[sflag:s20] =	ssyncset.done $0x0  }
0x145: {  	[sflag:s20] =	ssyncadd.s32 $0xFFFFF000  }
0x146: {  	[spmem:s17@s6], [sflag:s2] =	dma.strided [hbm:s11@s7], $0x1000, s4, $0x10   }
0x147: {  	_ =	swait.ge [sflag:s4], $0x1000  }
0x148: {  	[sflag:s4] =	ssyncset.done $0x0  }
0x149: {  	[sflag:s4] =	ssyncadd.s32 $0xFFFFF000  }
0x14a: {  	[hbm:s8@s7], [sflag:s28] =	dma.strided [spmem:s17@s6], $0x1000, s4, $0x10   }
0x14b: {  	_ =	swait.ge [sflag:s12], $0x1000  }
0x14c: {  	[sflag:s12] =	ssyncset.done $0x0  }
0x14d: {  	[sflag:s12] =	ssyncadd.s32 $0xFFFFF000  }
0x14e: {  	[spmem:s9@s6], [sflag:s29] =	dma.strided [hbm:s5@s7], $0x1000, s4, $0x10   }
0x14f: {  	p1 =	sne.s32 s31, $0x1;
	_ =	swait.ge [sflag:s10], $0x1000  }
.Ltmp1:
0x150: {  	[sflag:s10] =	ssyncset.done $0x0;
	(pc) =	sbr.rel @!p1 .LBB2_2-.Ltmp1, $4  }
0x151: {  	[sflag:s10] =	ssyncadd.s32 $0xFFFFF000  }
0x152: {  	[hbm:s3@s7], [sflag:s30] =	dma.strided [spmem:s9@s6], $0x1000, s4, $0x10   }
0x153: {  	s31 =	sadd.s32 $0xFFFFFFFF, s31;
	_ =	swait.ge [sflag:s12], $0x1000  }
0x154: {  	p0 =	por $0x1, $0x1;
	s0 =	rddreg [dreg:$0x4];
	[sflag:s12] =	ssyncset.done $0x0  }
.LBB2_3:
0x155: {  	[sflag:s12] =	ssyncadd.s32 $0xFFFFF000  }
0x156: {  	[spmem:s17@s6], [sflag:s2] =	dma.strided [hbm:s0@s7], $0x1000, s4, $0x10   }
0x157: {  	_ =	swait.ge [sflag:s4], $0x1000  }
0x158: {  	[sflag:s4] =	ssyncset.done $0x0  }
0x159: {  	s0 =	rddreg [dreg:$0x5];
	[sflag:s4] =	ssyncadd.s32 $0xFFFFF000  }
0x15a: {  	[hbm:s0@s7], [sflag:s28] =	dma.strided [spmem:s17@s6], $0x1000, s4, $0x10   }
0x15b: {  	s0 =	rddreg [dreg:$0x6]  }
0x15c: {  	[spmem:s9@s6], [sflag:s29] =	dma.strided [hbm:s0@s7], $0x1000, s4, $0x10   }
0x15d: {  	_ =	swait.ge [sflag:s10], $0x1000  }
0x15e: {  	[sflag:s10] =	ssyncset.done $0x0  }
0x15f: {  	s0 =	rddreg [dreg:$0x7];
	[sflag:s10] =	ssyncadd.s32 $0xFFFFF000  }
0x160: {  	[hbm:s0@s7], [sflag:s30] =	dma.strided [spmem:s9@s6], $0x1000, s4, $0x10   }
0x161: {  	_ =	swait.ge [sflag:s20], $0x1000  }
0x162: {  	[sflag:s20] =	ssyncset.done $0x0  }
0x163: {  	s0 =	rddreg [dreg:$0x8];
	[sflag:s20] =	ssyncadd.s32 $0xFFFFF000  }
0x164: {  	[spmem:s17@s6], [sflag:s2] =	dma.strided [hbm:s0@s7], $0x1000, s4, $0x10   }
0x165: {  	_ =	swait.ge [sflag:s4], $0x1000  }
0x166: {  	[sflag:s4] =	ssyncset.done $0x0  }
0x167: {  	s0 =	rddreg [dreg:$0x9];
	[sflag:s4] =	ssyncadd.s32 $0xFFFFF000  }
0x168: {  	[hbm:s0@s7], [sflag:s28] =	dma.strided [spmem:s17@s6], $0x1000, s4, $0x10   }
0x169: {  	_ =	swait.ge [sflag:s12], $0x1000  }
0x16a: {  	[sflag:s12] =	ssyncset.done $0x0  }
0x16b: {  	s0 =	rddreg [dreg:$0xa];
	[sflag:s12] =	ssyncadd.s32 $0xFFFFF000  }
0x16c: {  	[spmem:s9@s6], [sflag:s29] =	dma.strided [hbm:s0@s7], $0x1000, s4, $0x10   }
0x16d: {  	_ =	swait.ge [sflag:s10], $0x1000  }
0x16e: {  	[sflag:s10] =	ssyncset.done $0x0  }
0x16f: {  	s0 =	rddreg [dreg:$0xb];
	[sflag:s10] =	ssyncadd.s32 $0xFFFFF000  }
0x170: {  	[hbm:s0@s7], [sflag:s30] =	dma.strided [spmem:s9@s6], $0x1000, s4, $0x10   }
0x171: {  	_ =	swait.ge [sflag:s20], $0x1000  }
0x172: {  	[sflag:s20] =	ssyncset.done $0x0  }
0x173: {  	s0 =	rddreg [dreg:$0xc];
	[sflag:s20] =	ssyncadd.s32 $0xFFFFF000  }
0x174: {  	[spmem:s17@s6], [sflag:s2] =	dma.strided [hbm:s0@s7], $0x1000, s4, $0x10   }
0x175: {  	_ =	swait.ge [sflag:s4], $0x1000  }
0x176: {  	[sflag:s4] =	ssyncset.done $0x0  }
0x177: {  	s0 =	rddreg [dreg:$0xd];
	[sflag:s4] =	ssyncadd.s32 $0xFFFFF000  }
0x178: {  	[hbm:s0@s7], [sflag:s28] =	dma.strided [spmem:s17@s6], $0x1000, s4, $0x10   }
0x179: {  	_ =	swait.ge [sflag:s12], $0x1000  }
0x17a: {  	[sflag:s12] =	ssyncset.done $0x0  }
0x17b: {  	s0 =	rddreg [dreg:$0xe];
	[sflag:s12] =	ssyncadd.s32 $0xFFFFF000  }
0x17c: {  	[spmem:s9@s6], [sflag:s29] =	dma.strided [hbm:s0@s7], $0x1000, s4, $0x10   }
0x17d: {  	_ =	swait.ge [sflag:s10], $0x1000  }
0x17e: {  	[sflag:s10] =	ssyncset.done $0x0  }
0x17f: {  	s0 =	rddreg [dreg:$0xf];
	[sflag:s10] =	ssyncadd.s32 $0xFFFFF000  }
0x180: {  	[hbm:s0@s7], [sflag:s30] =	dma.strided [spmem:s9@s6], $0x1000, s4, $0x10   }
0x181: {  	_ =	swait.ge [sflag:s20], $0x1000  }
0x182: {  	[sflag:s20] =	ssyncset.done $0x0  }
0x183: {  	s0 =	rddreg [dreg:$0x10];
	[sflag:s20] =	ssyncadd.s32 $0xFFFFF000  }
0x184: {  	[spmem:s17@s6], [sflag:s2] =	dma.strided [hbm:s0@s7], $0x1000, s4, $0x10   }
0x185: {  	_ =	swait.ge [sflag:s4], $0x1000  }
0x186: {  	[sflag:s4] =	ssyncset.done $0x0  }
0x187: {  	s0 =	rddreg [dreg:$0x11];
	[sflag:s4] =	ssyncadd.s32 $0xFFFFF000  }
0x188: {  	[hbm:s0@s7], [sflag:s28] =	dma.strided [spmem:s17@s6], $0x1000, s4, $0x10   }
0x189: {  	_ =	swait.ge [sflag:s12], $0x1000  }
0x18a: {  	[sflag:s12] =	ssyncset.done $0x0  }
0x18b: {  	s0 =	rddreg [dreg:$0x12];
	[sflag:s12] =	ssyncadd.s32 $0xFFFFF000  }
0x18c: {  	[spmem:s9@s6], [sflag:s29] =	dma.strided [hbm:s0@s7], $0x1000, s4, $0x10   }
0x18d: {  	_ =	swait.ge [sflag:s10], $0x1000  }
0x18e: {  	[sflag:s10] =	ssyncset.done $0x0  }
0x18f: {  	s0 =	rddreg [dreg:$0x13];
	[sflag:s10] =	ssyncadd.s32 $0xFFFFF000  }
0x190: {  	[hbm:s0@s7], [sflag:s30] =	dma.strided [spmem:s9@s6], $0x1000, s4, $0x10   }
0x191: {  	_ =	swait.ge [sflag:s20], $0x1000  }
0x192: {  	[sflag:s20] =	ssyncset.done $0x0  }
0x193: {  	s0 =	rddreg [dreg:$0x14];
	[sflag:s20] =	ssyncadd.s32 $0xFFFFF000  }
0x194: {  	[spmem:s17@s6], [sflag:s2] =	dma.strided [hbm:s0@s7], $0x1000, s4, $0x10   }
0x195: {  	_ =	swait.ge [sflag:s4], $0x1000  }
0x196: {  	[sflag:s4] =	ssyncset.done $0x0  }
0x197: {  	s0 =	rddreg [dreg:$0x15];
	[sflag:s4] =	ssyncadd.s32 $0xFFFFF000  }
0x198: {  	[hbm:s0@s7], [sflag:s28] =	dma.strided [spmem:s17@s6], $0x1000, s4, $0x10   }
0x199: {  	_ =	swait.ge [sflag:s12], $0x1000  }
0x19a: {  	[sflag:s12] =	ssyncset.done $0x0  }
0x19b: {  	s0 =	rddreg [dreg:$0x16];
	[sflag:s12] =	ssyncadd.s32 $0xFFFFF000  }
0x19c: {  	[spmem:s9@s6], [sflag:s29] =	dma.strided [hbm:s0@s7], $0x1000, s4, $0x10   }
0x19d: {  	_ =	swait.ge [sflag:s10], $0x1000  }
0x19e: {  	[sflag:s10] =	ssyncset.done $0x0  }
0x19f: {  	s0 =	rddreg [dreg:$0x17];
	[sflag:s10] =	ssyncadd.s32 $0xFFFFF000  }
0x1a0: {  	[hbm:s0@s7], [sflag:s30] =	dma.strided [spmem:s9@s6], $0x1000, s4, $0x10   }
0x1a1: {  	_ =	swait.ge [sflag:s20], $0x1000  }
0x1a2: {  	[sflag:s20] =	ssyncset.done $0x0  }
0x1a3: {  	s0 =	rddreg [dreg:$0x18];
	[sflag:s20] =	ssyncadd.s32 $0xFFFFF000  }
0x1a4: {  	[spmem:s17@s6], [sflag:s2] =	dma.strided [hbm:s0@s7], $0x1000, s4, $0x10   }
0x1a5: {  	_ =	swait.ge [sflag:s4], $0x1000  }
0x1a6: {  	[sflag:s4] =	ssyncset.done $0x0  }
0x1a7: {  	s0 =	rddreg [dreg:$0x19];
	[sflag:s4] =	ssyncadd.s32 $0xFFFFF000  }
0x1a8: {  	[hbm:s0@s7], [sflag:s28] =	dma.strided [spmem:s17@s6], $0x1000, s4, $0x10   }
0x1a9: {  	_ =	swait.ge [sflag:s12], $0x1000  }
0x1aa: {  	[sflag:s12] =	ssyncset.done $0x0  }
0x1ab: {  	s0 =	rddreg [dreg:$0x1a];
	[sflag:s12] =	ssyncadd.s32 $0xFFFFF000  }
0x1ac: {  	[spmem:s9@s6], [sflag:s29] =	dma.strided [hbm:s0@s7], $0x1000, s4, $0x10   }
0x1ad: {  	_ =	swait.ge [sflag:s10], $0x1000  }
0x1ae: {  	[sflag:s10] =	ssyncset.done $0x0  }
0x1af: {  	s0 =	rddreg [dreg:$0x1b];
	[sflag:s10] =	ssyncadd.s32 $0xFFFFF000  }
0x1b0: {  	[hbm:s0@s7], [sflag:s30] =	dma.strided [spmem:s9@s6], $0x1000, s4, $0x10   }
0x1b1: {  	_ =	swait.ge [sflag:s20], $0x1000  }
0x1b2: {  	[sflag:s20] =	ssyncset.done $0x0  }
0x1b3: {  	s0 =	rddreg [dreg:$0x1c];
	[sflag:s20] =	ssyncadd.s32 $0xFFFFF000  }
0x1b4: {  	[spmem:s17@s6], [sflag:s2] =	dma.strided [hbm:s0@s7], $0x1000, s4, $0x10   }
0x1b5: {  	_ =	swait.ge [sflag:s4], $0x1000  }
0x1b6: {  	[sflag:s4] =	ssyncset.done $0x0  }
0x1b7: {  	s0 =	rddreg [dreg:$0x1d];
	[sflag:s4] =	ssyncadd.s32 $0xFFFFF000  }
0x1b8: {  	[hbm:s0@s7], [sflag:s28] =	dma.strided [spmem:s17@s6], $0x1000, s4, $0x10   }
0x1b9: {  	_ =	swait.ge [sflag:s12], $0x1000  }
0x1ba: {  	[sflag:s12] =	ssyncset.done $0x0  }
0x1bb: {  	s0 =	rddreg [dreg:$0x1e];
	[sflag:s12] =	ssyncadd.s32 $0xFFFFF000  }
0x1bc: {  	[spmem:s9@s6], [sflag:s29] =	dma.strided [hbm:s0@s7], $0x1000, s4, $0x10   }
0x1bd: {  	_ =	swait.ge [sflag:s10], $0x1000  }
0x1be: {  	[sflag:s10] =	ssyncset.done $0x0  }
0x1bf: {  	s0 =	rddreg [dreg:$0x1f];
	[sflag:s10] =	ssyncadd.s32 $0xFFFFF000  }
0x1c0: {  	[hbm:s0@s7], [sflag:s30] =	dma.strided [spmem:s9@s6], $0x1000, s4, $0x10   }
0x1c1: {  	_ =	swait.ge [sflag:s20], $0x1000  }
0x1c2: {  	s0 =	sld [smem:$0x7E9]  }
0x1c3: {  	[sflag:s20] =	ssyncset.done $0x0  }
0x1c4: {  	[sflag:s20] =	ssyncadd.s32 $0xFFFFF000  }
0x1c5: {  	[spmem:s17@s6], [sflag:s2] =	dma.strided [hbm:s0@s7], $0x1000, s4, $0x10   }
0x1c6: {  	_ =	swait.ge [sflag:s4], $0x1000  }
0x1c7: {  	s0 =	sld [smem:$0x7EA]  }
0x1c8: {  	[sflag:s4] =	ssyncset.done $0x0  }
0x1c9: {  	[sflag:s4] =	ssyncadd.s32 $0xFFFFF000  }
0x1ca: {  	[hbm:s0@s7], [sflag:s28] =	dma.strided [spmem:s17@s6], $0x1000, s4, $0x10   }
0x1cb: {  	_ =	swait.ge [sflag:s12], $0x1000  }
0x1cc: {  	s0 =	sld [smem:$0x7EB]  }
0x1cd: {  	[sflag:s12] =	ssyncset.done $0x0  }
0x1ce: {  	[sflag:s12] =	ssyncadd.s32 $0xFFFFF000  }
0x1cf: {  	[spmem:s9@s6], [sflag:s29] =	dma.strided [hbm:s0@s7], $0x1000, s4, $0x10   }
0x1d0: {  	_ =	swait.ge [sflag:s10], $0x1000  }
0x1d1: {  	s0 =	sld [smem:$0x7EC]  }
0x1d2: {  	[sflag:s10] =	ssyncset.done $0x0  }
0x1d3: {  	[sflag:s10] =	ssyncadd.s32 $0xFFFFF000  }
0x1d4: {  	[hbm:s0@s7], [sflag:s30] =	dma.strided [spmem:s9@s6], $0x1000, s4, $0x10   }
0x1d5: {  	_ =	swait.ge [sflag:s20], $0x1000  }
0x1d6: {  	s0 =	sld [smem:$0x7ED]  }
0x1d7: {  	[sflag:s20] =	ssyncset.done $0x0  }
0x1d8: {  	[sflag:s20] =	ssyncadd.s32 $0xFFFFF000  }
0x1d9: {  	[spmem:s17@s6], [sflag:s2] =	dma.strided [hbm:s0@s7], $0x1000, s4, $0x10   }
0x1da: {  	_ =	swait.ge [sflag:s4], $0x1000  }
0x1db: {  	s0 =	sld [smem:$0x7EE]  }
0x1dc: {  	[sflag:s4] =	ssyncset.done $0x0  }
0x1dd: {  	[sflag:s4] =	ssyncadd.s32 $0xFFFFF000  }
0x1de: {  	[hbm:s0@s7], [sflag:s28] =	dma.strided [spmem:s17@s6], $0x1000, s4, $0x10   }
0x1df: {  	_ =	swait.ge [sflag:s12], $0x1000  }
0x1e0: {  	s0 =	sld [smem:$0x7EF]  }
0x1e1: {  	[sflag:s12] =	ssyncset.done $0x0  }
0x1e2: {  	[sflag:s12] =	ssyncadd.s32 $0xFFFFF000  }
0x1e3: {  	[spmem:s9@s6], [sflag:s29] =	dma.strided [hbm:s0@s7], $0x1000, s4, $0x10   }
0x1e4: {  	_ =	swait.ge [sflag:s10], $0x1000  }
0x1e5: {  	s0 =	sld [smem:$0x7F0]  }
0x1e6: {  	[sflag:s10] =	ssyncset.done $0x0  }
0x1e7: {  	[sflag:s10] =	ssyncadd.s32 $0xFFFFF000  }
0x1e8: {  	[hbm:s0@s7], [sflag:s30] =	dma.strided [spmem:s9@s6], $0x1000, s4, $0x10   }
0x1e9: {  	_ =	swait.ge [sflag:s20], $0x1000  }
0x1ea: {  	s0 =	sld [smem:$0x7F1]  }
0x1eb: {  	[sflag:s20] =	ssyncset.done $0x0  }
0x1ec: {  	[sflag:s20] =	ssyncadd.s32 $0xFFFFF000  }
0x1ed: {  	[spmem:s17@s6], [sflag:s2] =	dma.strided [hbm:s0@s7], $0x1000, s4, $0x10   }
0x1ee: {  	_ =	swait.ge [sflag:s4], $0x1000  }
0x1ef: {  	s0 =	sld [smem:$0x7F2]  }
0x1f0: {  	[sflag:s4] =	ssyncset.done $0x0  }
0x1f1: {  	[sflag:s4] =	ssyncadd.s32 $0xFFFFF000  }
0x1f2: {  	[hbm:s0@s7], [sflag:s28] =	dma.strided [spmem:s17@s6], $0x1000, s4, $0x10   }
0x1f3: {  	_ =	swait.ge [sflag:s12], $0x1000  }
0x1f4: {  	s0 =	sld [smem:$0x7F3]  }
0x1f5: {  	[sflag:s12] =	ssyncset.done $0x0  }
0x1f6: {  	[sflag:s12] =	ssyncadd.s32 $0xFFFFF000  }
0x1f7: {  	[spmem:s9@s6], [sflag:s29] =	dma.strided [hbm:s0@s7], $0x1000, s4, $0x10   }
0x1f8: {  	_ =	swait.ge [sflag:s10], $0x1000  }
0x1f9: {  	s0 =	sld [smem:$0x7F4]  }
0x1fa: {  	[sflag:s10] =	ssyncset.done $0x0  }
0x1fb: {  	[sflag:s10] =	ssyncadd.s32 $0xFFFFF000  }
0x1fc: {  	[hbm:s0@s7], [sflag:s30] =	dma.strided [spmem:s9@s6], $0x1000, s4, $0x10   }
0x1fd: {  	_ =	swait.ge [sflag:s20], $0x1000  }
0x1fe: {  	s0 =	sld [smem:$0x7F5]  }
0x1ff: {  	[sflag:s20] =	ssyncset.done $0x0  }
0x200: {  	[sflag:s20] =	ssyncadd.s32 $0xFFFFF000  }
0x201: {  	[spmem:s17@s6], [sflag:s2] =	dma.strided [hbm:s0@s7], $0x1000, s4, $0x10   }
0x202: {  	_ =	swait.ge [sflag:s4], $0x1000  }
0x203: {  	s0 =	sld [smem:$0x7F6]  }
0x204: {  	[sflag:s4] =	ssyncset.done $0x0  }
0x205: {  	[sflag:s4] =	ssyncadd.s32 $0xFFFFF000  }
0x206: {  	[hbm:s0@s7], [sflag:s28] =	dma.strided [spmem:s17@s6], $0x1000, s4, $0x10   }
0x207: {  	_ =	swait.ge [sflag:s12], $0x1000  }
0x208: {  	s0 =	sld [smem:$0x7F7]  }
0x209: {  	[sflag:s12] =	ssyncset.done $0x0  }
0x20a: {  	[sflag:s12] =	ssyncadd.s32 $0xFFFFF000  }
0x20b: {  	[spmem:s9@s6], [sflag:s29] =	dma.strided [hbm:s0@s7], $0x1000, s4, $0x10   }
0x20c: {  	_ =	swait.ge [sflag:s10], $0x1000  }
0x20d: {  	s0 =	sld [smem:$0x7F8]  }
0x20e: {  	[sflag:s10] =	ssyncset.done $0x0  }
0x20f: {  	[sflag:s10] =	ssyncadd.s32 $0xFFFFF000  }
0x210: {  	[hbm:s0@s7], [sflag:s30] =	dma.strided [spmem:s9@s6], $0x1000, s4, $0x10   }
0x211: {  	_ =	swait.ge [sflag:s20], $0x1000  }
0x212: {  	s0 =	sld [smem:$0x7F9]  }
0x213: {  	[sflag:s20] =	ssyncset.done $0x0  }
0x214: {  	[sflag:s20] =	ssyncadd.s32 $0xFFFFF000  }
0x215: {  	[spmem:s17@s6], [sflag:s2] =	dma.strided [hbm:s0@s7], $0x1000, s4, $0x10   }
0x216: {  	_ =	swait.ge [sflag:s4], $0x1000  }
0x217: {  	s0 =	sld [smem:$0x7FA]  }
0x218: {  	[sflag:s4] =	ssyncset.done $0x0  }
0x219: {  	[sflag:s4] =	ssyncadd.s32 $0xFFFFF000  }
0x21a: {  	[hbm:s0@s7], [sflag:s28] =	dma.strided [spmem:s17@s6], $0x1000, s4, $0x10   }
0x21b: {  	_ =	swait.ge [sflag:s12], $0x1000  }
0x21c: {  	s0 =	sld [smem:$0x7FB]  }
0x21d: {  	[sflag:s12] =	ssyncset.done $0x0  }
0x21e: {  	[sflag:s12] =	ssyncadd.s32 $0xFFFFF000  }
0x21f: {  	[spmem:s9@s6], [sflag:s29] =	dma.strided [hbm:s0@s7], $0x1000, s4, $0x10   }
0x220: {  	_ =	swait.ge [sflag:s10], $0x1000  }
0x221: {  	s0 =	sld [smem:$0x7FC]  }
0x222: {  	[sflag:s10] =	ssyncset.done $0x0  }
0x223: {  	[sflag:s10] =	ssyncadd.s32 $0xFFFFF000  }
0x224: {  	[hbm:s0@s7], [sflag:s30] =	dma.strided [spmem:s9@s6], $0x1000, s4, $0x10   }
0x225: {  	_ =	swait.ge [sflag:s20], $0x1000  }
0x226: {  	s0 =	sld [smem:$0x7FD]  }
0x227: {  	[sflag:s20] =	ssyncset.done $0x0  }
0x228: {  	[sflag:s20] =	ssyncadd.s32 $0xFFFFF000  }
0x229: {  	[spmem:s17@s6], [sflag:s2] =	dma.strided [hbm:s0@s7], $0x1000, s4, $0x10   }
0x22a: {  	_ =	swait.ge [sflag:s4], $0x1000  }
0x22b: {  	[sflag:s4] =	ssyncset.done $0x0  }
0x22c: {  	[sflag:s4] =	ssyncadd.s32 $0xFFFFF000  }
0x22d: {  	[hbm:s25@s7], [sflag:s28] =	dma.strided [spmem:s17@s6], $0x1000, s4, $0x10   }
0x22e: {  	_ =	swait.ge [sflag:s12], $0x1000  }
0x22f: {  	[sflag:s12] =	ssyncset.done $0x0  }
0x230: {  	[sflag:s12] =	ssyncadd.s32 $0xFFFFF000  }
0x231: {  	[spmem:s9@s6], [sflag:s29] =	dma.strided [hbm:s24@s7], $0x1000, s4, $0x10   }
0x232: {  	_ =	swait.ge [sflag:s10], $0x1000  }
0x233: {  	[sflag:s10] =	ssyncset.done $0x0  }
0x234: {  	[sflag:s10] =	ssyncadd.s32 $0xFFFFF000  }
0x235: {  	[hbm:s23@s7], [sflag:s30] =	dma.strided [spmem:s9@s6], $0x1000, s4, $0x10   }
0x236: {  	_ =	swait.ge [sflag:s20], $0x1000  }
0x237: {  	[sflag:s20] =	ssyncset.done $0x0  }
0x238: {  	[sflag:s20] =	ssyncadd.s32 $0xFFFFF000  }
0x239: {  	[spmem:s17@s6], [sflag:s2] =	dma.strided [hbm:s22@s7], $0x1000, s4, $0x10   }
0x23a: {  	_ =	swait.ge [sflag:s4], $0x1000  }
0x23b: {  	[sflag:s4] =	ssyncset.done $0x0  }
0x23c: {  	[sflag:s4] =	ssyncadd.s32 $0xFFFFF000  }
0x23d: {  	[hbm:s21@s7], [sflag:s28] =	dma.strided [spmem:s17@s6], $0x1000, s4, $0x10   }
0x23e: {  	_ =	swait.ge [sflag:s12], $0x1000  }
0x23f: {  	[sflag:s12] =	ssyncset.done $0x0  }
0x240: {  	[sflag:s12] =	ssyncadd.s32 $0xFFFFF000  }
0x241: {  	[spmem:s9@s6], [sflag:s29] =	dma.strided [hbm:s19@s7], $0x1000, s4, $0x10   }
0x242: {  	_ =	swait.ge [sflag:s10], $0x1000  }
0x243: {  	[sflag:s10] =	ssyncset.done $0x0  }
0x244: {  	[sflag:s10] =	ssyncadd.s32 $0xFFFFF000  }
0x245: {  	[hbm:s18@s7], [sflag:s30] =	dma.strided [spmem:s9@s6], $0x1000, s4, $0x10   }
0x246: {  	_ =	swait.ge [sflag:s20], $0x1000  }
0x247: {  	[sflag:s20] =	ssyncset.done $0x0  }
0x248: {  	[sflag:s20] =	ssyncadd.s32 $0xFFFFF000  }
0x249: {  	[spmem:s17@s6], [sflag:s2] =	dma.strided [hbm:s16@s7], $0x1000, s4, $0x10   }
0x24a: {  	_ =	swait.ge [sflag:s4], $0x1000  }
0x24b: {  	[sflag:s4] =	ssyncset.done $0x0  }
0x24c: {  	[sflag:s4] =	ssyncadd.s32 $0xFFFFF000  }
0x24d: {  	[hbm:s15@s7], [sflag:s28] =	dma.strided [spmem:s17@s6], $0x1000, s4, $0x10   }
0x24e: {  	_ =	swait.ge [sflag:s12], $0x1000  }
0x24f: {  	[sflag:s12] =	ssyncset.done $0x0  }
0x250: {  	[sflag:s12] =	ssyncadd.s32 $0xFFFFF000  }
0x251: {  	[spmem:s9@s6], [sflag:s29] =	dma.strided [hbm:s14@s7], $0x1000, s4, $0x10   }
0x252: {  	_ =	swait.ge [sflag:s10], $0x1000  }
0x253: {  	[sflag:s10] =	ssyncset.done $0x0  }
0x254: {  	[sflag:s10] =	ssyncadd.s32 $0xFFFFF000  }
0x255: {  	[hbm:s13@s7], [sflag:s30] =	dma.strided [spmem:s9@s6], $0x1000, s4, $0x10   }
0x256: {  	_ =	swait.ge [sflag:s20], $0x1000  }
0x257: {  	[sflag:s20] =	ssyncset.done $0x0  }
0x258: {  	[sflag:s20] =	ssyncadd.s32 $0xFFFFF000  }
0x259: {  	[spmem:s17@s6], [sflag:s2] =	dma.strided [hbm:s11@s7], $0x1000, s4, $0x10   }
0x25a: {  	_ =	swait.ge [sflag:s4], $0x1000  }
0x25b: {  	[sflag:s4] =	ssyncset.done $0x0  }
0x25c: {  	[sflag:s4] =	ssyncadd.s32 $0xFFFFF000  }
0x25d: {  	[hbm:s8@s7], [sflag:s28] =	dma.strided [spmem:s17@s6], $0x1000, s4, $0x10   }
0x25e: {  	_ =	swait.ge [sflag:s12], $0x1000  }
0x25f: {  	[sflag:s12] =	ssyncset.done $0x0  }
0x260: {  	[sflag:s12] =	ssyncadd.s32 $0xFFFFF000  }
0x261: {  	[spmem:s9@s6], [sflag:s29] =	dma.strided [hbm:s5@s7], $0x1000, s4, $0x10   }
0x262: {  	p1 =	sne.s32 s31, $0x1;
	_ =	swait.ge [sflag:s10], $0x1000  }
.Ltmp2:
0x263: {  	[sflag:s10] =	ssyncset.done $0x0;
	(pc) =	sbr.rel @p1 .LBB2_3-.Ltmp2, $4  }
0x264: {  	[sflag:s10] =	ssyncadd.s32 $0xFFFFF000  }
0x265: {  	[hbm:s3@s7], [sflag:s30] =	dma.strided [spmem:s9@s6], $0x1000, s4, $0x10   }
0x266: {  	_ =	swait.ge [sflag:s12], $0x1000  }
0x267: {  	s31 =	sadd.s32 $0xFFFFFFFF, s31;
	s0 =	rddreg [dreg:$0x4];
	[sflag:s12] =	ssyncset.done $0x0  }
0x268: {  	s30 =	rddreg [dreg:$0x3]  }
.LBB2_5:
0x269: {  	[sflag:s12] =	ssyncadd.s32 @p0 $0xFFFFF000  }
0x26a: {  	[spmem:s17@s6], [sflag:s2] =	dma.strided [hbm:s0@s7], $0x1000, s4, $0x10   }
0x26b: {  	_ =	swait.ge [sflag:s4], $0x1000  }
0x26c: {  	[sflag:s4] =	ssyncset.done $0x0  }
0x26d: {  	s29 =	sor.u32 $0x1C03, s26;
	s28 =	rddreg [dreg:$0x5];
	[sflag:s4] =	ssyncadd.s32 $0xFFFFF000  }
0x26e: {  	[hbm:s28@s7], [sflag:s29] =	dma.strided [spmem:s17@s6], $0x1000, s4, $0x10   }
0x26f: {  	s28 =	sor.u32 $0x1C02, s26;
	s0 =	rddreg [dreg:$0x6]  }
0x270: {  	[spmem:s9@s6], [sflag:s28] =	dma.strided [hbm:s0@s7], $0x1000, s4, $0x10   }
0x271: {  	_ =	swait.ge [sflag:s10], $0x1000  }
0x272: {  	[sflag:s10] =	ssyncset.done $0x0  }
0x273: {  	s26 =	sor.u32 $0x1C04, s26;
	s31 =	rddreg [dreg:$0x7];
	[sflag:s10] =	ssyncadd.s32 $0xFFFFF000  }
0x274: {  	[hbm:s31@s7], [sflag:s26] =	dma.strided [spmem:s9@s6], $0x1000, s4, $0x10   }
0x275: {  	_ =	swait.ge [sflag:s20], $0x1000  }
0x276: {  	[sflag:s20] =	ssyncset.done $0x0  }
0x277: {  	s31 =	rddreg [dreg:$0x8];
	[sflag:s20] =	ssyncadd.s32 $0xFFFFF000  }
0x278: {  	[spmem:s17@s6], [sflag:s2] =	dma.strided [hbm:s31@s7], $0x1000, s4, $0x10   }
0x279: {  	_ =	swait.ge [sflag:s4], $0x1000  }
0x27a: {  	[sflag:s4] =	ssyncset.done $0x0  }
0x27b: {  	s31 =	rddreg [dreg:$0x9];
	[sflag:s4] =	ssyncadd.s32 $0xFFFFF000  }
0x27c: {  	[hbm:s31@s7], [sflag:s29] =	dma.strided [spmem:s17@s6], $0x1000, s4, $0x10   }
0x27d: {  	_ =	swait.ge [sflag:s12], $0x1000  }
0x27e: {  	[sflag:s12] =	ssyncset.done $0x0  }
0x27f: {  	s31 =	rddreg [dreg:$0xa];
	[sflag:s12] =	ssyncadd.s32 $0xFFFFF000  }
0x280: {  	[spmem:s9@s6], [sflag:s28] =	dma.strided [hbm:s31@s7], $0x1000, s4, $0x10   }
0x281: {  	_ =	swait.ge [sflag:s10], $0x1000  }
0x282: {  	[sflag:s10] =	ssyncset.done $0x0  }
0x283: {  	s31 =	rddreg [dreg:$0xb];
	[sflag:s10] =	ssyncadd.s32 $0xFFFFF000  }
0x284: {  	[hbm:s31@s7], [sflag:s26] =	dma.strided [spmem:s9@s6], $0x1000, s4, $0x10   }
0x285: {  	_ =	swait.ge [sflag:s20], $0x1000  }
0x286: {  	[sflag:s20] =	ssyncset.done $0x0  }
0x287: {  	s31 =	rddreg [dreg:$0xc];
	[sflag:s20] =	ssyncadd.s32 $0xFFFFF000  }
0x288: {  	[spmem:s17@s6], [sflag:s2] =	dma.strided [hbm:s31@s7], $0x1000, s4, $0x10   }
0x289: {  	_ =	swait.ge [sflag:s4], $0x1000  }
0x28a: {  	[sflag:s4] =	ssyncset.done $0x0  }
0x28b: {  	s31 =	rddreg [dreg:$0xd];
	[sflag:s4] =	ssyncadd.s32 $0xFFFFF000  }
0x28c: {  	[hbm:s31@s7], [sflag:s29] =	dma.strided [spmem:s17@s6], $0x1000, s4, $0x10   }
0x28d: {  	_ =	swait.ge [sflag:s12], $0x1000  }
0x28e: {  	[sflag:s12] =	ssyncset.done $0x0  }
0x28f: {  	s31 =	rddreg [dreg:$0xe];
	[sflag:s12] =	ssyncadd.s32 $0xFFFFF000  }
0x290: {  	[spmem:s9@s6], [sflag:s28] =	dma.strided [hbm:s31@s7], $0x1000, s4, $0x10   }
0x291: {  	_ =	swait.ge [sflag:s10], $0x1000  }
0x292: {  	[sflag:s10] =	ssyncset.done $0x0  }
0x293: {  	s31 =	rddreg [dreg:$0xf];
	[sflag:s10] =	ssyncadd.s32 $0xFFFFF000  }
0x294: {  	[hbm:s31@s7], [sflag:s26] =	dma.strided [spmem:s9@s6], $0x1000, s4, $0x10   }
0x295: {  	_ =	swait.ge [sflag:s20], $0x1000  }
0x296: {  	[sflag:s20] =	ssyncset.done $0x0  }
0x297: {  	s31 =	rddreg [dreg:$0x10];
	[sflag:s20] =	ssyncadd.s32 $0xFFFFF000  }
0x298: {  	[spmem:s17@s6], [sflag:s2] =	dma.strided [hbm:s31@s7], $0x1000, s4, $0x10   }
0x299: {  	_ =	swait.ge [sflag:s4], $0x1000  }
0x29a: {  	[sflag:s4] =	ssyncset.done $0x0  }
0x29b: {  	s31 =	rddreg [dreg:$0x11];
	[sflag:s4] =	ssyncadd.s32 $0xFFFFF000  }
0x29c: {  	[hbm:s31@s7], [sflag:s29] =	dma.strided [spmem:s17@s6], $0x1000, s4, $0x10   }
0x29d: {  	_ =	swait.ge [sflag:s12], $0x1000  }
0x29e: {  	[sflag:s12] =	ssyncset.done $0x0  }
0x29f: {  	s31 =	rddreg [dreg:$0x12];
	[sflag:s12] =	ssyncadd.s32 $0xFFFFF000  }
0x2a0: {  	[spmem:s9@s6], [sflag:s28] =	dma.strided [hbm:s31@s7], $0x1000, s4, $0x10   }
0x2a1: {  	_ =	swait.ge [sflag:s10], $0x1000  }
0x2a2: {  	[sflag:s10] =	ssyncset.done $0x0  }
0x2a3: {  	s31 =	rddreg [dreg:$0x13];
	[sflag:s10] =	ssyncadd.s32 $0xFFFFF000  }
0x2a4: {  	[hbm:s31@s7], [sflag:s26] =	dma.strided [spmem:s9@s6], $0x1000, s4, $0x10   }
0x2a5: {  	_ =	swait.ge [sflag:s20], $0x1000  }
0x2a6: {  	[sflag:s20] =	ssyncset.done $0x0  }
0x2a7: {  	s31 =	rddreg [dreg:$0x14];
	[sflag:s20] =	ssyncadd.s32 $0xFFFFF000  }
0x2a8: {  	[spmem:s17@s6], [sflag:s2] =	dma.strided [hbm:s31@s7], $0x1000, s4, $0x10   }
0x2a9: {  	_ =	swait.ge [sflag:s4], $0x1000  }
0x2aa: {  	[sflag:s4] =	ssyncset.done $0x0  }
0x2ab: {  	s31 =	rddreg [dreg:$0x15];
	[sflag:s4] =	ssyncadd.s32 $0xFFFFF000  }
0x2ac: {  	[hbm:s31@s7], [sflag:s29] =	dma.strided [spmem:s17@s6], $0x1000, s4, $0x10   }
0x2ad: {  	_ =	swait.ge [sflag:s12], $0x1000  }
0x2ae: {  	[sflag:s12] =	ssyncset.done $0x0  }
0x2af: {  	s31 =	rddreg [dreg:$0x16];
	[sflag:s12] =	ssyncadd.s32 $0xFFFFF000  }
0x2b0: {  	[spmem:s9@s6], [sflag:s28] =	dma.strided [hbm:s31@s7], $0x1000, s4, $0x10   }
0x2b1: {  	_ =	swait.ge [sflag:s10], $0x1000  }
0x2b2: {  	[sflag:s10] =	ssyncset.done $0x0  }
0x2b3: {  	s31 =	rddreg [dreg:$0x17];
	[sflag:s10] =	ssyncadd.s32 $0xFFFFF000  }
0x2b4: {  	[hbm:s31@s7], [sflag:s26] =	dma.strided [spmem:s9@s6], $0x1000, s4, $0x10   }
0x2b5: {  	_ =	swait.ge [sflag:s20], $0x1000  }
0x2b6: {  	[sflag:s20] =	ssyncset.done $0x0  }
0x2b7: {  	s31 =	rddreg [dreg:$0x18];
	[sflag:s20] =	ssyncadd.s32 $0xFFFFF000  }
0x2b8: {  	[spmem:s17@s6], [sflag:s2] =	dma.strided [hbm:s31@s7], $0x1000, s4, $0x10   }
0x2b9: {  	_ =	swait.ge [sflag:s4], $0x1000  }
0x2ba: {  	[sflag:s4] =	ssyncset.done $0x0  }
0x2bb: {  	s31 =	rddreg [dreg:$0x19];
	[sflag:s4] =	ssyncadd.s32 $0xFFFFF000  }
0x2bc: {  	[hbm:s31@s7], [sflag:s29] =	dma.strided [spmem:s17@s6], $0x1000, s4, $0x10   }
0x2bd: {  	_ =	swait.ge [sflag:s12], $0x1000  }
0x2be: {  	[sflag:s12] =	ssyncset.done $0x0  }
0x2bf: {  	s31 =	rddreg [dreg:$0x1a];
	[sflag:s12] =	ssyncadd.s32 $0xFFFFF000  }
0x2c0: {  	[spmem:s9@s6], [sflag:s28] =	dma.strided [hbm:s31@s7], $0x1000, s4, $0x10   }
0x2c1: {  	_ =	swait.ge [sflag:s10], $0x1000  }
0x2c2: {  	[sflag:s10] =	ssyncset.done $0x0  }
0x2c3: {  	s31 =	rddreg [dreg:$0x1b];
	[sflag:s10] =	ssyncadd.s32 $0xFFFFF000  }
0x2c4: {  	[hbm:s31@s7], [sflag:s26] =	dma.strided [spmem:s9@s6], $0x1000, s4, $0x10   }
0x2c5: {  	_ =	swait.ge [sflag:s20], $0x1000  }
0x2c6: {  	[sflag:s20] =	ssyncset.done $0x0  }
0x2c7: {  	s31 =	rddreg [dreg:$0x1c];
	[sflag:s20] =	ssyncadd.s32 $0xFFFFF000  }
0x2c8: {  	[spmem:s17@s6], [sflag:s2] =	dma.strided [hbm:s31@s7], $0x1000, s4, $0x10   }
0x2c9: {  	_ =	swait.ge [sflag:s4], $0x1000  }
0x2ca: {  	[sflag:s4] =	ssyncset.done $0x0  }
0x2cb: {  	s31 =	rddreg [dreg:$0x1d];
	[sflag:s4] =	ssyncadd.s32 $0xFFFFF000  }
0x2cc: {  	[hbm:s31@s7], [sflag:s29] =	dma.strided [spmem:s17@s6], $0x1000, s4, $0x10   }
0x2cd: {  	_ =	swait.ge [sflag:s12], $0x1000  }
0x2ce: {  	[sflag:s12] =	ssyncset.done $0x0  }
0x2cf: {  	s31 =	rddreg [dreg:$0x1e];
	[sflag:s12] =	ssyncadd.s32 $0xFFFFF000  }
0x2d0: {  	[spmem:s9@s6], [sflag:s28] =	dma.strided [hbm:s31@s7], $0x1000, s4, $0x10   }
0x2d1: {  	_ =	swait.ge [sflag:s10], $0x1000  }
0x2d2: {  	[sflag:s10] =	ssyncset.done $0x0  }
0x2d3: {  	s31 =	rddreg [dreg:$0x1f];
	[sflag:s10] =	ssyncadd.s32 $0xFFFFF000  }
0x2d4: {  	[hbm:s31@s7], [sflag:s26] =	dma.strided [spmem:s9@s6], $0x1000, s4, $0x10   }
0x2d5: {  	_ =	swait.ge [sflag:s20], $0x1000  }
0x2d6: {  	s31 =	sld [smem:$0x7E9]  }
0x2d7: {  	[sflag:s20] =	ssyncset.done $0x0  }
0x2d8: {  	[sflag:s20] =	ssyncadd.s32 $0xFFFFF000  }
0x2d9: {  	[spmem:s17@s6], [sflag:s2] =	dma.strided [hbm:s31@s7], $0x1000, s4, $0x10   }
0x2da: {  	_ =	swait.ge [sflag:s4], $0x1000  }
0x2db: {  	s31 =	sld [smem:$0x7EA]  }
0x2dc: {  	[sflag:s4] =	ssyncset.done $0x0  }
0x2dd: {  	[sflag:s4] =	ssyncadd.s32 $0xFFFFF000  }
0x2de: {  	[hbm:s31@s7], [sflag:s29] =	dma.strided [spmem:s17@s6], $0x1000, s4, $0x10   }
0x2df: {  	_ =	swait.ge [sflag:s12], $0x1000  }
0x2e0: {  	s31 =	sld [smem:$0x7EB]  }
0x2e1: {  	[sflag:s12] =	ssyncset.done $0x0  }
0x2e2: {  	[sflag:s12] =	ssyncadd.s32 $0xFFFFF000  }
0x2e3: {  	[spmem:s9@s6], [sflag:s28] =	dma.strided [hbm:s31@s7], $0x1000, s4, $0x10   }
0x2e4: {  	_ =	swait.ge [sflag:s10], $0x1000  }
0x2e5: {  	s31 =	sld [smem:$0x7EC]  }
0x2e6: {  	[sflag:s10] =	ssyncset.done $0x0  }
0x2e7: {  	[sflag:s10] =	ssyncadd.s32 $0xFFFFF000  }
0x2e8: {  	[hbm:s31@s7], [sflag:s26] =	dma.strided [spmem:s9@s6], $0x1000, s4, $0x10   }
0x2e9: {  	_ =	swait.ge [sflag:s20], $0x1000  }
0x2ea: {  	s31 =	sld [smem:$0x7ED]  }
0x2eb: {  	[sflag:s20] =	ssyncset.done $0x0  }
0x2ec: {  	[sflag:s20] =	ssyncadd.s32 $0xFFFFF000  }
0x2ed: {  	[spmem:s17@s6], [sflag:s2] =	dma.strided [hbm:s31@s7], $0x1000, s4, $0x10   }
0x2ee: {  	_ =	swait.ge [sflag:s4], $0x1000  }
0x2ef: {  	s31 =	sld [smem:$0x7EE]  }
0x2f0: {  	[sflag:s4] =	ssyncset.done $0x0  }
0x2f1: {  	[sflag:s4] =	ssyncadd.s32 $0xFFFFF000  }
0x2f2: {  	[hbm:s31@s7], [sflag:s29] =	dma.strided [spmem:s17@s6], $0x1000, s4, $0x10   }
0x2f3: {  	_ =	swait.ge [sflag:s12], $0x1000  }
0x2f4: {  	s31 =	sld [smem:$0x7EF]  }
0x2f5: {  	[sflag:s12] =	ssyncset.done $0x0  }
0x2f6: {  	[sflag:s12] =	ssyncadd.s32 $0xFFFFF000  }
0x2f7: {  	[spmem:s9@s6], [sflag:s28] =	dma.strided [hbm:s31@s7], $0x1000, s4, $0x10   }
0x2f8: {  	_ =	swait.ge [sflag:s10], $0x1000  }
0x2f9: {  	s31 =	sld [smem:$0x7F0]  }
0x2fa: {  	[sflag:s10] =	ssyncset.done $0x0  }
0x2fb: {  	[sflag:s10] =	ssyncadd.s32 $0xFFFFF000  }
0x2fc: {  	[hbm:s31@s7], [sflag:s26] =	dma.strided [spmem:s9@s6], $0x1000, s4, $0x10   }
0x2fd: {  	_ =	swait.ge [sflag:s20], $0x1000  }
0x2fe: {  	s31 =	sld [smem:$0x7F1]  }
0x2ff: {  	[sflag:s20] =	ssyncset.done $0x0  }
0x300: {  	[sflag:s20] =	ssyncadd.s32 $0xFFFFF000  }
0x301: {  	[spmem:s17@s6], [sflag:s2] =	dma.strided [hbm:s31@s7], $0x1000, s4, $0x10   }
0x302: {  	_ =	swait.ge [sflag:s4], $0x1000  }
0x303: {  	s31 =	sld [smem:$0x7F2]  }
0x304: {  	[sflag:s4] =	ssyncset.done $0x0  }
0x305: {  	[sflag:s4] =	ssyncadd.s32 $0xFFFFF000  }
0x306: {  	[hbm:s31@s7], [sflag:s29] =	dma.strided [spmem:s17@s6], $0x1000, s4, $0x10   }
0x307: {  	_ =	swait.ge [sflag:s12], $0x1000  }
0x308: {  	s31 =	sld [smem:$0x7F3]  }
0x309: {  	[sflag:s12] =	ssyncset.done $0x0  }
0x30a: {  	[sflag:s12] =	ssyncadd.s32 $0xFFFFF000  }
0x30b: {  	[spmem:s9@s6], [sflag:s28] =	dma.strided [hbm:s31@s7], $0x1000, s4, $0x10   }
0x30c: {  	_ =	swait.ge [sflag:s10], $0x1000  }
0x30d: {  	s31 =	sld [smem:$0x7F4]  }
0x30e: {  	[sflag:s10] =	ssyncset.done $0x0  }
0x30f: {  	[sflag:s10] =	ssyncadd.s32 $0xFFFFF000  }
0x310: {  	[hbm:s31@s7], [sflag:s26] =	dma.strided [spmem:s9@s6], $0x1000, s4, $0x10   }
0x311: {  	_ =	swait.ge [sflag:s20], $0x1000  }
0x312: {  	s31 =	sld [smem:$0x7F5]  }
0x313: {  	[sflag:s20] =	ssyncset.done $0x0  }
0x314: {  	[sflag:s20] =	ssyncadd.s32 $0xFFFFF000  }
0x315: {  	[spmem:s17@s6], [sflag:s2] =	dma.strided [hbm:s31@s7], $0x1000, s4, $0x10   }
0x316: {  	_ =	swait.ge [sflag:s4], $0x1000  }
0x317: {  	s31 =	sld [smem:$0x7F6]  }
0x318: {  	[sflag:s4] =	ssyncset.done $0x0  }
0x319: {  	[sflag:s4] =	ssyncadd.s32 $0xFFFFF000  }
0x31a: {  	[hbm:s31@s7], [sflag:s29] =	dma.strided [spmem:s17@s6], $0x1000, s4, $0x10   }
0x31b: {  	_ =	swait.ge [sflag:s12], $0x1000  }
0x31c: {  	s31 =	sld [smem:$0x7F7]  }
0x31d: {  	[sflag:s12] =	ssyncset.done $0x0  }
0x31e: {  	[sflag:s12] =	ssyncadd.s32 $0xFFFFF000  }
0x31f: {  	[spmem:s9@s6], [sflag:s28] =	dma.strided [hbm:s31@s7], $0x1000, s4, $0x10   }
0x320: {  	_ =	swait.ge [sflag:s10], $0x1000  }
0x321: {  	s31 =	sld [smem:$0x7F8]  }
0x322: {  	[sflag:s10] =	ssyncset.done $0x0  }
0x323: {  	[sflag:s10] =	ssyncadd.s32 $0xFFFFF000  }
0x324: {  	[hbm:s31@s7], [sflag:s26] =	dma.strided [spmem:s9@s6], $0x1000, s4, $0x10   }
0x325: {  	_ =	swait.ge [sflag:s20], $0x1000  }
0x326: {  	s31 =	sld [smem:$0x7F9]  }
0x327: {  	[sflag:s20] =	ssyncset.done $0x0  }
0x328: {  	[sflag:s20] =	ssyncadd.s32 $0xFFFFF000  }
0x329: {  	[spmem:s17@s6], [sflag:s2] =	dma.strided [hbm:s31@s7], $0x1000, s4, $0x10   }
0x32a: {  	_ =	swait.ge [sflag:s4], $0x1000  }
0x32b: {  	s31 =	sld [smem:$0x7FA]  }
0x32c: {  	[sflag:s4] =	ssyncset.done $0x0  }
0x32d: {  	[sflag:s4] =	ssyncadd.s32 $0xFFFFF000  }
0x32e: {  	[hbm:s31@s7], [sflag:s29] =	dma.strided [spmem:s17@s6], $0x1000, s4, $0x10   }
0x32f: {  	_ =	swait.ge [sflag:s12], $0x1000  }
0x330: {  	s31 =	sld [smem:$0x7FB]  }
0x331: {  	[sflag:s12] =	ssyncset.done $0x0  }
0x332: {  	[sflag:s12] =	ssyncadd.s32 $0xFFFFF000  }
0x333: {  	[spmem:s9@s6], [sflag:s28] =	dma.strided [hbm:s31@s7], $0x1000, s4, $0x10   }
0x334: {  	_ =	swait.ge [sflag:s10], $0x1000  }
0x335: {  	s31 =	sld [smem:$0x7FC]  }
0x336: {  	[sflag:s10] =	ssyncset.done $0x0  }
0x337: {  	[sflag:s10] =	ssyncadd.s32 $0xFFFFF000  }
0x338: {  	[hbm:s31@s7], [sflag:s26] =	dma.strided [spmem:s9@s6], $0x1000, s4, $0x10   }
0x339: {  	_ =	swait.ge [sflag:s20], $0x1000  }
0x33a: {  	s31 =	sld [smem:$0x7FD]  }
0x33b: {  	[sflag:s20] =	ssyncset.done $0x0  }
0x33c: {  	[sflag:s20] =	ssyncadd.s32 $0xFFFFF000  }
0x33d: {  	[spmem:s17@s6], [sflag:s2] =	dma.strided [hbm:s31@s7], $0x1000, s4, $0x10   }
0x33e: {  	_ =	swait.ge [sflag:s4], $0x1000  }
0x33f: {  	[sflag:s4] =	ssyncset.done $0x0  }
0x340: {  	[sflag:s4] =	ssyncadd.s32 $0xFFFFF000  }
0x341: {  	[hbm:s25@s7], [sflag:s29] =	dma.strided [spmem:s17@s6], $0x1000, s4, $0x10   }
0x342: {  	_ =	swait.ge [sflag:s12], $0x1000  }
0x343: {  	[sflag:s12] =	ssyncset.done $0x0  }
0x344: {  	[sflag:s12] =	ssyncadd.s32 $0xFFFFF000  }
0x345: {  	[spmem:s9@s6], [sflag:s28] =	dma.strided [hbm:s24@s7], $0x1000, s4, $0x10   }
0x346: {  	_ =	swait.ge [sflag:s10], $0x1000  }
0x347: {  	[sflag:s10] =	ssyncset.done $0x0  }
0x348: {  	[sflag:s10] =	ssyncadd.s32 $0xFFFFF000  }
0x349: {  	[hbm:s23@s7], [sflag:s26] =	dma.strided [spmem:s9@s6], $0x1000, s4, $0x10   }
0x34a: {  	_ =	swait.ge [sflag:s20], $0x1000  }
0x34b: {  	[sflag:s20] =	ssyncset.done $0x0  }
0x34c: {  	[sflag:s20] =	ssyncadd.s32 $0xFFFFF000  }
0x34d: {  	[spmem:s17@s6], [sflag:s2] =	dma.strided [hbm:s22@s7], $0x1000, s4, $0x10   }
0x34e: {  	_ =	swait.ge [sflag:s4], $0x1000  }
0x34f: {  	[sflag:s4] =	ssyncset.done $0x0  }
0x350: {  	[sflag:s4] =	ssyncadd.s32 $0xFFFFF000  }
0x351: {  	[hbm:s21@s7], [sflag:s29] =	dma.strided [spmem:s17@s6], $0x1000, s4, $0x10   }
0x352: {  	_ =	swait.ge [sflag:s12], $0x1000  }
0x353: {  	[sflag:s12] =	ssyncset.done $0x0  }
0x354: {  	[sflag:s12] =	ssyncadd.s32 $0xFFFFF000  }
0x355: {  	[spmem:s9@s6], [sflag:s28] =	dma.strided [hbm:s19@s7], $0x1000, s4, $0x10   }
0x356: {  	_ =	swait.ge [sflag:s10], $0x1000  }
0x357: {  	[sflag:s10] =	ssyncset.done $0x0  }
0x358: {  	[sflag:s10] =	ssyncadd.s32 $0xFFFFF000  }
0x359: {  	[hbm:s18@s7], [sflag:s26] =	dma.strided [spmem:s9@s6], $0x1000, s4, $0x10   }
0x35a: {  	_ =	swait.ge [sflag:s20], $0x1000  }
0x35b: {  	[sflag:s20] =	ssyncset.done $0x0  }
0x35c: {  	[sflag:s20] =	ssyncadd.s32 $0xFFFFF000  }
0x35d: {  	[spmem:s17@s6], [sflag:s2] =	dma.strided [hbm:s16@s7], $0x1000, s4, $0x10   }
0x35e: {  	_ =	swait.ge [sflag:s4], $0x1000  }
0x35f: {  	[sflag:s4] =	ssyncset.done $0x0  }
0x360: {  	[sflag:s4] =	ssyncadd.s32 $0xFFFFF000  }
0x361: {  	[hbm:s15@s7], [sflag:s29] =	dma.strided [spmem:s17@s6], $0x1000, s4, $0x10   }
0x362: {  	_ =	swait.ge [sflag:s12], $0x1000  }
0x363: {  	[sflag:s12] =	ssyncset.done $0x0  }
0x364: {  	[sflag:s12] =	ssyncadd.s32 $0xFFFFF000  }
0x365: {  	[spmem:s9@s6], [sflag:s28] =	dma.strided [hbm:s14@s7], $0x1000, s4, $0x10   }
0x366: {  	_ =	swait.ge [sflag:s10], $0x1000  }
0x367: {  	[sflag:s10] =	ssyncset.done $0x0  }
0x368: {  	[sflag:s10] =	ssyncadd.s32 $0xFFFFF000  }
0x369: {  	[hbm:s13@s7], [sflag:s26] =	dma.strided [spmem:s9@s6], $0x1000, s4, $0x10   }
0x36a: {  	_ =	swait.ge [sflag:s20], $0x1000  }
0x36b: {  	[sflag:s20] =	ssyncset.done $0x0  }
0x36c: {  	[sflag:s20] =	ssyncadd.s32 $0xFFFFF000  }
0x36d: {  	[spmem:s17@s6], [sflag:s2] =	dma.strided [hbm:s11@s7], $0x1000, s4, $0x10   }
0x36e: {  	_ =	swait.ge [sflag:s4], $0x1000  }
0x36f: {  	[sflag:s4] =	ssyncset.done $0x0  }
0x370: {  	[sflag:s4] =	ssyncadd.s32 $0xFFFFF000  }
0x371: {  	[hbm:s8@s7], [sflag:s29] =	dma.strided [spmem:s17@s6], $0x1000, s4, $0x10   }
0x372: {  	_ =	swait.ge [sflag:s12], $0x1000  }
0x373: {  	[sflag:s12] =	ssyncset.done $0x0  }
0x374: {  	[sflag:s12] =	ssyncadd.s32 $0xFFFFF000  }
0x375: {  	[spmem:s9@s6], [sflag:s28] =	dma.strided [hbm:s5@s7], $0x1000, s4, $0x10   }
0x376: {  	_ =	swait.ge [sflag:s10], $0x1000  }
0x377: {  	[sflag:s10] =	ssyncset.done $0x0  }
0x378: {  	[sflag:s10] =	ssyncadd.s32 $0xFFFFF000  }
0x379: {  	[hbm:s3@s7], [sflag:s26] =	dma.strided [spmem:s9@s6], $0x1000, s4, $0x10   }
0x37a: {  	_ =	swait.ge [sflag:s12], $0x1000  }
0x37b: {  	[sflag:s12] =	ssyncset.done $0x0  }
0x37c: {  	[sflag:s12] =	ssyncadd.s32 $0xFFFFF000  }
0x37d: {  	_ =	sfence.sel $0x180000  }
0x37e: {  	[bflag:$0x0] =	sbarrier.arrive $0xFFFF  }
0x37f: {  	p0 =	sne.s32 s1, $0x0;
	_ =	strace $0x9000004D  }
0x380: {  	s0 =	sadd.s32 @!p0 $0x100000, s30;
	[bflag:$0x2] =	sbarrier.arrive $0xFFFF  }
0x381: {  	[sflag:s0] =	ssyncadd.tile.s32 @!p0 $0x1;
	_ =	shalt  }
.LBB2_2:
.Ltmp3:
0x382: {  	(pc) =	sbr.rel .LBB2_5-.Ltmp3, $2  }
0x383: {  	_ =	sdelay $0x2  }
0x384: {  	s30 =	rddreg [dreg:$0x3]  }
.Lfunc_end2:
_tile_overlayer_lowered:
.L_overlay_start_2:
0x385: {  	(tag) =	ssettag $0x2  }
0x386: {  	s0 =	rddreg [dreg:$0x0];
	s2 =	stileid.u32  }
0x387: {  	s1 =	rddreg [dreg:$0x1];
	p0 =	sne.s32 s2, $0x0  }
0x388: {  	s3 =	rddreg [dreg:$0x2];
	[bflag:$0x3] =	sbarrier.arrive $0xFFFF;
	s2 =	simm.s32 @!p0 $0x1C05  }
0x389: {  	[timem:s3], [sflag:s2] =	dma.local @!p0 [hbm:s0], s1  }
0x38a: {  	s0 =	simm.s32 @!p0 $0x5  }
0x38b: {  	_ =	swait.ge @!p0 [sflag:s0], s1  }
0x38c: {  	s1 =	ssub.s32 @!p0 $0x0, s1;
	[sflag:s0] =	ssyncset.done @!p0 $0x0  }
0x38d: {  	[sflag:s0] =	ssyncadd.s32 @!p0 s1  }
0x38e: {  	[bflag:$0x3] =	sbarrier.arrive $0xFFFF  }
0x38f: {  	_ =	shalt  }

// kernel: sparse-core-data-format-call.1.cloned.1.call-start
scs
called_computation.1_lowered:
.L_overlay_start_0:
0x0: {  	s2 =	sld [smem:$0x3FD9]  }
0x1: {  	s3 =	sld [smem:$0x3FFE];
	_ =	sdelay $0x1  }
0x2: {  	s1 =	srdreg.scid  }
0x3: {  	s0 =	sand.u32 $0x1, s1  }
0x4: {  	s19 =	sshll.u32 s0, $0xA;
	s2 =	sadd.s32 s3, s2  }
0x5: {  	s2 =	sadd.s32 s2, s19  }
0x6: {  	[smem:$0x3FC6] =	sst s2  }
0x7: {  	_ = 	snop  }
0x8: {  	s20 =	sld [smem:$0x3FC9]  }
0x9: {  	s4 =	sld [smem:$0x3FD0];
	(tm) =	ssettm $0x1  }
0xa: {  	s21 =	sld [smem:$0x3FFB];
	_ =	sdelay $0x3  }
0xb: {  	_ =	strace s21  }
0xc: {  	s2 =	sld [smem:$0x3FFC];
	_ =	sdelay $0x3  }
0xd: {  	_ =	strace s2  }
0xe: {  	s2 =	sld [smem:$0x3FFD];
	_ =	sdelay $0x3  }
0xf: {  	_ =	strace s2  }
0x10: {  	_ =	strace $0x8FFFFFFF  }
0x11: {  	s22 =	sld [smem:$0x3FDB];
	_ =	sdelay $0x1  }
0x12: {  	s5 =	simm.s32 $_scs_section_size  }
0x13: {  	s6 =	simm.s32 $_size__tile_overlayer_lowered;
	s7 =	simm.s32 $_tile_overlayer_lowered  }
0x14: {  	s8 =	simm.s32 $0x1BFF;
	s23 =	sshll.u32 s7, $0x1;
	s5 =	sadd.s32 s5, s22  }
0x15: {  	s24 =	simm.s32 $0x0;
	s6 =	sshll.u32 s6, $0x1;
	s7 =	sadd.s32 s23, s5  }
0x16: {  	[timem:s24], [sflag:s8] =	dma.local [hbm:s7], s6  }
0x17: {  	_ =	swait.ge [sflag:s8], s6  }
0x18: {  	s6 =	ssub.s32 $0x0, s6;
	[sflag:s8] =	ssyncset.done $0x0  }
0x19: {  	[sflag:s8] =	ssyncadd.s32 s6;
	_ =	sdelay $0x1  }
0x1a: {  	s25 =	simm.s32 $0x1B8B  }
0x1b: {  	_ =	swait.ge [sflag:s25], $0x1  }
0x1c: {  	[sflag:s25] =	ssyncset.done $0x0  }
0x1d: {  	[sflag:s25] =	ssyncadd.s32 $0xFFFFFFFF  }
0x1e: {  	s6 =	sld [smem:$0x0]  }
0x1f: {  	s7 =	sand.u32 $0xFFFFFFFE, s1  }
0x20: {  	p0 =	sne.s32 s1, s7  }
0x21: {  	s7 =	sshll.u32 @p0 s7, $0xE  }
0x22: {  	s7 =	sadd.s32 @p0 $0x11B8D, s7;
	s8 =	sshll.u32 @p0 s6, $0x11  }
0x23: {  	s7 =	sor.u32 @p0 s8, s7  }
0x24: {  	[sflag:s7] =	ssyncadd.remote.s32 @p0 $0x1;
	_ =	sdelay $0x1  }
0x25: {  	s7 =	simm.s32 @p0 $0x1B8D  }
0x26: {  	_ =	swait.eq @p0 [sflag:s7], $0x1  }
0x27: {  	[sflag:s7] =	ssyncadd.s32 @p0 $0xFFFFFFFF  }
0x28: {  	s8 =	sshll.u32 @!p0 s1, $0xE  }
0x29: {  	s8 =	sor.u32 @!p0 $0x4000, s8;
	s7 =	simm.s32 @!p0 $0x1B8D  }
0x2a: {  	s6 =	sshll.u32 @!p0 s6, $0x11;
	s8 =	sadd.s32 @!p0 $0x11B8D, s8;
	_ =	swait.eq @!p0 [sflag:s7], $0x1  }
0x2b: {  	s6 =	sor.u32 @!p0 s6, s8;
	[sflag:s7] =	ssyncadd.s32 @!p0 $0xFFFFFFFF  }
0x2c: {  	s26 =	simm.s32 $0x1B8E;
	[sflag:s6] =	ssyncadd.remote.s32 @!p0 $0x1  }
0x2d: {  	s27 =	simm.s32 $execute0_lowered;
	[smem:$0x3FD2] =	sst s26  }
0x2e: {  	s6 =	sshll.u32 s27, $0x1;
	_ =	strace $0x80000049;
	[dreg:$0x1] =	wrdreg $0xFFFFFFFF  }
0x2f: {  	s28 =	simm.s32 $_size_execute0_lowered;
	s5 =	sadd.s32 s5, s6;
	[dreg:$0x0] =	wrdreg $0x0  }
0x30: {  	s6 =	sshll.u32 s28, $0x1;
	[dreg:$0x2] =	wrdreg s5  }
0x31: {  	[dreg:$0x3] =	wrdreg s6  }
0x32: {  	[dreg:$0x4] =	wrdreg $0xC0  }
0x33: {  	_ =	task [dreg:s24], $0x5FFFF  }
0x34: {  	[dreg:$0x1] =	wrdreg $0xFFFFFFFF  }
0x35: {  	[dreg:$0x0] =	wrdreg $0x60  }
0x36: {  	[dreg:$0x2] =	wrdreg s20  }
0x37: {  	[dreg:$0x3] =	wrdreg s4  }
0x38: {  	[dreg:$0x4] =	wrdreg $0xA  }
0x39: {  	_ =	task.clear_ibuf [dreg:s24], $0x5FFFF;
	_ =	strace $0x90000049  }
0x3a: {  	s29 =	simm.s32 $0xA;
	_ =	strace $0x8000004B  }
0x3b: {  	_ =	swait.ge [sflag:s29], $0x1  }
0x3c: {  	[sflag:s29] =	ssyncadd.s32 $0xFFFFFFFF  }
0x3d: {  	_ =	strace $0x9000004B  }
0x3e: {  	_ =	sfence  }
0x3f: {  	s30 =	sld [smem:$0x0];
	_ =	sdelay $0x2  }
0x40: {  	s31 =	sshll.u32 s1, $0xD;
	s1 =	sshrl.u32 s1, $0x2  }
0x41: {  	s4 =	sand.u32 $0x4000, s31;
	s1 =	sadd.s32 s1, s30  }
0x42: {  	s0 =	sor.u32 s4, s0;
	s1 =	sshll.u32 s1, $0x11  }
0x43: {  	s0 =	sor.u32 s1, s0  }
0x44: {  	s0 =	sadd.s32 $0x8F2B, s0  }
0x45: {  	[sflag:s0] =	ssyncadd.remote.s32 $0x1  }
0x46: {  	_ =	sfence.sel $0xFFFF  }
0x47: {  	[dreg:$0x0] =	wrdreg $0xFFFFFFFF;
	(pc) =	sbr.abs _section_cstart, $3  }
0x48: {  	[dreg:$0x1] =	wrdreg $0xFFFFFFFF  }
0x49: {  	_ =	task.clear_ibuf [dreg:s24], $0x2FFFF;
	_ =	strace $0x9FFFFFFF  }
0x4a: {  	(tm) =	ssettm $0x7FFFFFFF  }
0x4b: {  	_ =	shalt  }
tec
execute0_lowered:
.L_overlay_start_1:
0x0: {  	(tag) =	ssettag $0x1  }
0x1: {  	s0 =	srdreg.scid  }
0x2: {  	s1 =	sshll.u32 s0, $0x4  }
0x3: {  	s2 =	rddreg [dreg:$0x0];
	s0 =	stileid.u32;
	s1 =	sand.u32 $0x10, s1  }
0x4: {  	s4 =	rddreg [dreg:$0x1];
	s1 =	sor.u32 s0, s1  }
0x5: {  	s7 =	simm.s32 $0x1;
	s8 =	simm.s32 $0x2;
	s3 =	sshll.u32 s1, $0x1  }
0x6: {  	s9 =	simm.s32 $0x0;
	s12 =	simm.s32 $0x0;
	s6 =	ssub.s32 $0x1000, s3  }
.Ltmp0:
0x7: {  	s11 =	simm.s32 $0x0;
	s5 =	sand.u32 $0x3E, s6;
	(pc) =	sbr.rel .LBB1_1-.Ltmp0, $4  }
0x8: {  	s1 =	rddreg [dreg:$0x2];
	_ =	strace $0x8000004A;
	p0 =	sne.s32 s5, $0x0  }
0x9: {  	s6 =	sshrl.u32 s6, $0x6;
	s5 =	simm.s32 $0x1;
	s7 =	simm.s32 @!p0 $0x0  }
0xa: {  	s10 =	smov.u32 s3;
	[sflag:s5] =	ssyncpa.u1 $0x0;
	s6 =	sadd.s32 s7, s6  }
0xb: {  	[sflag:s8] =	ssyncpa.u1 $0x0;
	s8 =	simm.s32 $0x0;
	s7 =	sadd.s32 $0x1, s6  }
.LBB1_9:
0xc: {  	s14 =	sadd.s32 $0x40, s10  }
0xd: {  	p1 =	sgt.s32 s14, $0xFFF  }
0xe: {  	s14 =	smov.u32 @p1 s3;
	p1 =	sne.s32 s11, s7  }
.Ltmp1:
0xf: {  	p0 =	slt.u32 s11, $0x2;
	(pc) =	sbr.rel @!p1 .LBB1_10-.Ltmp1, $4  }
0x10: {  	s13 =	simm.s32 @!p0 $0x2  }
0x11: {  	s15 =	sadd.s32 $0x1, s11;
	_ =	swait.ge @!p0 [sflag:s13], $0x4000  }
0x12: {  	s12 =	smov.u32 s10;
	s9 =	sadd.s32 $0x4000, s9;
	[sflag:s13] =	ssyncset.done @!p0 $0x0  }
0x13: {  	s11 =	smov.u32 s15;
	s10 =	smov.u32 s14;
	[sflag:s13] =	ssyncadd.s32 @!p0 $0xFFFFC000  }
.LBB1_1:
0x14: {  	p0 =	sge.u32 s11, s6  }
0x15: {  	s13 =	sxor.u32 @!p0 $0xFFFFFFFF, s11  }
0x16: {  	s31 =	sadd.s32 $0xFFFFFFFF, s11;
	s14 =	sshll.u32 @!p0 s10, $0xA;
	s13 =	sshll.u32 @!p0 s13, $0xE  }
0x17: {  	s15 =	simm.s32 @!p0 $0x0;
	s14 =	sadd.s32 @!p0 s2, s14;
	s13 =	sand.u32 @!p0 $0x4000, s13  }
0x18: {  	[tilespmem:s13], [sflag:$0x1] =	stream.linear.gather @!p0 [hbm4b:s14+s15], $0x4000, $0x38;
	[tilespmem:$0x10000] =	vst v63  }
0x19: {  	p0 =	sge.u32 s31, s6  }
.Ltmp2:
0x1a: {  	_ = 	snop;
	(pc) =	sbr.rel @p0 .LBB1_9-.Ltmp2, $1  }
0x1b: {  	_ =	sdelay $0x3  }
0x1c: {  	s13 =	sshll.u32 s9, $0x2  }
0x1d: {  	_ =	swait.ge [sflag:s5], $0x4000;
	s14 =	sshll.u32 s11, $0xE;
	s16 =	simm.s32 $0x0  }
0x1e: {  	p1 =	por $0x1, $0x1;
	s13 =	sand.u32 $0x10000, s13;
	[sflag:s5] =	ssyncset.done $0x0  }
0x1f: {  	s14 =	sand.u32 $0x4000, s14;
	s15 =	sshrl.u32 s13, $0x2;
	[sflag:s5] =	ssyncadd.s32 $0xFFFFC000  }
0x20: {  	s13 =	sor.u32 $0x8000, s14;
	s14 =	sadd.s32 $0x8040, s15;
	s15 =	sadd.s32 $0x40, s15  }
.LBB1_3:
0x21: {  	s16 =	sshll.u32 s16, $0x2  }
0x22: {  	p0 =	por p1, p1;
	s17 =	sshra.s32 s16, $0x2  }
0x23: {  	s18 =	simm.s32 $0x0;
	s16 =	sadd.s32 s17, s14;
	s17 =	sadd.s32 s17, s15  }
.LBB1_4:
0x24: {  	v0 =	vmov s17;
	_ =	sdelay $0x3  }
0x25: {  	s20 =	simm.s32 $0x0  }
0x26: {  	v6 =	vld.idx.msk [tilespmem:v0+s20+$0x30 ss:$0x1], $0xffff  }
0x27: {  	v7 =	vld.idx.msk [tilespmem:v0+s20+$0xFFFFFFC0 ss:$0x1], $0xffff  }
0x28: {  	v5 =	vld.idx.msk [tilespmem:v0+s20+$0xFFFFFFD0 ss:$0x1], $0xffff  }
0x29: {  	v4 =	vld.idx.msk [tilespmem:v0+s20+$0xFFFFFFE0 ss:$0x1], $0xffff  }
0x2a: {  	v3 =	vld.idx.msk [tilespmem:v0+s20+$0xFFFFFFF0 ss:$0x1], $0xffff  }
0x2b: {  	v1 =	vld.idx.msk [tilespmem:v0+s20+$0x0 ss:$0x1], $0xffff  }
0x2c: {  	v2 =	vld.idx.msk [tilespmem:v0+s20+$0x10 ss:$0x1], $0xffff;
	[tilespmem:s16+$0x30] =	vst v6  }
0x2d: {  	s19 =	simm.s32 $0x80;
	s21 =	simm.s32 $0x400;
	[tilespmem:s16+$0xFFFFFFC0] =	vst v7;
	v6 =	vld.idx.msk [tilespmem:v0+s20+$0x20 ss:$0x1], $0xffff;
	s20 =	smov.u32 s16  }
.LBB1_5:
0x2e: {  	p1 =	sne.s32 s21, $0xE00;
	v7 =	vld.idx.msk [tilespmem:v0+s19+$0x30 ss:$0x1], $0xffff;
	[tilespmem:s20+$0xFFFFFFD0] =	vst v5  }
0x2f: {  	v8 =	vld.idx.msk [tilespmem:v0+s19+$0xFFFFFFC0 ss:$0x1], $0xffff;
	[tilespmem:s20+$0xFFFFFFE0] =	vst v4  }
0x30: {  	v5 =	vld.idx.msk [tilespmem:v0+s19+$0xFFFFFFD0 ss:$0x1], $0xffff;
	[tilespmem:s20+$0xFFFFFFF0] =	vst v3  }
.Ltmp3:
0x31: {  	v4 =	vld.idx.msk [tilespmem:v0+s19+$0xFFFFFFE0 ss:$0x1], $0xffff;
	[tilespmem:s20+$0x0] =	vst v1;
	(pc) =	sbr.rel @p1 .LBB1_5-.Ltmp3, $4  }
0x32: {  	v3 =	vld.idx.msk [tilespmem:v0+s19+$0xFFFFFFF0 ss:$0x1], $0xffff;
	[tilespmem:s20+$0x10] =	vst v2  }
0x33: {  	v1 =	vld.idx.msk [tilespmem:v0+s19+$0x0 ss:$0x1], $0xffff;
	[tilespmem:s20+$0x20] =	vst v6;
	s20 =	sadd.s32 $0x400, s20  }
0x34: {  	v2 =	vld.idx.msk [tilespmem:v0+s19+$0x10 ss:$0x1], $0xffff;
	[tilespmem:s20+$0x30] =	vst v7  }
0x35: {  	[tilespmem:s20+$0xFFFFFFC0] =	vst v8;
	v6 =	vld.idx.msk [tilespmem:v0+s19+$0x20 ss:$0x1], $0xffff;
	s19 =	sshra.s32 s21, $0x2;
	s21 =	sadd.s32 $0x200, s21  }
0x36: {  	_ =	sdelay $0x2  }
0x37: {  	[tilespmem:s20+$0xFFFFFFD0] =	vst v5  }
0x38: {  	v56 =	vld.idx.msk [tilespmem:v0+s19+$0x30 ss:$0x1], $0xffff;
	[tilespmem:s20+$0xFFFFFFE0] =	vst v4  }
0x39: {  	v57 =	vld.idx.msk [tilespmem:v0+s19+$0xFFFFFFC0 ss:$0x1], $0xffff;
	[tilespmem:s20+$0xFFFFFFF0] =	vst v3  }
0x3a: {  	v58 =	vld.idx.msk [tilespmem:v0+s19+$0xFFFFFFD0 ss:$0x1], $0xffff;
	[tilespmem:s20+$0x0] =	vst v1  }
0x3b: {  	v59 =	vld.idx.msk [tilespmem:v0+s19+$0xFFFFFFE0 ss:$0x1], $0xffff;
	[tilespmem:s20+$0x10] =	vst v2  }
0x3c: {  	v60 =	vld.idx.msk [tilespmem:v0+s19+$0xFFFFFFF0 ss:$0x1], $0xffff;
	s31 =	sadd.s32 $0x400, s20;
	[tilespmem:s20+$0x20] =	vst v6  }
0x3d: {  	v61 =	vld.idx.msk [tilespmem:v0+s19+$0x0 ss:$0x1], $0xffff;
	[tilespmem:s31+$0x30] =	vst v56  }
0x3e: {  	v62 =	vld.idx.msk [tilespmem:v0+s19+$0x10 ss:$0x1], $0xffff;
	s18 =	sadd.s32 $0x1, s18;
	[tilespmem:s31+$0xFFFFFFC0] =	vst v57  }
0x3f: {  	v63 =	vld.idx.msk [tilespmem:v0+s19+$0x20 ss:$0x1], $0xffff;
	p1 =	sne.s32 s18, $0x8;
	[tilespmem:s31+$0xFFFFFFD0] =	vst v58  }
.Ltmp4:
0x40: {  	[tilespmem:s31+$0xFFFFFFE0] =	vst v59;
	(pc) =	sbr.rel @p1 .LBB1_4-.Ltmp4, $4  }
0x41: {  	[tilespmem:s31+$0xFFFFFFF0] =	vst v60  }
0x42: {  	[tilespmem:s31+$0x0] =	vst v61  }
0x43: {  	[tilespmem:s31+$0x10] =	vst v62  }
0x44: {  	s16 =	sadd.s32 $0x80, s16;
	s17 =	sadd.s32 $0x400, s17;
	[tilespmem:s31+$0x20] =	vst v63  }
.Ltmp5:
0x45: {  	(pc) =	sbr.rel @p0 .LBB1_3-.Ltmp5, $2  }
0x46: {  	_ =	sdelay $0x2  }
0x47: {  	s16 =	simm.s32 $0x2000;
	p1 =	por $0x0, $0x0  }
.Ltmp6:
0x48: {  	(pc) =	sbr.rel .LBB1_9-.Ltmp6, $4  }
0x49: {  	_ = 	snop  }
0x4a: {  	s12 =	sshll.u32 s12, $0xA  }
0x4b: {  	s12 =	sadd.s32 s4, s12  }
0x4c: {  	[hbm4b:s12+s8] =	stream.linear.scatter [tilespmem:s13], [sflag:$0x2], $0x4000, $0x38;
	[tilespmem:$0x10000] =	vst v63  }
.LBB1_10:
0x4d: {  	_ =	sfence.sel $0x180000  }
0x4e: {  	s2 =	simm.s32 $0x1;
	[bflag:$0x0] =	sbarrier.arrive $0xFFFF  }
0x4f: {  	s31 =	simm.s32 $0x2;
	[sflag:s2] =	ssyncpa.u1 $0x1  }
0x50: {  	[sflag:s31] =	ssyncpa.u1 $0x1  }
0x51: {  	p0 =	sne.s32 s0, $0x0;
	_ =	strace $0x9000004A  }
0x52: {  	s0 =	sadd.s32 @!p0 $0x100000, s1;
	[bflag:$0x2] =	sbarrier.arrive $0xFFFF  }
0x53: {  	[sflag:s0] =	ssyncadd.tile.s32 @!p0 $0x1;
	_ =	shalt  }
.Lfunc_end1:
_tile_overlayer_lowered:
.L_overlay_start_2:
0x54: {  	(tag) =	ssettag $0x2  }
0x55: {  	s0 =	rddreg [dreg:$0x0];
	s2 =	stileid.u32  }
0x56: {  	s1 =	rddreg [dreg:$0x1];
	p0 =	sne.s32 s2, $0x0  }
0x57: {  	s3 =	rddreg [dreg:$0x2];
	[bflag:$0x3] =	sbarrier.arrive $0xFFFF;
	s2 =	simm.s32 @!p0 $0x1C01  }
0x58: {  	[timem:s3], [sflag:s2] =	dma.local @!p0 [hbm:s0], s1  }
0x59: {  	s0 =	simm.s32 @!p0 $0x1  }
0x5a: {  	_ =	swait.ge @!p0 [sflag:s0], s1  }
0x5b: {  	s1 =	ssub.s32 @!p0 $0x0, s1;
	[sflag:s0] =	ssyncset.done @!p0 $0x0  }
0x5c: {  	[sflag:s0] =	ssyncadd.s32 @!p0 s1  }
0x5d: {  	[bflag:$0x3] =	sbarrier.arrive $0xFFFF  }
0x5e: {  	_ =	shalt  }

// kernel: sparse-core-data-format-call.cloned.1.call-start
scs
called_computation_lowered:
.L_overlay_start_0:
0x0: {  	s2 =	sld [smem:$0x3FD9]  }
0x1: {  	s3 =	sld [smem:$0x3FFE];
	_ =	sdelay $0x1  }
0x2: {  	s1 =	srdreg.scid  }
0x3: {  	s0 =	sand.u32 $0x1, s1  }
0x4: {  	s18 =	sshll.u32 s0, $0xA;
	s2 =	sadd.s32 s3, s2  }
0x5: {  	s2 =	sadd.s32 s2, s18  }
0x6: {  	[smem:$0x3FC6] =	sst s2  }
0x7: {  	_ = 	snop  }
0x8: {  	s2 =	sld [smem:$0x3FC8];
	(tm) =	ssettm $0x1  }
0x9: {  	s19 =	sld [smem:$0x3FFB];
	_ =	sdelay $0x3  }
0xa: {  	_ =	strace s19  }
0xb: {  	s3 =	sld [smem:$0x3FFC];
	_ =	sdelay $0x3  }
0xc: {  	_ =	strace s3  }
0xd: {  	s3 =	sld [smem:$0x3FFD];
	_ =	sdelay $0x3  }
0xe: {  	_ =	strace s3  }
0xf: {  	_ =	strace $0x8FFFFFFF  }
0x10: {  	s20 =	sld [smem:$0x3FDB];
	_ =	sdelay $0x1  }
0x11: {  	s4 =	simm.s32 $_scs_section_size  }
0x12: {  	s5 =	simm.s32 $_size__tile_overlayer_lowered;
	s6 =	simm.s32 $_tile_overlayer_lowered  }
0x13: {  	s23 =	simm.s32 $0x1BFF;
	s22 =	sshll.u32 s6, $0x1;
	s3 =	sadd.s32 s4, s20  }
0x14: {  	s7 =	simm.s32 $0x0;
	s21 =	sshll.u32 s5, $0x1;
	s5 =	sadd.s32 s22, s3  }
0x15: {  	[timem:s7], [sflag:s23] =	dma.local [hbm:s5], s21  }
0x16: {  	_ =	swait.ge [sflag:s23], s21  }
0x17: {  	s4 =	ssub.s32 $0x0, s21;
	[sflag:s23] =	ssyncset.done $0x0  }
0x18: {  	[sflag:s23] =	ssyncadd.s32 s4;
	_ =	sdelay $0x1  }
0x19: {  	s24 =	simm.s32 $0x1B8B  }
0x1a: {  	_ =	swait.ge [sflag:s24], $0x1  }
0x1b: {  	[sflag:s24] =	ssyncset.done $0x0  }
0x1c: {  	s26 =	simm.s32 $0x1B8E;
	s25 =	sld [smem:$0x3FFE];
	[sflag:s24] =	ssyncadd.s32 $0xFFFFFFFF  }
0x1d: {  	s27 =	simm.s32 $execute0_lowered;
	[smem:$0x3FD2] =	sst s26  }
0x1e: {  	s5 =	sshll.u32 s27, $0x1;
	_ =	strace $0x80000046;
	[dreg:$0x1] =	wrdreg $0xFFFFFFFF  }
0x1f: {  	s28 =	simm.s32 $_size_execute0_lowered;
	s3 =	sadd.s32 s3, s5;
	[dreg:$0x0] =	wrdreg $0x0  }
0x20: {  	s5 =	sshll.u32 s28, $0x1;
	[dreg:$0x2] =	wrdreg s3  }
0x21: {  	[dreg:$0x3] =	wrdreg s5  }
0x22: {  	[dreg:$0x4] =	wrdreg $0xC0  }
0x23: {  	_ =	task [dreg:s7], $0x5FFFF  }
0x24: {  	[dreg:$0x1] =	wrdreg $0xFFFFFFFF  }
0x25: {  	[dreg:$0x0] =	wrdreg $0x60  }
0x26: {  	[dreg:$0x2] =	wrdreg s2  }
0x27: {  	[dreg:$0x3] =	wrdreg s25  }
0x28: {  	[dreg:$0x4] =	wrdreg $0x9  }
0x29: {  	_ =	task.clear_ibuf [dreg:s7], $0x5FFFF;
	_ =	strace $0x90000046  }
0x2a: {  	s29 =	simm.s32 $0x9;
	_ =	strace $0x80000048  }
0x2b: {  	_ =	swait.ge [sflag:s29], $0x1  }
0x2c: {  	[sflag:s29] =	ssyncadd.s32 $0xFFFFFFFF  }
0x2d: {  	_ =	strace $0x90000048  }
0x2e: {  	_ =	sfence  }
0x2f: {  	s30 =	sld [smem:$0x0];
	_ =	sdelay $0x2  }
0x30: {  	s31 =	sshll.u32 s1, $0xD;
	s1 =	sshrl.u32 s1, $0x2  }
0x31: {  	s3 =	sand.u32 $0x4000, s31;
	s1 =	sadd.s32 s1, s30  }
0x32: {  	s0 =	sor.u32 s3, s0;
	s1 =	sshll.u32 s1, $0x11  }
0x33: {  	s0 =	sor.u32 s1, s0  }
0x34: {  	s0 =	sadd.s32 $0x8F2B, s0  }
0x35: {  	[sflag:s0] =	ssyncadd.remote.s32 $0x1  }
0x36: {  	_ =	sfence.sel $0xFFFF  }
0x37: {  	[dreg:$0x0] =	wrdreg $0xFFFFFFFF;
	(pc) =	sbr.abs _section_cstart, $3  }
0x38: {  	[dreg:$0x1] =	wrdreg $0xFFFFFFFF  }
0x39: {  	_ =	task.clear_ibuf [dreg:s7], $0x2FFFF;
	_ =	strace $0x9FFFFFFF  }
0x3a: {  	(tm) =	ssettm $0x7FFFFFFF  }
0x3b: {  	_ =	shalt  }
tec
execute0_lowered:
.L_overlay_start_1:
0x0: {  	(tag) =	ssettag $0x1  }
0x1: {  	s0 =	srdreg.scid  }
0x2: {  	s1 =	sshll.u32 s0, $0x4  }
0x3: {  	s2 =	rddreg [dreg:$0x0];
	s0 =	stileid.u32;
	s1 =	sand.u32 $0x10, s1  }
0x4: {  	s4 =	rddreg [dreg:$0x1];
	s7 =	simm.s32 $0x1;
	s1 =	sor.u32 s0, s1  }
0x5: {  	s8 =	simm.s32 $0x2;
	s9 =	simm.s32 $0x0;
	s3 =	sshll.u32 s1, $0x1  }
0x6: {  	s12 =	simm.s32 $0x0;
	s11 =	simm.s32 $0x0;
	s6 =	ssub.s32 $0x400, s3  }
.Ltmp0:
0x7: {  	s4 =	sadd.s32 $0xC00, s4;
	s5 =	sand.u32 $0x3E, s6;
	(pc) =	sbr.rel .LBB1_1-.Ltmp0, $4  }
0x8: {  	s1 =	rddreg [dreg:$0x2];
	_ =	strace $0x80000047;
	p0 =	sne.s32 s5, $0x0  }
0x9: {  	s6 =	sshrl.u32 s6, $0x6;
	s5 =	simm.s32 $0x1;
	s7 =	simm.s32 @!p0 $0x0  }
0xa: {  	s10 =	smov.u32 s3;
	[sflag:s5] =	ssyncpa.u1 $0x0;
	s6 =	sadd.s32 s7, s6  }
0xb: {  	[sflag:s8] =	ssyncpa.u1 $0x0;
	s8 =	simm.s32 $0x0;
	s7 =	sadd.s32 $0x1, s6  }
.LBB1_9:
0xc: {  	s14 =	sadd.s32 $0x40, s10  }
0xd: {  	p1 =	sgt.s32 s14, $0x3FF  }
0xe: {  	s14 =	smov.u32 @p1 s3;
	p1 =	sne.s32 s11, s7  }
.Ltmp1:
0xf: {  	p0 =	slt.u32 s11, $0x2;
	(pc) =	sbr.rel @!p1 .LBB1_10-.Ltmp1, $4  }
0x10: {  	s13 =	simm.s32 @!p0 $0x2  }
0x11: {  	s15 =	sadd.s32 $0x1, s11;
	_ =	swait.ge @!p0 [sflag:s13], $0x4000  }
0x12: {  	s12 =	smov.u32 s10;
	s9 =	sadd.s32 $0x4000, s9;
	[sflag:s13] =	ssyncset.done @!p0 $0x0  }
0x13: {  	s11 =	smov.u32 s15;
	s10 =	smov.u32 s14;
	[sflag:s13] =	ssyncadd.s32 @!p0 $0xFFFFC000  }
.LBB1_1:
0x14: {  	p0 =	sge.u32 s11, s6  }
0x15: {  	s13 =	sxor.u32 @!p0 $0xFFFFFFFF, s11  }
0x16: {  	s31 =	sadd.s32 $0xFFFFFFFF, s11;
	s14 =	sshll.u32 @!p0 s10, $0xA;
	s13 =	sshll.u32 @!p0 s13, $0xE  }
0x17: {  	s15 =	simm.s32 @!p0 $0x0;
	s14 =	sadd.s32 @!p0 s2, s14;
	s13 =	sand.u32 @!p0 $0x4000, s13  }
0x18: {  	[tilespmem:s13], [sflag:$0x1] =	stream.linear.gather @!p0 [hbm4b:s14+s15], $0x4000, $0x38;
	[tilespmem:$0x10000] =	vst v63  }
0x19: {  	p0 =	sge.u32 s31, s6  }
.Ltmp2:
0x1a: {  	_ = 	snop;
	(pc) =	sbr.rel @p0 .LBB1_9-.Ltmp2, $1  }
0x1b: {  	_ =	sdelay $0x3  }
0x1c: {  	s13 =	sshll.u32 s9, $0x2  }
0x1d: {  	_ =	swait.ge [sflag:s5], $0x4000;
	s14 =	sshll.u32 s11, $0xE;
	s16 =	simm.s32 $0x0  }
0x1e: {  	p1 =	por $0x1, $0x1;
	s13 =	sand.u32 $0x10000, s13;
	[sflag:s5] =	ssyncset.done $0x0  }
0x1f: {  	s14 =	sand.u32 $0x4000, s14;
	s15 =	sshrl.u32 s13, $0x2;
	[sflag:s5] =	ssyncadd.s32 $0xFFFFC000  }
0x20: {  	s13 =	sor.u32 $0x8000, s14;
	s14 =	sadd.s32 $0x8040, s15;
	s15 =	sadd.s32 $0x40, s15  }
.LBB1_3:
0x21: {  	s16 =	sshll.u32 s16, $0x2  }
0x22: {  	p0 =	por p1, p1;
	s17 =	sshra.s32 s16, $0x2  }
0x23: {  	s18 =	simm.s32 $0x0;
	s16 =	sadd.s32 s17, s14;
	s17 =	sadd.s32 s17, s15  }
.LBB1_4:
0x24: {  	v0 =	vmov s17;
	_ =	sdelay $0x3  }
0x25: {  	s20 =	simm.s32 $0x0  }
0x26: {  	v6 =	vld.idx.msk [tilespmem:v0+s20+$0x30 ss:$0x1], $0xffff  }
0x27: {  	v7 =	vld.idx.msk [tilespmem:v0+s20+$0xFFFFFFC0 ss:$0x1], $0xffff  }
0x28: {  	v5 =	vld.idx.msk [tilespmem:v0+s20+$0xFFFFFFD0 ss:$0x1], $0xffff  }
0x29: {  	v4 =	vld.idx.msk [tilespmem:v0+s20+$0xFFFFFFE0 ss:$0x1], $0xffff  }
0x2a: {  	v3 =	vld.idx.msk [tilespmem:v0+s20+$0xFFFFFFF0 ss:$0x1], $0xffff  }
0x2b: {  	v1 =	vld.idx.msk [tilespmem:v0+s20+$0x0 ss:$0x1], $0xffff  }
0x2c: {  	v2 =	vld.idx.msk [tilespmem:v0+s20+$0x10 ss:$0x1], $0xffff;
	[tilespmem:s16+$0x30] =	vst v6  }
0x2d: {  	s19 =	simm.s32 $0x80;
	s21 =	simm.s32 $0x400;
	[tilespmem:s16+$0xFFFFFFC0] =	vst v7;
	v6 =	vld.idx.msk [tilespmem:v0+s20+$0x20 ss:$0x1], $0xffff;
	s20 =	smov.u32 s16  }
.LBB1_5:
0x2e: {  	p1 =	sne.s32 s21, $0xE00;
	v7 =	vld.idx.msk [tilespmem:v0+s19+$0x30 ss:$0x1], $0xffff;
	[tilespmem:s20+$0xFFFFFFD0] =	vst v5  }
0x2f: {  	v8 =	vld.idx.msk [tilespmem:v0+s19+$0xFFFFFFC0 ss:$0x1], $0xffff;
	[tilespmem:s20+$0xFFFFFFE0] =	vst v4  }
0x30: {  	v5 =	vld.idx.msk [tilespmem:v0+s19+$0xFFFFFFD0 ss:$0x1], $0xffff;
	[tilespmem:s20+$0xFFFFFFF0] =	vst v3  }
.Ltmp3:
0x31: {  	v4 =	vld.idx.msk [tilespmem:v0+s19+$0xFFFFFFE0 ss:$0x1], $0xffff;
	[tilespmem:s20+$0x0] =	vst v1;
	(pc) =	sbr.rel @p1 .LBB1_5-.Ltmp3, $4  }
0x32: {  	v3 =	vld.idx.msk [tilespmem:v0+s19+$0xFFFFFFF0 ss:$0x1], $0xffff;
	[tilespmem:s20+$0x10] =	vst v2  }
0x33: {  	v1 =	vld.idx.msk [tilespmem:v0+s19+$0x0 ss:$0x1], $0xffff;
	[tilespmem:s20+$0x20] =	vst v6;
	s20 =	sadd.s32 $0x400, s20  }
0x34: {  	v2 =	vld.idx.msk [tilespmem:v0+s19+$0x10 ss:$0x1], $0xffff;
	[tilespmem:s20+$0x30] =	vst v7  }
0x35: {  	[tilespmem:s20+$0xFFFFFFC0] =	vst v8;
	v6 =	vld.idx.msk [tilespmem:v0+s19+$0x20 ss:$0x1], $0xffff;
	s19 =	sshra.s32 s21, $0x2;
	s21 =	sadd.s32 $0x200, s21  }
0x36: {  	_ =	sdelay $0x2  }
0x37: {  	[tilespmem:s20+$0xFFFFFFD0] =	vst v5  }
0x38: {  	v56 =	vld.idx.msk [tilespmem:v0+s19+$0x30 ss:$0x1], $0xffff;
	[tilespmem:s20+$0xFFFFFFE0] =	vst v4  }
0x39: {  	v57 =	vld.idx.msk [tilespmem:v0+s19+$0xFFFFFFC0 ss:$0x1], $0xffff;
	[tilespmem:s20+$0xFFFFFFF0] =	vst v3  }
0x3a: {  	v58 =	vld.idx.msk [tilespmem:v0+s19+$0xFFFFFFD0 ss:$0x1], $0xffff;
	[tilespmem:s20+$0x0] =	vst v1  }
0x3b: {  	v59 =	vld.idx.msk [tilespmem:v0+s19+$0xFFFFFFE0 ss:$0x1], $0xffff;
	[tilespmem:s20+$0x10] =	vst v2  }
0x3c: {  	v60 =	vld.idx.msk [tilespmem:v0+s19+$0xFFFFFFF0 ss:$0x1], $0xffff;
	s31 =	sadd.s32 $0x400, s20;
	[tilespmem:s20+$0x20] =	vst v6  }
0x3d: {  	v61 =	vld.idx.msk [tilespmem:v0+s19+$0x0 ss:$0x1], $0xffff;
	[tilespmem:s31+$0x30] =	vst v56  }
0x3e: {  	v62 =	vld.idx.msk [tilespmem:v0+s19+$0x10 ss:$0x1], $0xffff;
	s18 =	sadd.s32 $0x1, s18;
	[tilespmem:s31+$0xFFFFFFC0] =	vst v57  }
0x3f: {  	v63 =	vld.idx.msk [tilespmem:v0+s19+$0x20 ss:$0x1], $0xffff;
	p1 =	sne.s32 s18, $0x8;
	[tilespmem:s31+$0xFFFFFFD0] =	vst v58  }
.Ltmp4:
0x40: {  	[tilespmem:s31+$0xFFFFFFE0] =	vst v59;
	(pc) =	sbr.rel @p1 .LBB1_4-.Ltmp4, $4  }
0x41: {  	[tilespmem:s31+$0xFFFFFFF0] =	vst v60  }
0x42: {  	[tilespmem:s31+$0x0] =	vst v61  }
0x43: {  	[tilespmem:s31+$0x10] =	vst v62  }
0x44: {  	s16 =	sadd.s32 $0x80, s16;
	s17 =	sadd.s32 $0x400, s17;
	[tilespmem:s31+$0x20] =	vst v63  }
.Ltmp5:
0x45: {  	(pc) =	sbr.rel @p0 .LBB1_3-.Ltmp5, $2  }
0x46: {  	_ =	sdelay $0x2  }
0x47: {  	s16 =	simm.s32 $0x2000;
	p1 =	por $0x0, $0x0  }
.Ltmp6:
0x48: {  	(pc) =	sbr.rel .LBB1_9-.Ltmp6, $4  }
0x49: {  	_ = 	snop  }
0x4a: {  	s12 =	sshll.u32 s12, $0xA  }
0x4b: {  	s12 =	sadd.s32 s4, s12  }
0x4c: {  	[hbm4b:s12+s8] =	stream.linear.scatter [tilespmem:s13], [sflag:$0x2], $0x4000, $0x38;
	[tilespmem:$0x10000] =	vst v63  }
.LBB1_10:
0x4d: {  	_ =	sfence.sel $0x180000  }
0x4e: {  	s2 =	simm.s32 $0x1;
	[bflag:$0x0] =	sbarrier.arrive $0xFFFF  }
0x4f: {  	s31 =	simm.s32 $0x2;
	[sflag:s2] =	ssyncpa.u1 $0x1  }
0x50: {  	[sflag:s31] =	ssyncpa.u1 $0x1  }
0x51: {  	p0 =	sne.s32 s0, $0x0;
	_ =	strace $0x90000047  }
0x52: {  	s0 =	sadd.s32 @!p0 $0x100000, s1;
	[bflag:$0x2] =	sbarrier.arrive $0xFFFF  }
0x53: {  	[sflag:s0] =	ssyncadd.tile.s32 @!p0 $0x1;
	_ =	shalt  }
.Lfunc_end1:
_tile_overlayer_lowered:
.L_overlay_start_2:
0x54: {  	(tag) =	ssettag $0x2  }
0x55: {  	s0 =	rddreg [dreg:$0x0];
	s2 =	stileid.u32  }
0x56: {  	s1 =	rddreg [dreg:$0x1];
	p0 =	sne.s32 s2, $0x0  }
0x57: {  	s3 =	rddreg [dreg:$0x2];
	[bflag:$0x3] =	sbarrier.arrive $0xFFFF;
	s2 =	simm.s32 @!p0 $0x1C01  }
0x58: {  	[timem:s3], [sflag:s2] =	dma.local @!p0 [hbm:s0], s1  }
0x59: {  	s0 =	simm.s32 @!p0 $0x1  }
0x5a: {  	_ =	swait.ge @!p0 [sflag:s0], s1  }
0x5b: {  	s1 =	ssub.s32 @!p0 $0x0, s1;
	[sflag:s0] =	ssyncset.done @!p0 $0x0  }
0x5c: {  	[sflag:s0] =	ssyncadd.s32 @!p0 s1  }
0x5d: {  	[bflag:$0x3] =	sbarrier.arrive $0xFFFF  }
0x5e: {  	_ =	shalt  }

</sc_bundles>
